<compile_context>
chip_gen: v7x
topology: tpu7x:2x2x1
jax: 0.10.2.dev20260603
libtpu: 0.0.44.dev20260713+nightly
codegen_flags: <defaults>
</compile_context>

<pallas_src>
import jax
import jax.numpy as jnp
from jax import lax
from jax.experimental import pallas as pl
from jax.experimental.pallas import tpu as pltpu
from jax.experimental.pallas import tpu_sc as plsc

N = 10000
D_IN = 128
D_HID = 128
D_OUT = 64
E = 320000

NP = 10240
SP = NP // 16
NW = 32
CHUNK = 128
CPW = 80
HCH = CPW // 2
EPW = CHUNK * CPW
EP = EPW * NW

_MESH = plsc.VectorSubcoreMesh(core_axis_name="c", subcore_axis_name="s")


def _deg_body(dstA, dstB, out, idst, ones_v, zer_v, ssem, acc):
    c = lax.axis_index("c")
    s = lax.axis_index("s")
    wid = s * 2 + c

    def fill_ones(j, carry):
        ones_v[pl.ds(j * 16, 16)] = jnp.ones((16,), jnp.float32)
        return carry

    lax.fori_loop(0, CHUNK // 16, fill_ones, 0)

    def fill_zer(j, carry):
        zer_v[pl.ds(j * 16, 16)] = jnp.zeros((16,), jnp.float32)
        return carry

    lax.fori_loop(0, SP // 16, fill_zer, 0)
    pltpu.sync_copy(zer_v, acc.at[pl.ds(s * SP, SP)])
    plsc.subcore_barrier()

    for dstH in (dstA, dstB):
        pltpu.sync_copy(dstH.at[wid], idst)

        def fire(i, carry):
            pltpu.async_copy(ones_v, acc.at[idst.at[i]], ssem, add=True)
            return carry

        lax.fori_loop(0, HCH, fire, 0)

        def drain(i, carry):
            pltpu.make_async_copy(ones_v, acc.at[idst.at[0]], ssem).wait()
            return carry

        lax.fori_loop(0, HCH, drain, 0)
    plsc.subcore_barrier()
    pltpu.sync_copy(acc.at[pl.ds(s * SP, SP)], out.at[c, pl.ds(s * SP, SP)])


_deg_call = pl.kernel(
    _deg_body,
    out_type=jax.ShapeDtypeStruct((2, NP), jnp.float32),
    mesh=_MESH,
    scratch_types=[
        pltpu.VMEM((HCH, CHUNK), jnp.int32),
        pltpu.VMEM((CHUNK,), jnp.float32),
        pltpu.VMEM((SP,), jnp.float32),
        pltpu.SemaphoreType.DMA,
        pltpu.VMEM_SHARED((NP,), jnp.float32),
    ],
)


def _agg_body(hs, srcA, srcB, dstA, dstB, zinit, out, isrc, idst, rows0, rows1,
              gsem0, gsem1, ssem0, ssem1, acc):
    c = lax.axis_index("c")
    s = lax.axis_index("s")
    wid = s * 2 + c
    stripe = pl.ds(s * SP, SP)

    pltpu.sync_copy(srcA.at[wid], isrc)
    pltpu.sync_copy(dstA.at[wid], idst)
    pltpu.async_copy(hs.at[isrc.at[0]], rows0, gsem0)

    @pl.when(c == 0)
    def _():
        pltpu.sync_copy(hs.at[stripe], acc.at[stripe])

    @pl.when(c == 1)
    def _():
        pltpu.sync_copy(zinit.at[stripe], acc.at[stripe])

    plsc.subcore_barrier()

    for h, (srcH, dstH) in enumerate(((srcA, dstA), (srcB, dstB))):
        if h == 1:
            pltpu.sync_copy(srcH.at[wid], isrc)
            pltpu.sync_copy(dstH.at[wid], idst)
            pltpu.async_copy(hs.at[isrc.at[0]], rows0, gsem0)

        def pair(p, carry):
            k = 2 * p
            pltpu.async_copy(hs.at[isrc.at[k + 1]], rows1, gsem1)
            pltpu.make_async_copy(hs.at[isrc.at[k]], rows0, gsem0).wait()
            pltpu.sync_copy(rows0, acc.at[idst.at[k]], add=True)

            @pl.when(p < HCH // 2 - 1)
            def _():
                pltpu.async_copy(hs.at[isrc.at[k + 2]], rows0, gsem0)

            pltpu.make_async_copy(hs.at[isrc.at[k + 1]], rows1, gsem1).wait()
            pltpu.sync_copy(rows1, acc.at[idst.at[k + 1]], add=True)
            return carry

        lax.fori_loop(0, HCH // 2, pair, 0)
    plsc.subcore_barrier()
    pltpu.sync_copy(acc.at[stripe], out.at[c, stripe])


def _make_agg(d, **kw):
    return pl.kernel(
        _agg_body,
        out_type=jax.ShapeDtypeStruct((2, NP, d), jnp.float32),
        mesh=_MESH,
        scratch_types=[
            pltpu.VMEM((HCH, CHUNK), jnp.int32),
            pltpu.VMEM((HCH, CHUNK), jnp.int32),
            pltpu.VMEM((CHUNK, d), jnp.float32),
            pltpu.VMEM((CHUNK, d), jnp.float32),
            pltpu.SemaphoreType.DMA,
            pltpu.SemaphoreType.DMA,
            pltpu.SemaphoreType.DMA,
            pltpu.SemaphoreType.DMA,
            pltpu.VMEM_SHARED((NP, d), jnp.float32),
        ],
        **kw,
    )


_agg128 = _make_agg(D_HID)
_agg64 = _make_agg(
    D_OUT,
    compiler_params=pltpu.CompilerParams(use_tc_tiling_on_sc=False),
)

R = 5120
GRID = NP // R


def _dinv_col(dg_ref):
    return lax.rsqrt(jnp.reshape(dg_ref[...], (dg_ref.shape[1], 1)))


def _tc_first_body(x_ref, w_ref, dg_ref, o_ref):
    y = jnp.dot(x_ref[...], w_ref[...], preferred_element_type=jnp.float32)
    o_ref[...] = y * _dinv_col(dg_ref)


def _tc_mid_body(part_ref, dg_ref, b_ref, w_ref, o_ref):
    dinv = _dinv_col(dg_ref)
    t = (part_ref[0] + part_ref[1]) * dinv + b_ref[...]
    h = jnp.maximum(t, 0.0)
    o_ref[...] = jnp.dot(h, w_ref[...], preferred_element_type=jnp.float32) * dinv


def _tc_fin_body(part_ref, dg_ref, b_ref, o_ref):
    dinv = _dinv_col(dg_ref)
    o_ref[...] = (part_ref[0] + part_ref[1]) * dinv + b_ref[...]


def _row_spec(d):
    return pl.BlockSpec((R, d), lambda i: (i, 0))


def _tc_first(x_p, w, dgr):
    d_in, d_out = w.shape
    return pl.pallas_call(
        _tc_first_body,
        grid=(GRID,),
        in_specs=[
            _row_spec(d_in),
            pl.BlockSpec((d_in, d_out), lambda i: (0, 0)),
            pl.BlockSpec((1, R), lambda i: (0, i)),
        ],
        out_specs=_row_spec(d_out),
        out_shape=jax.ShapeDtypeStruct((NP, d_out), jnp.float32),
    )(x_p, w, dgr)


def _tc_mid(part, dgr, b, w):
    d_in, d_out = w.shape
    return pl.pallas_call(
        _tc_mid_body,
        grid=(GRID,),
        in_specs=[
            pl.BlockSpec((2, R, d_in), lambda i: (0, i, 0)),
            pl.BlockSpec((1, R), lambda i: (0, i)),
            pl.BlockSpec((1, d_in), lambda i: (0, 0)),
            pl.BlockSpec((d_in, d_out), lambda i: (0, 0)),
        ],
        out_specs=_row_spec(d_out),
        out_shape=jax.ShapeDtypeStruct((NP, d_out), jnp.float32),
    )(part, dgr, b, w)


def _tc_fin(part, dgr, b):
    d = part.shape[-1]
    return pl.pallas_call(
        _tc_fin_body,
        grid=(GRID,),
        in_specs=[
            pl.BlockSpec((2, R, d), lambda i: (0, i, 0)),
            pl.BlockSpec((1, R), lambda i: (0, i)),
            pl.BlockSpec((1, D_OUT), lambda i: (0, 0)),
        ],
        out_specs=pl.BlockSpec((R, D_OUT), lambda i: (i, 0)),
        out_shape=jax.ShapeDtypeStruct((NP, D_OUT), jnp.float32),
    )(part, dgr, b)


def kernel(x, edge_index, W1, b1, W2, b2, W3, b3):
    f32 = jnp.float32
    x_p = jnp.zeros((NP, D_IN), f32).at[:N].set(x)
    pad = EP - E
    pad_ar = jnp.arange(pad, dtype=jnp.int32)
    src4 = jnp.concatenate([edge_index[0], pad_ar % N]).reshape(NW, 2, HCH, CHUNK)
    dst4 = jnp.concatenate([edge_index[1], N + (pad_ar % 16)]).reshape(NW, 2, HCH, CHUNK)
    srcA, srcB = src4[:, 0], src4[:, 1]
    dstA, dstB = dst4[:, 0], dst4[:, 1]
    z128 = jnp.zeros((NP, D_HID), f32)
    z64 = jnp.zeros((NP, D_OUT), f32)

    degp = _deg_call(dstA, dstB)
    dgr = (degp[0] + degp[1] + 1.0).reshape(1, NP)

    hs1 = _tc_first(x_p, W1, dgr)
    part1 = _agg128(hs1, srcA, srcB, dstA, dstB, z128)
    hs2 = _tc_mid(part1, dgr, b1.reshape(1, -1), W2)
    part2 = _agg128(hs2, srcA, srcB, dstA, dstB, z128)
    hs3 = _tc_mid(part2, dgr, b2.reshape(1, -1), W3)
    part3 = _agg64(hs3, srcA, srcB, dstA, dstB, z64)
    return _tc_fin(part3, dgr, b3.reshape(1, -1))[:N]

# --- scband reference (transcript-rebuilt; emitter-appended) ---
"""Pipeline reference for scband-gcnnode-classifier-18107582119956 (READ-ONLY COPY).

The authoritative reference and input builder live on the scoring server;
editing this copy changes nothing except your own understanding.
"""

import jax, jax.numpy as jnp
import numpy as np

N_NODES = 10000
N_EDGES = 320000
D_IN = 128
D_HID = 128
D_OUT = 64

def setup_inputs(seed: int = 0) -> dict:
    key = jax.random.key(seed)
    ks = jax.random.split(key, 8)
    x = jax.random.normal(ks[0], (N_NODES, D_IN), dtype=jnp.float32)
    edge_index = jax.random.randint(ks[1], (2, N_EDGES), 0, N_NODES, dtype=jnp.int32)
    s1 = 1.0 / np.sqrt(D_IN)
    s2 = 1.0 / np.sqrt(D_HID)
    W1 = jax.random.uniform(ks[2], (D_IN, D_HID), jnp.float32, -s1, s1)
    b1 = jnp.zeros((D_HID,), jnp.float32)
    W2 = jax.random.uniform(ks[3], (D_HID, D_HID), jnp.float32, -s2, s2)
    b2 = jnp.zeros((D_HID,), jnp.float32)
    W3 = jax.random.uniform(ks[4], (D_HID, D_OUT), jnp.float32, -s2, s2)
    b3 = jnp.zeros((D_OUT,), jnp.float32)
    return {"x": x, "edge_index": edge_index, "W1": W1, "b1": b1, "W2": W2, "b2": b2, "W3": W3, "b3": b3}

def _gcn_conv(x, src, dst, norm, W, b):
    # GCNConv: x' = D^{-1/2} (A + I) D^{-1/2} X W + b
    h = x @ W
    msg = h[src] * norm[:, None]
    out = jax.ops.segment_sum(msg, dst, num_segments=N_NODES)
    return out + b

def reference(x, edge_index, W1, b1, W2, b2, W3, b3):
    # add self-loops
    loops = jnp.arange(N_NODES, dtype=edge_index.dtype)
    src = jnp.concatenate([edge_index[0], loops])
    dst = jnp.concatenate([edge_index[1], loops])
    deg = jax.ops.segment_sum(jnp.ones_like(dst, dtype=jnp.float32), dst, num_segments=N_NODES)
    dinv = jnp.where(deg > 0, jax.lax.rsqrt(deg), 0.0)
    norm = dinv[src] * dinv[dst]
    h = jax.nn.relu(_gcn_conv(x, src, dst, norm, W1, b1))
    # dropout p=0.2 is identity in eval mode
    h = jax.nn.relu(_gcn_conv(h, src, dst, norm, W2, b2))
    out = _gcn_conv(h, src, dst, norm, W3, b3)
    return out

if __name__ == "__main__":
    import jax
    _d = setup_inputs()
    print(jax.jit(kernel)(*tuple(_d.values())))

</pallas_src>

<mosaic_0001>
#map = affine_map<(d0, d1) -> (0, 0)>
#map1 = affine_map<(d0, d1) -> (0, 0, 0)>
module attributes {stable_mosaic.version = 14 : i64} {
  func.func @_agg_body(%arg0: i32, %arg1: i32, %arg2: memref<10240x128xf32, #tpu.memory_space<hbm>>, %arg3: memref<32x40x128xi32, #tpu.memory_space<hbm>>, %arg4: memref<32x40x128xi32, #tpu.memory_space<hbm>>, %arg5: memref<32x40x128xi32, #tpu.memory_space<hbm>>, %arg6: memref<32x40x128xi32, #tpu.memory_space<hbm>>, %arg7: memref<10240x128xf32, #tpu.memory_space<hbm>>, %arg8: memref<2x10240x128xf32, #tpu.memory_space<hbm>>, %arg9: memref<40x128xi32, #tpu.memory_space<vmem>>, %arg10: memref<40x128xi32, #tpu.memory_space<vmem>>, %arg11: memref<128x128xf32, #tpu.memory_space<vmem>>, %arg12: memref<128x128xf32, #tpu.memory_space<vmem>>, %arg13: memref<!tpu.dma_semaphore, #tpu.memory_space<semaphore_mem>>, %arg14: memref<!tpu.dma_semaphore, #tpu.memory_space<semaphore_mem>>, %arg15: memref<!tpu.dma_semaphore, #tpu.memory_space<semaphore_mem>>, %arg16: memref<!tpu.dma_semaphore, #tpu.memory_space<semaphore_mem>>, %arg17: memref<10240x128xf32, #tpu.memory_space<vmem_shared>>) attributes {dimension_semantics = [#tpu.dimension_semantics<core_parallel>, #tpu.dimension_semantics<subcore_parallel>], iteration_bounds = array<i64: 2, 16>, scalar_prefetch = 0 : i64, scratch_operands = 9 : i64, tpu.core_type = #tpu.core_type<sc_vector_subcore>, window_params = [{transform_indices = #map}, {transform_indices = #map1}, {transform_indices = #map1}, {transform_indices = #map1}, {transform_indices = #map1}, {transform_indices = #map}, {transform_indices = #map1}]} {
    %mul3A = arith.constant 2 : i32
    %mul3A_0 = arith.muli %arg1, %mul3A : i32
    %add3A = arith.addi %mul3A_0, %arg0 : i32
    %mul3A_1 = arith.constant 640 : i32
    %mul3A_2 = arith.muli %arg1, %mul3A_1 : i32
    "tpu.region"() ({
      %run_scoped3A = tpu.sem_alloc : memref<!tpu.dma_semaphore, #tpu.memory_space<semaphore_mem>>
      %dma_start3A_35 = arith.constant 0 : i32
      %dma_start3A_36 = arith.constant 0 : i32
      %dma_start3A_37 = tpu.memref_slice %arg3[%add3A, %dma_start3A_35, %dma_start3A_36] : memref<32x40x128xi32, #tpu.memory_space<hbm>> -> memref<1x40x128xi32, #tpu.memory_space<hbm>>
      %dma_start3A_38 = tpu.memref_squeeze %dma_start3A_37 : memref<1x40x128xi32, #tpu.memory_space<hbm>> -> memref<40x128xi32, #tpu.memory_space<hbm>>
      %dma_start3A_39 = arith.constant 0 : i32
      %dma_start3A_40 = arith.constant 0 : i32
      %dma_start3A_41 = tpu.memref_slice %arg3[%add3A, %dma_start3A_39, %dma_start3A_40] : memref<32x40x128xi32, #tpu.memory_space<hbm>> -> memref<1x40x128xi32, #tpu.memory_space<hbm>>
      %dma_start3A_42 = tpu.memref_squeeze %dma_start3A_41 : memref<1x40x128xi32, #tpu.memory_space<hbm>> -> memref<40x128xi32, #tpu.memory_space<hbm>>
      tpu.enqueue_dma source(%dma_start3A_42 : memref<40x128xi32, #tpu.memory_space<hbm>>) target(%arg9 : memref<40x128xi32, #tpu.memory_space<vmem>>) target_semaphore(%run_scoped3A : memref<!tpu.dma_semaphore, #tpu.memory_space<semaphore_mem>>)
      %dma_wait3A = arith.constant 0 : i32
      %dma_wait3A_43 = arith.constant 0 : i32
      %dma_wait3A_44 = tpu.memref_slice %arg3[%add3A, %dma_wait3A, %dma_wait3A_43] : memref<32x40x128xi32, #tpu.memory_space<hbm>> -> memref<1x40x128xi32, #tpu.memory_space<hbm>>
      %dma_wait3A_45 = tpu.memref_squeeze %dma_wait3A_44 : memref<1x40x128xi32, #tpu.memory_space<hbm>> -> memref<40x128xi32, #tpu.memory_space<hbm>>
      %dma_wait3A_46 = arith.constant 0 : i32
      %dma_wait3A_47 = arith.constant 0 : i32
      %dma_wait3A_48 = tpu.memref_slice %arg3[%add3A, %dma_wait3A_46, %dma_wait3A_47] : memref<32x40x128xi32, #tpu.memory_space<hbm>> -> memref<1x40x128xi32, #tpu.memory_space<hbm>>
      %dma_wait3A_49 = tpu.memref_squeeze %dma_wait3A_48 : memref<1x40x128xi32, #tpu.memory_space<hbm>> -> memref<40x128xi32, #tpu.memory_space<hbm>>
      tpu.wait_dma2 semaphore(%run_scoped3A : memref<!tpu.dma_semaphore, #tpu.memory_space<semaphore_mem>>) src(%dma_wait3A_49 : memref<40x128xi32, #tpu.memory_space<hbm>>) dst(%arg9 : memref<40x128xi32, #tpu.memory_space<vmem>>)
      tpu.yield
    }) : () -> ()
    "tpu.region"() ({
      %run_scoped3A = tpu.sem_alloc : memref<!tpu.dma_semaphore, #tpu.memory_space<semaphore_mem>>
      %dma_start3A_35 = arith.constant 0 : i32
      %dma_start3A_36 = arith.constant 0 : i32
      %dma_start3A_37 = tpu.memref_slice %arg5[%add3A, %dma_start3A_35, %dma_start3A_36] : memref<32x40x128xi32, #tpu.memory_space<hbm>> -> memref<1x40x128xi32, #tpu.memory_space<hbm>>
      %dma_start3A_38 = tpu.memref_squeeze %dma_start3A_37 : memref<1x40x128xi32, #tpu.memory_space<hbm>> -> memref<40x128xi32, #tpu.memory_space<hbm>>
      %dma_start3A_39 = arith.constant 0 : i32
      %dma_start3A_40 = arith.constant 0 : i32
      %dma_start3A_41 = tpu.memref_slice %arg5[%add3A, %dma_start3A_39, %dma_start3A_40] : memref<32x40x128xi32, #tpu.memory_space<hbm>> -> memref<1x40x128xi32, #tpu.memory_space<hbm>>
      %dma_start3A_42 = tpu.memref_squeeze %dma_start3A_41 : memref<1x40x128xi32, #tpu.memory_space<hbm>> -> memref<40x128xi32, #tpu.memory_space<hbm>>
      tpu.enqueue_dma source(%dma_start3A_42 : memref<40x128xi32, #tpu.memory_space<hbm>>) target(%arg10 : memref<40x128xi32, #tpu.memory_space<vmem>>) target_semaphore(%run_scoped3A : memref<!tpu.dma_semaphore, #tpu.memory_space<semaphore_mem>>)
      %dma_wait3A = arith.constant 0 : i32
      %dma_wait3A_43 = arith.constant 0 : i32
      %dma_wait3A_44 = tpu.memref_slice %arg5[%add3A, %dma_wait3A, %dma_wait3A_43] : memref<32x40x128xi32, #tpu.memory_space<hbm>> -> memref<1x40x128xi32, #tpu.memory_space<hbm>>
      %dma_wait3A_45 = tpu.memref_squeeze %dma_wait3A_44 : memref<1x40x128xi32, #tpu.memory_space<hbm>> -> memref<40x128xi32, #tpu.memory_space<hbm>>
      %dma_wait3A_46 = arith.constant 0 : i32
      %dma_wait3A_47 = arith.constant 0 : i32
      %dma_wait3A_48 = tpu.memref_slice %arg5[%add3A, %dma_wait3A_46, %dma_wait3A_47] : memref<32x40x128xi32, #tpu.memory_space<hbm>> -> memref<1x40x128xi32, #tpu.memory_space<hbm>>
      %dma_wait3A_49 = tpu.memref_squeeze %dma_wait3A_48 : memref<1x40x128xi32, #tpu.memory_space<hbm>> -> memref<40x128xi32, #tpu.memory_space<hbm>>
      tpu.wait_dma2 semaphore(%run_scoped3A : memref<!tpu.dma_semaphore, #tpu.memory_space<semaphore_mem>>) src(%dma_wait3A_49 : memref<40x128xi32, #tpu.memory_space<hbm>>) dst(%arg10 : memref<40x128xi32, #tpu.memory_space<vmem>>)
      tpu.yield
    }) : () -> ()
    %dma_start3A = arith.constant 0 : i32
    %dma_start3A_3 = arith.constant 0 : i32
    %dma_start3A_4 = tpu.memref_slice %arg9[%dma_start3A, %dma_start3A_3] : memref<40x128xi32, #tpu.memory_space<vmem>> -> memref<1x128xi32, #tpu.memory_space<vmem>>
    %dma_start3A_5 = tpu.memref_squeeze %dma_start3A_4 : memref<1x128xi32, #tpu.memory_space<vmem>> -> memref<128xi32, #tpu.memory_space<vmem>>
    %dma_start3A_6 = arith.constant 0 : i32
    %dma_start3A_7 = arith.constant 0 : i32
    %dma_start3A_8 = tpu.memref_slice %arg2[%dma_start3A_6, %dma_start3A_7] : memref<10240x128xf32, #tpu.memory_space<hbm>> -> memref<10240x128xf32, #tpu.memory_space<hbm>>
    tpu.enqueue_indirect_dma source(%dma_start3A_8 : memref<10240x128xf32, #tpu.memory_space<hbm>>) target(%arg11 : memref<128x128xf32, #tpu.memory_space<vmem>>) offsets(%dma_start3A_5 : memref<128xi32, #tpu.memory_space<vmem>>) semaphore(%arg13 : memref<!tpu.dma_semaphore, #tpu.memory_space<semaphore_mem>>)
    %eq3A = arith.constant 0 : i32
    %eq3A_9 = arith.cmpi eq, %arg0, %eq3A : i32
    %convert_element_type3A = arith.extui %eq3A_9 : i1 to i32
    %cond3A = arith.constant 0 : i32
    %cond3A_10 = arith.cmpi ne, %convert_element_type3A, %cond3A : i32
    scf.if %cond3A_10 {
      "tpu.region"() ({
        %run_scoped3A = tpu.sem_alloc : memref<!tpu.dma_semaphore, #tpu.memory_space<semaphore_mem>>
        %dma_start3A_35 = arith.constant 0 : i32
        %dma_start3A_36 = tpu.memref_slice %arg17[%mul3A_2, %dma_start3A_35] : memref<10240x128xf32, #tpu.memory_space<vmem_shared>> -> memref<640x128xf32, #tpu.memory_space<vmem_shared>>
        %dma_start3A_37 = arith.constant 0 : i32
        %dma_start3A_38 = tpu.memref_slice %arg2[%mul3A_2, %dma_start3A_37] : memref<10240x128xf32, #tpu.memory_space<hbm>> -> memref<640x128xf32, #tpu.memory_space<hbm>>
        tpu.enqueue_dma source(%dma_start3A_38 : memref<640x128xf32, #tpu.memory_space<hbm>>) target(%dma_start3A_36 : memref<640x128xf32, #tpu.memory_space<vmem_shared>>) target_semaphore(%run_scoped3A : memref<!tpu.dma_semaphore, #tpu.memory_space<semaphore_mem>>)
        %dma_wait3A = arith.constant 0 : i32
        %dma_wait3A_39 = tpu.memref_slice %arg17[%mul3A_2, %dma_wait3A] : memref<10240x128xf32, #tpu.memory_space<vmem_shared>> -> memref<640x128xf32, #tpu.memory_space<vmem_shared>>
        %dma_wait3A_40 = arith.constant 0 : i32
        %dma_wait3A_41 = tpu.memref_slice %arg2[%mul3A_2, %dma_wait3A_40] : memref<10240x128xf32, #tpu.memory_space<hbm>> -> memref<640x128xf32, #tpu.memory_space<hbm>>
        tpu.wait_dma2 semaphore(%run_scoped3A : memref<!tpu.dma_semaphore, #tpu.memory_space<semaphore_mem>>) src(%dma_wait3A_41 : memref<640x128xf32, #tpu.memory_space<hbm>>) dst(%dma_wait3A_39 : memref<640x128xf32, #tpu.memory_space<vmem_shared>>)
        tpu.yield
      }) : () -> ()
    } else {
    }
    %eq3A_11 = arith.constant 1 : i32
    %eq3A_12 = arith.cmpi eq, %arg0, %eq3A_11 : i32
    %convert_element_type3A_13 = arith.extui %eq3A_12 : i1 to i32
    %cond3A_14 = arith.constant 0 : i32
    %cond3A_15 = arith.cmpi ne, %convert_element_type3A_13, %cond3A_14 : i32
    scf.if %cond3A_15 {
      "tpu.region"() ({
        %run_scoped3A = tpu.sem_alloc : memref<!tpu.dma_semaphore, #tpu.memory_space<semaphore_mem>>
        %dma_start3A_35 = arith.constant 0 : i32
        %dma_start3A_36 = tpu.memref_slice %arg17[%mul3A_2, %dma_start3A_35] : memref<10240x128xf32, #tpu.memory_space<vmem_shared>> -> memref<640x128xf32, #tpu.memory_space<vmem_shared>>
        %dma_start3A_37 = arith.constant 0 : i32
        %dma_start3A_38 = tpu.memref_slice %arg7[%mul3A_2, %dma_start3A_37] : memref<10240x128xf32, #tpu.memory_space<hbm>> -> memref<640x128xf32, #tpu.memory_space<hbm>>
        tpu.enqueue_dma source(%dma_start3A_38 : memref<640x128xf32, #tpu.memory_space<hbm>>) target(%dma_start3A_36 : memref<640x128xf32, #tpu.memory_space<vmem_shared>>) target_semaphore(%run_scoped3A : memref<!tpu.dma_semaphore, #tpu.memory_space<semaphore_mem>>)
        %dma_wait3A = arith.constant 0 : i32
        %dma_wait3A_39 = tpu.memref_slice %arg17[%mul3A_2, %dma_wait3A] : memref<10240x128xf32, #tpu.memory_space<vmem_shared>> -> memref<640x128xf32, #tpu.memory_space<vmem_shared>>
        %dma_wait3A_40 = arith.constant 0 : i32
        %dma_wait3A_41 = tpu.memref_slice %arg7[%mul3A_2, %dma_wait3A_40] : memref<10240x128xf32, #tpu.memory_space<hbm>> -> memref<640x128xf32, #tpu.memory_space<hbm>>
        tpu.wait_dma2 semaphore(%run_scoped3A : memref<!tpu.dma_semaphore, #tpu.memory_space<semaphore_mem>>) src(%dma_wait3A_41 : memref<640x128xf32, #tpu.memory_space<hbm>>) dst(%dma_wait3A_39 : memref<640x128xf32, #tpu.memory_space<vmem_shared>>)
        tpu.yield
      }) : () -> ()
    } else {
    }
    %barrier3A = arith.constant 0 : index
    tpu.barrier barrier_id(%barrier3A)
    %scan3A = arith.constant 0 : i32
    %scan3A_16 = arith.constant 0 : i32
    %scan3A_17 = arith.constant 20 : i32
    %scan3A_18 = arith.addi %scan3A_16, %scan3A_17 : i32
    %scan3A_19 = arith.constant 1 : i32
    scf.for %scan3A_35 = %scan3A_16 to %scan3A_18 step %scan3A_19  : i32 {
      %mul3A_36 = arith.constant 2 : i32
      %mul3A_37 = arith.muli %mul3A_36, %scan3A_35 : i32
      %add3A_38 = arith.constant 1 : i32
      %add3A_39 = arith.addi %mul3A_37, %add3A_38 : i32
      %dma_start3A_40 = arith.constant 0 : i32
      %dma_start3A_41 = tpu.memref_slice %arg9[%add3A_39, %dma_start3A_40] : memref<40x128xi32, #tpu.memory_space<vmem>> -> memref<1x128xi32, #tpu.memory_space<vmem>>
      %dma_start3A_42 = tpu.memref_squeeze %dma_start3A_41 : memref<1x128xi32, #tpu.memory_space<vmem>> -> memref<128xi32, #tpu.memory_space<vmem>>
      %dma_start3A_43 = arith.constant 0 : i32
      %dma_start3A_44 = arith.constant 0 : i32
      %dma_start3A_45 = tpu.memref_slice %arg2[%dma_start3A_43, %dma_start3A_44] : memref<10240x128xf32, #tpu.memory_space<hbm>> -> memref<10240x128xf32, #tpu.memory_space<hbm>>
      tpu.enqueue_indirect_dma source(%dma_start3A_45 : memref<10240x128xf32, #tpu.memory_space<hbm>>) target(%arg12 : memref<128x128xf32, #tpu.memory_space<vmem>>) offsets(%dma_start3A_42 : memref<128xi32, #tpu.memory_space<vmem>>) semaphore(%arg14 : memref<!tpu.dma_semaphore, #tpu.memory_space<semaphore_mem>>)
      %dma_wait3A = arith.constant 0 : i32
      %dma_wait3A_46 = tpu.memref_slice %arg9[%mul3A_37, %dma_wait3A] : memref<40x128xi32, #tpu.memory_space<vmem>> -> memref<1x128xi32, #tpu.memory_space<vmem>>
      %dma_wait3A_47 = tpu.memref_squeeze %dma_wait3A_46 : memref<1x128xi32, #tpu.memory_space<vmem>> -> memref<128xi32, #tpu.memory_space<vmem>>
      %dma_wait3A_48 = arith.constant 0 : i32
      %dma_wait3A_49 = arith.constant 0 : i32
      %dma_wait3A_50 = tpu.memref_slice %arg2[%dma_wait3A_48, %dma_wait3A_49] : memref<10240x128xf32, #tpu.memory_space<hbm>> -> memref<10240x128xf32, #tpu.memory_space<hbm>>
      tpu.wait_indirect_dma semaphore(%arg13 : memref<!tpu.dma_semaphore, #tpu.memory_space<semaphore_mem>>) src(%dma_wait3A_50 : memref<10240x128xf32, #tpu.memory_space<hbm>>) dst(%arg11 : memref<128x128xf32, #tpu.memory_space<vmem>>)
      "tpu.region"() ({
        %run_scoped3A = tpu.sem_alloc : memref<!tpu.dma_semaphore, #tpu.memory_space<semaphore_mem>>
        %dma_start3A_65 = arith.constant 0 : i32
        %dma_start3A_66 = tpu.memref_slice %arg10[%mul3A_37, %dma_start3A_65] : memref<40x128xi32, #tpu.memory_space<vmem>> -> memref<1x128xi32, #tpu.memory_space<vmem>>
        %dma_start3A_67 = tpu.memref_squeeze %dma_start3A_66 : memref<1x128xi32, #tpu.memory_space<vmem>> -> memref<128xi32, #tpu.memory_space<vmem>>
        %dma_start3A_68 = arith.constant 0 : i32
        %dma_start3A_69 = arith.constant 0 : i32
        %dma_start3A_70 = tpu.memref_slice %arg17[%dma_start3A_68, %dma_start3A_69] : memref<10240x128xf32, #tpu.memory_space<vmem_shared>> -> memref<10240x128xf32, #tpu.memory_space<vmem_shared>>
        tpu.enqueue_indirect_dma source(%arg11 : memref<128x128xf32, #tpu.memory_space<vmem>>) target(%dma_start3A_70 : memref<10240x128xf32, #tpu.memory_space<vmem_shared>>) offsets(%dma_start3A_67 : memref<128xi32, #tpu.memory_space<vmem>>) semaphore(%run_scoped3A : memref<!tpu.dma_semaphore, #tpu.memory_space<semaphore_mem>>) {add = true}
        %dma_wait3A_71 = arith.constant 0 : i32
        %dma_wait3A_72 = tpu.memref_slice %arg10[%mul3A_37, %dma_wait3A_71] : memref<40x128xi32, #tpu.memory_space<vmem>> -> memref<1x128xi32, #tpu.memory_space<vmem>>
        %dma_wait3A_73 = tpu.memref_squeeze %dma_wait3A_72 : memref<1x128xi32, #tpu.memory_space<vmem>> -> memref<128xi32, #tpu.memory_space<vmem>>
        %dma_wait3A_74 = arith.constant 0 : i32
        %dma_wait3A_75 = arith.constant 0 : i32
        %dma_wait3A_76 = tpu.memref_slice %arg17[%dma_wait3A_74, %dma_wait3A_75] : memref<10240x128xf32, #tpu.memory_space<vmem_shared>> -> memref<10240x128xf32, #tpu.memory_space<vmem_shared>>
        tpu.wait_indirect_dma semaphore(%run_scoped3A : memref<!tpu.dma_semaphore, #tpu.memory_space<semaphore_mem>>) src(%arg11 : memref<128x128xf32, #tpu.memory_space<vmem>>) dst(%dma_wait3A_76 : memref<10240x128xf32, #tpu.memory_space<vmem_shared>>)
        tpu.yield
      }) : () -> ()
      %lt3A = arith.constant 19 : i32
      %lt3A_51 = arith.cmpi slt, %scan3A_35, %lt3A : i32
      %convert_element_type3A_52 = arith.extui %lt3A_51 : i1 to i32
      %cond3A_53 = arith.constant 0 : i32
      %cond3A_54 = arith.cmpi ne, %convert_element_type3A_52, %cond3A_53 : i32
      scf.if %cond3A_54 {
        %add3A_65 = arith.constant 2 : i32
        %add3A_66 = arith.addi %mul3A_37, %add3A_65 : i32
        %dma_start3A_67 = arith.constant 0 : i32
        %dma_start3A_68 = tpu.memref_slice %arg9[%add3A_66, %dma_start3A_67] : memref<40x128xi32, #tpu.memory_space<vmem>> -> memref<1x128xi32, #tpu.memory_space<vmem>>
        %dma_start3A_69 = tpu.memref_squeeze %dma_start3A_68 : memref<1x128xi32, #tpu.memory_space<vmem>> -> memref<128xi32, #tpu.memory_space<vmem>>
        %dma_start3A_70 = arith.constant 0 : i32
        %dma_start3A_71 = arith.constant 0 : i32
        %dma_start3A_72 = tpu.memref_slice %arg2[%dma_start3A_70, %dma_start3A_71] : memref<10240x128xf32, #tpu.memory_space<hbm>> -> memref<10240x128xf32, #tpu.memory_space<hbm>>
        tpu.enqueue_indirect_dma source(%dma_start3A_72 : memref<10240x128xf32, #tpu.memory_space<hbm>>) target(%arg11 : memref<128x128xf32, #tpu.memory_space<vmem>>) offsets(%dma_start3A_69 : memref<128xi32, #tpu.memory_space<vmem>>) semaphore(%arg13 : memref<!tpu.dma_semaphore, #tpu.memory_space<semaphore_mem>>)
      } else {
      }
      %add3A_55 = arith.constant 1 : i32
      %add3A_56 = arith.addi %mul3A_37, %add3A_55 : i32
      %dma_wait3A_57 = arith.constant 0 : i32
      %dma_wait3A_58 = tpu.memref_slice %arg9[%add3A_56, %dma_wait3A_57] : memref<40x128xi32, #tpu.memory_space<vmem>> -> memref<1x128xi32, #tpu.memory_space<vmem>>
      %dma_wait3A_59 = tpu.memref_squeeze %dma_wait3A_58 : memref<1x128xi32, #tpu.memory_space<vmem>> -> memref<128xi32, #tpu.memory_space<vmem>>
      %dma_wait3A_60 = arith.constant 0 : i32
      %dma_wait3A_61 = arith.constant 0 : i32
      %dma_wait3A_62 = tpu.memref_slice %arg2[%dma_wait3A_60, %dma_wait3A_61] : memref<10240x128xf32, #tpu.memory_space<hbm>> -> memref<10240x128xf32, #tpu.memory_space<hbm>>
      tpu.wait_indirect_dma semaphore(%arg14 : memref<!tpu.dma_semaphore, #tpu.memory_space<semaphore_mem>>) src(%dma_wait3A_62 : memref<10240x128xf32, #tpu.memory_space<hbm>>) dst(%arg12 : memref<128x128xf32, #tpu.memory_space<vmem>>)
      %add3A_63 = arith.constant 1 : i32
      %add3A_64 = arith.addi %mul3A_37, %add3A_63 : i32
      "tpu.region"() ({
        %run_scoped3A = tpu.sem_alloc : memref<!tpu.dma_semaphore, #tpu.memory_space<semaphore_mem>>
        %dma_start3A_65 = arith.constant 0 : i32
        %dma_start3A_66 = tpu.memref_slice %arg10[%add3A_64, %dma_start3A_65] : memref<40x128xi32, #tpu.memory_space<vmem>> -> memref<1x128xi32, #tpu.memory_space<vmem>>
        %dma_start3A_67 = tpu.memref_squeeze %dma_start3A_66 : memref<1x128xi32, #tpu.memory_space<vmem>> -> memref<128xi32, #tpu.memory_space<vmem>>
        %dma_start3A_68 = arith.constant 0 : i32
        %dma_start3A_69 = arith.constant 0 : i32
        %dma_start3A_70 = tpu.memref_slice %arg17[%dma_start3A_68, %dma_start3A_69] : memref<10240x128xf32, #tpu.memory_space<vmem_shared>> -> memref<10240x128xf32, #tpu.memory_space<vmem_shared>>
        tpu.enqueue_indirect_dma source(%arg12 : memref<128x128xf32, #tpu.memory_space<vmem>>) target(%dma_start3A_70 : memref<10240x128xf32, #tpu.memory_space<vmem_shared>>) offsets(%dma_start3A_67 : memref<128xi32, #tpu.memory_space<vmem>>) semaphore(%run_scoped3A : memref<!tpu.dma_semaphore, #tpu.memory_space<semaphore_mem>>) {add = true}
        %dma_wait3A_71 = arith.constant 0 : i32
        %dma_wait3A_72 = tpu.memref_slice %arg10[%add3A_64, %dma_wait3A_71] : memref<40x128xi32, #tpu.memory_space<vmem>> -> memref<1x128xi32, #tpu.memory_space<vmem>>
        %dma_wait3A_73 = tpu.memref_squeeze %dma_wait3A_72 : memref<1x128xi32, #tpu.memory_space<vmem>> -> memref<128xi32, #tpu.memory_space<vmem>>
        %dma_wait3A_74 = arith.constant 0 : i32
        %dma_wait3A_75 = arith.constant 0 : i32
        %dma_wait3A_76 = tpu.memref_slice %arg17[%dma_wait3A_74, %dma_wait3A_75] : memref<10240x128xf32, #tpu.memory_space<vmem_shared>> -> memref<10240x128xf32, #tpu.memory_space<vmem_shared>>
        tpu.wait_indirect_dma semaphore(%run_scoped3A : memref<!tpu.dma_semaphore, #tpu.memory_space<semaphore_mem>>) src(%arg12 : memref<128x128xf32, #tpu.memory_space<vmem>>) dst(%dma_wait3A_76 : memref<10240x128xf32, #tpu.memory_space<vmem_shared>>)
        tpu.yield
      }) : () -> ()
    }
    %scan3A_20 = arith.constant 20 : i32
    "tpu.region"() ({
      %run_scoped3A = tpu.sem_alloc : memref<!tpu.dma_semaphore, #tpu.memory_space<semaphore_mem>>
      %dma_start3A_35 = arith.constant 0 : i32
      %dma_start3A_36 = arith.constant 0 : i32
      %dma_start3A_37 = tpu.memref_slice %arg4[%add3A, %dma_start3A_35, %dma_start3A_36] : memref<32x40x128xi32, #tpu.memory_space<hbm>> -> memref<1x40x128xi32, #tpu.memory_space<hbm>>
      %dma_start3A_38 = tpu.memref_squeeze %dma_start3A_37 : memref<1x40x128xi32, #tpu.memory_space<hbm>> -> memref<40x128xi32, #tpu.memory_space<hbm>>
      %dma_start3A_39 = arith.constant 0 : i32
      %dma_start3A_40 = arith.constant 0 : i32
      %dma_start3A_41 = tpu.memref_slice %arg4[%add3A, %dma_start3A_39, %dma_start3A_40] : memref<32x40x128xi32, #tpu.memory_space<hbm>> -> memref<1x40x128xi32, #tpu.memory_space<hbm>>
      %dma_start3A_42 = tpu.memref_squeeze %dma_start3A_41 : memref<1x40x128xi32, #tpu.memory_space<hbm>> -> memref<40x128xi32, #tpu.memory_space<hbm>>
      tpu.enqueue_dma source(%dma_start3A_42 : memref<40x128xi32, #tpu.memory_space<hbm>>) target(%arg9 : memref<40x128xi32, #tpu.memory_space<vmem>>) target_semaphore(%run_scoped3A : memref<!tpu.dma_semaphore, #tpu.memory_space<semaphore_mem>>)
      %dma_wait3A = arith.constant 0 : i32
      %dma_wait3A_43 = arith.constant 0 : i32
      %dma_wait3A_44 = tpu.memref_slice %arg4[%add3A, %dma_wait3A, %dma_wait3A_43] : memref<32x40x128xi32, #tpu.memory_space<hbm>> -> memref<1x40x128xi32, #tpu.memory_space<hbm>>
      %dma_wait3A_45 = tpu.memref_squeeze %dma_wait3A_44 : memref<1x40x128xi32, #tpu.memory_space<hbm>> -> memref<40x128xi32, #tpu.memory_space<hbm>>
      %dma_wait3A_46 = arith.constant 0 : i32
      %dma_wait3A_47 = arith.constant 0 : i32
      %dma_wait3A_48 = tpu.memref_slice %arg4[%add3A, %dma_wait3A_46, %dma_wait3A_47] : memref<32x40x128xi32, #tpu.memory_space<hbm>> -> memref<1x40x128xi32, #tpu.memory_space<hbm>>
      %dma_wait3A_49 = tpu.memref_squeeze %dma_wait3A_48 : memref<1x40x128xi32, #tpu.memory_space<hbm>> -> memref<40x128xi32, #tpu.memory_space<hbm>>
      tpu.wait_dma2 semaphore(%run_scoped3A : memref<!tpu.dma_semaphore, #tpu.memory_space<semaphore_mem>>) src(%dma_wait3A_49 : memref<40x128xi32, #tpu.memory_space<hbm>>) dst(%arg9 : memref<40x128xi32, #tpu.memory_space<vmem>>)
      tpu.yield
    }) : () -> ()
    "tpu.region"() ({
      %run_scoped3A = tpu.sem_alloc : memref<!tpu.dma_semaphore, #tpu.memory_space<semaphore_mem>>
      %dma_start3A_35 = arith.constant 0 : i32
      %dma_start3A_36 = arith.constant 0 : i32
      %dma_start3A_37 = tpu.memref_slice %arg6[%add3A, %dma_start3A_35, %dma_start3A_36] : memref<32x40x128xi32, #tpu.memory_space<hbm>> -> memref<1x40x128xi32, #tpu.memory_space<hbm>>
      %dma_start3A_38 = tpu.memref_squeeze %dma_start3A_37 : memref<1x40x128xi32, #tpu.memory_space<hbm>> -> memref<40x128xi32, #tpu.memory_space<hbm>>
      %dma_start3A_39 = arith.constant 0 : i32
      %dma_start3A_40 = arith.constant 0 : i32
      %dma_start3A_41 = tpu.memref_slice %arg6[%add3A, %dma_start3A_39, %dma_start3A_40] : memref<32x40x128xi32, #tpu.memory_space<hbm>> -> memref<1x40x128xi32, #tpu.memory_space<hbm>>
      %dma_start3A_42 = tpu.memref_squeeze %dma_start3A_41 : memref<1x40x128xi32, #tpu.memory_space<hbm>> -> memref<40x128xi32, #tpu.memory_space<hbm>>
      tpu.enqueue_dma source(%dma_start3A_42 : memref<40x128xi32, #tpu.memory_space<hbm>>) target(%arg10 : memref<40x128xi32, #tpu.memory_space<vmem>>) target_semaphore(%run_scoped3A : memref<!tpu.dma_semaphore, #tpu.memory_space<semaphore_mem>>)
      %dma_wait3A = arith.constant 0 : i32
      %dma_wait3A_43 = arith.constant 0 : i32
      %dma_wait3A_44 = tpu.memref_slice %arg6[%add3A, %dma_wait3A, %dma_wait3A_43] : memref<32x40x128xi32, #tpu.memory_space<hbm>> -> memref<1x40x128xi32, #tpu.memory_space<hbm>>
      %dma_wait3A_45 = tpu.memref_squeeze %dma_wait3A_44 : memref<1x40x128xi32, #tpu.memory_space<hbm>> -> memref<40x128xi32, #tpu.memory_space<hbm>>
      %dma_wait3A_46 = arith.constant 0 : i32
      %dma_wait3A_47 = arith.constant 0 : i32
      %dma_wait3A_48 = tpu.memref_slice %arg6[%add3A, %dma_wait3A_46, %dma_wait3A_47] : memref<32x40x128xi32, #tpu.memory_space<hbm>> -> memref<1x40x128xi32, #tpu.memory_space<hbm>>
      %dma_wait3A_49 = tpu.memref_squeeze %dma_wait3A_48 : memref<1x40x128xi32, #tpu.memory_space<hbm>> -> memref<40x128xi32, #tpu.memory_space<hbm>>
      tpu.wait_dma2 semaphore(%run_scoped3A : memref<!tpu.dma_semaphore, #tpu.memory_space<semaphore_mem>>) src(%dma_wait3A_49 : memref<40x128xi32, #tpu.memory_space<hbm>>) dst(%arg10 : memref<40x128xi32, #tpu.memory_space<vmem>>)
      tpu.yield
    }) : () -> ()
    %dma_start3A_21 = arith.constant 0 : i32
    %dma_start3A_22 = arith.constant 0 : i32
    %dma_start3A_23 = tpu.memref_slice %arg9[%dma_start3A_21, %dma_start3A_22] : memref<40x128xi32, #tpu.memory_space<vmem>> -> memref<1x128xi32, #tpu.memory_space<vmem>>
    %dma_start3A_24 = tpu.memref_squeeze %dma_start3A_23 : memref<1x128xi32, #tpu.memory_space<vmem>> -> memref<128xi32, #tpu.memory_space<vmem>>
    %dma_start3A_25 = arith.constant 0 : i32
    %dma_start3A_26 = arith.constant 0 : i32
    %dma_start3A_27 = tpu.memref_slice %arg2[%dma_start3A_25, %dma_start3A_26] : memref<10240x128xf32, #tpu.memory_space<hbm>> -> memref<10240x128xf32, #tpu.memory_space<hbm>>
    tpu.enqueue_indirect_dma source(%dma_start3A_27 : memref<10240x128xf32, #tpu.memory_space<hbm>>) target(%arg11 : memref<128x128xf32, #tpu.memory_space<vmem>>) offsets(%dma_start3A_24 : memref<128xi32, #tpu.memory_space<vmem>>) semaphore(%arg13 : memref<!tpu.dma_semaphore, #tpu.memory_space<semaphore_mem>>)
    %scan3A_28 = arith.constant 0 : i32
    %scan3A_29 = arith.constant 0 : i32
    %scan3A_30 = arith.constant 20 : i32
    %scan3A_31 = arith.addi %scan3A_29, %scan3A_30 : i32
    %scan3A_32 = arith.constant 1 : i32
    scf.for %scan3A_35 = %scan3A_29 to %scan3A_31 step %scan3A_32  : i32 {
      %mul3A_36 = arith.constant 2 : i32
      %mul3A_37 = arith.muli %mul3A_36, %scan3A_35 : i32
      %add3A_38 = arith.constant 1 : i32
      %add3A_39 = arith.addi %mul3A_37, %add3A_38 : i32
      %dma_start3A_40 = arith.constant 0 : i32
      %dma_start3A_41 = tpu.memref_slice %arg9[%add3A_39, %dma_start3A_40] : memref<40x128xi32, #tpu.memory_space<vmem>> -> memref<1x128xi32, #tpu.memory_space<vmem>>
      %dma_start3A_42 = tpu.memref_squeeze %dma_start3A_41 : memref<1x128xi32, #tpu.memory_space<vmem>> -> memref<128xi32, #tpu.memory_space<vmem>>
      %dma_start3A_43 = arith.constant 0 : i32
      %dma_start3A_44 = arith.constant 0 : i32
      %dma_start3A_45 = tpu.memref_slice %arg2[%dma_start3A_43, %dma_start3A_44] : memref<10240x128xf32, #tpu.memory_space<hbm>> -> memref<10240x128xf32, #tpu.memory_space<hbm>>
      tpu.enqueue_indirect_dma source(%dma_start3A_45 : memref<10240x128xf32, #tpu.memory_space<hbm>>) target(%arg12 : memref<128x128xf32, #tpu.memory_space<vmem>>) offsets(%dma_start3A_42 : memref<128xi32, #tpu.memory_space<vmem>>) semaphore(%arg14 : memref<!tpu.dma_semaphore, #tpu.memory_space<semaphore_mem>>)
      %dma_wait3A = arith.constant 0 : i32
      %dma_wait3A_46 = tpu.memref_slice %arg9[%mul3A_37, %dma_wait3A] : memref<40x128xi32, #tpu.memory_space<vmem>> -> memref<1x128xi32, #tpu.memory_space<vmem>>
      %dma_wait3A_47 = tpu.memref_squeeze %dma_wait3A_46 : memref<1x128xi32, #tpu.memory_space<vmem>> -> memref<128xi32, #tpu.memory_space<vmem>>
      %dma_wait3A_48 = arith.constant 0 : i32
      %dma_wait3A_49 = arith.constant 0 : i32
      %dma_wait3A_50 = tpu.memref_slice %arg2[%dma_wait3A_48, %dma_wait3A_49] : memref<10240x128xf32, #tpu.memory_space<hbm>> -> memref<10240x128xf32, #tpu.memory_space<hbm>>
      tpu.wait_indirect_dma semaphore(%arg13 : memref<!tpu.dma_semaphore, #tpu.memory_space<semaphore_mem>>) src(%dma_wait3A_50 : memref<10240x128xf32, #tpu.memory_space<hbm>>) dst(%arg11 : memref<128x128xf32, #tpu.memory_space<vmem>>)
      "tpu.region"() ({
        %run_scoped3A = tpu.sem_alloc : memref<!tpu.dma_semaphore, #tpu.memory_space<semaphore_mem>>
        %dma_start3A_65 = arith.constant 0 : i32
        %dma_start3A_66 = tpu.memref_slice %arg10[%mul3A_37, %dma_start3A_65] : memref<40x128xi32, #tpu.memory_space<vmem>> -> memref<1x128xi32, #tpu.memory_space<vmem>>
        %dma_start3A_67 = tpu.memref_squeeze %dma_start3A_66 : memref<1x128xi32, #tpu.memory_space<vmem>> -> memref<128xi32, #tpu.memory_space<vmem>>
        %dma_start3A_68 = arith.constant 0 : i32
        %dma_start3A_69 = arith.constant 0 : i32
        %dma_start3A_70 = tpu.memref_slice %arg17[%dma_start3A_68, %dma_start3A_69] : memref<10240x128xf32, #tpu.memory_space<vmem_shared>> -> memref<10240x128xf32, #tpu.memory_space<vmem_shared>>
        tpu.enqueue_indirect_dma source(%arg11 : memref<128x128xf32, #tpu.memory_space<vmem>>) target(%dma_start3A_70 : memref<10240x128xf32, #tpu.memory_space<vmem_shared>>) offsets(%dma_start3A_67 : memref<128xi32, #tpu.memory_space<vmem>>) semaphore(%run_scoped3A : memref<!tpu.dma_semaphore, #tpu.memory_space<semaphore_mem>>) {add = true}
        %dma_wait3A_71 = arith.constant 0 : i32
        %dma_wait3A_72 = tpu.memref_slice %arg10[%mul3A_37, %dma_wait3A_71] : memref<40x128xi32, #tpu.memory_space<vmem>> -> memref<1x128xi32, #tpu.memory_space<vmem>>
        %dma_wait3A_73 = tpu.memref_squeeze %dma_wait3A_72 : memref<1x128xi32, #tpu.memory_space<vmem>> -> memref<128xi32, #tpu.memory_space<vmem>>
        %dma_wait3A_74 = arith.constant 0 : i32
        %dma_wait3A_75 = arith.constant 0 : i32
        %dma_wait3A_76 = tpu.memref_slice %arg17[%dma_wait3A_74, %dma_wait3A_75] : memref<10240x128xf32, #tpu.memory_space<vmem_shared>> -> memref<10240x128xf32, #tpu.memory_space<vmem_shared>>
        tpu.wait_indirect_dma semaphore(%run_scoped3A : memref<!tpu.dma_semaphore, #tpu.memory_space<semaphore_mem>>) src(%arg11 : memref<128x128xf32, #tpu.memory_space<vmem>>) dst(%dma_wait3A_76 : memref<10240x128xf32, #tpu.memory_space<vmem_shared>>)
        tpu.yield
      }) : () -> ()
      %lt3A = arith.constant 19 : i32
      %lt3A_51 = arith.cmpi slt, %scan3A_35, %lt3A : i32
      %convert_element_type3A_52 = arith.extui %lt3A_51 : i1 to i32
      %cond3A_53 = arith.constant 0 : i32
      %cond3A_54 = arith.cmpi ne, %convert_element_type3A_52, %cond3A_53 : i32
      scf.if %cond3A_54 {
        %add3A_65 = arith.constant 2 : i32
        %add3A_66 = arith.addi %mul3A_37, %add3A_65 : i32
        %dma_start3A_67 = arith.constant 0 : i32
        %dma_start3A_68 = tpu.memref_slice %arg9[%add3A_66, %dma_start3A_67] : memref<40x128xi32, #tpu.memory_space<vmem>> -> memref<1x128xi32, #tpu.memory_space<vmem>>
        %dma_start3A_69 = tpu.memref_squeeze %dma_start3A_68 : memref<1x128xi32, #tpu.memory_space<vmem>> -> memref<128xi32, #tpu.memory_space<vmem>>
        %dma_start3A_70 = arith.constant 0 : i32
        %dma_start3A_71 = arith.constant 0 : i32
        %dma_start3A_72 = tpu.memref_slice %arg2[%dma_start3A_70, %dma_start3A_71] : memref<10240x128xf32, #tpu.memory_space<hbm>> -> memref<10240x128xf32, #tpu.memory_space<hbm>>
        tpu.enqueue_indirect_dma source(%dma_start3A_72 : memref<10240x128xf32, #tpu.memory_space<hbm>>) target(%arg11 : memref<128x128xf32, #tpu.memory_space<vmem>>) offsets(%dma_start3A_69 : memref<128xi32, #tpu.memory_space<vmem>>) semaphore(%arg13 : memref<!tpu.dma_semaphore, #tpu.memory_space<semaphore_mem>>)
      } else {
      }
      %add3A_55 = arith.constant 1 : i32
      %add3A_56 = arith.addi %mul3A_37, %add3A_55 : i32
      %dma_wait3A_57 = arith.constant 0 : i32
      %dma_wait3A_58 = tpu.memref_slice %arg9[%add3A_56, %dma_wait3A_57] : memref<40x128xi32, #tpu.memory_space<vmem>> -> memref<1x128xi32, #tpu.memory_space<vmem>>
      %dma_wait3A_59 = tpu.memref_squeeze %dma_wait3A_58 : memref<1x128xi32, #tpu.memory_space<vmem>> -> memref<128xi32, #tpu.memory_space<vmem>>
      %dma_wait3A_60 = arith.constant 0 : i32
      %dma_wait3A_61 = arith.constant 0 : i32
      %dma_wait3A_62 = tpu.memref_slice %arg2[%dma_wait3A_60, %dma_wait3A_61] : memref<10240x128xf32, #tpu.memory_space<hbm>> -> memref<10240x128xf32, #tpu.memory_space<hbm>>
      tpu.wait_indirect_dma semaphore(%arg14 : memref<!tpu.dma_semaphore, #tpu.memory_space<semaphore_mem>>) src(%dma_wait3A_62 : memref<10240x128xf32, #tpu.memory_space<hbm>>) dst(%arg12 : memref<128x128xf32, #tpu.memory_space<vmem>>)
      %add3A_63 = arith.constant 1 : i32
      %add3A_64 = arith.addi %mul3A_37, %add3A_63 : i32
      "tpu.region"() ({
        %run_scoped3A = tpu.sem_alloc : memref<!tpu.dma_semaphore, #tpu.memory_space<semaphore_mem>>
        %dma_start3A_65 = arith.constant 0 : i32
        %dma_start3A_66 = tpu.memref_slice %arg10[%add3A_64, %dma_start3A_65] : memref<40x128xi32, #tpu.memory_space<vmem>> -> memref<1x128xi32, #tpu.memory_space<vmem>>
        %dma_start3A_67 = tpu.memref_squeeze %dma_start3A_66 : memref<1x128xi32, #tpu.memory_space<vmem>> -> memref<128xi32, #tpu.memory_space<vmem>>
        %dma_start3A_68 = arith.constant 0 : i32
        %dma_start3A_69 = arith.constant 0 : i32
        %dma_start3A_70 = tpu.memref_slice %arg17[%dma_start3A_68, %dma_start3A_69] : memref<10240x128xf32, #tpu.memory_space<vmem_shared>> -> memref<10240x128xf32, #tpu.memory_space<vmem_shared>>
        tpu.enqueue_indirect_dma source(%arg12 : memref<128x128xf32, #tpu.memory_space<vmem>>) target(%dma_start3A_70 : memref<10240x128xf32, #tpu.memory_space<vmem_shared>>) offsets(%dma_start3A_67 : memref<128xi32, #tpu.memory_space<vmem>>) semaphore(%run_scoped3A : memref<!tpu.dma_semaphore, #tpu.memory_space<semaphore_mem>>) {add = true}
        %dma_wait3A_71 = arith.constant 0 : i32
        %dma_wait3A_72 = tpu.memref_slice %arg10[%add3A_64, %dma_wait3A_71] : memref<40x128xi32, #tpu.memory_space<vmem>> -> memref<1x128xi32, #tpu.memory_space<vmem>>
        %dma_wait3A_73 = tpu.memref_squeeze %dma_wait3A_72 : memref<1x128xi32, #tpu.memory_space<vmem>> -> memref<128xi32, #tpu.memory_space<vmem>>
        %dma_wait3A_74 = arith.constant 0 : i32
        %dma_wait3A_75 = arith.constant 0 : i32
        %dma_wait3A_76 = tpu.memref_slice %arg17[%dma_wait3A_74, %dma_wait3A_75] : memref<10240x128xf32, #tpu.memory_space<vmem_shared>> -> memref<10240x128xf32, #tpu.memory_space<vmem_shared>>
        tpu.wait_indirect_dma semaphore(%run_scoped3A : memref<!tpu.dma_semaphore, #tpu.memory_space<semaphore_mem>>) src(%arg12 : memref<128x128xf32, #tpu.memory_space<vmem>>) dst(%dma_wait3A_76 : memref<10240x128xf32, #tpu.memory_space<vmem_shared>>)
        tpu.yield
      }) : () -> ()
    }
    %scan3A_33 = arith.constant 20 : i32
    %barrier3A_34 = arith.constant 0 : index
    tpu.barrier barrier_id(%barrier3A_34)
    "tpu.region"() ({
      %run_scoped3A = tpu.sem_alloc : memref<!tpu.dma_semaphore, #tpu.memory_space<semaphore_mem>>
      %dma_start3A_35 = arith.constant 0 : i32
      %dma_start3A_36 = tpu.memref_slice %arg8[%arg0, %mul3A_2, %dma_start3A_35] : memref<2x10240x128xf32, #tpu.memory_space<hbm>> -> memref<1x640x128xf32, #tpu.memory_space<hbm>>
      %dma_start3A_37 = tpu.memref_squeeze %dma_start3A_36 : memref<1x640x128xf32, #tpu.memory_space<hbm>> -> memref<640x128xf32, #tpu.memory_space<hbm>>
      %dma_start3A_38 = arith.constant 0 : i32
      %dma_start3A_39 = tpu.memref_slice %arg17[%mul3A_2, %dma_start3A_38] : memref<10240x128xf32, #tpu.memory_space<vmem_shared>> -> memref<640x128xf32, #tpu.memory_space<vmem_shared>>
      tpu.enqueue_dma source(%dma_start3A_39 : memref<640x128xf32, #tpu.memory_space<vmem_shared>>) target(%dma_start3A_37 : memref<640x128xf32, #tpu.memory_space<hbm>>) target_semaphore(%run_scoped3A : memref<!tpu.dma_semaphore, #tpu.memory_space<semaphore_mem>>)
      %dma_wait3A = arith.constant 0 : i32
      %dma_wait3A_40 = tpu.memref_slice %arg8[%arg0, %mul3A_2, %dma_wait3A] : memref<2x10240x128xf32, #tpu.memory_space<hbm>> -> memref<1x640x128xf32, #tpu.memory_space<hbm>>
      %dma_wait3A_41 = tpu.memref_squeeze %dma_wait3A_40 : memref<1x640x128xf32, #tpu.memory_space<hbm>> -> memref<640x128xf32, #tpu.memory_space<hbm>>
      %dma_wait3A_42 = arith.constant 0 : i32
      %dma_wait3A_43 = tpu.memref_slice %arg17[%mul3A_2, %dma_wait3A_42] : memref<10240x128xf32, #tpu.memory_space<vmem_shared>> -> memref<640x128xf32, #tpu.memory_space<vmem_shared>>
      tpu.wait_dma2 semaphore(%run_scoped3A : memref<!tpu.dma_semaphore, #tpu.memory_space<semaphore_mem>>) src(%dma_wait3A_43 : memref<640x128xf32, #tpu.memory_space<vmem_shared>>) dst(%dma_wait3A_41 : memref<640x128xf32, #tpu.memory_space<hbm>>)
      tpu.yield
    }) : () -> ()
    return
  }
}

#map = affine_map<(d0, d1) -> (0, 0, 0)>
#map1 = affine_map<(d0, d1) -> (0, 0)>
module attributes {stable_mosaic.version = 14 : i64} {
  func.func @_deg_body(%arg0: i32, %arg1: i32, %arg2: memref<32x40x128xi32, #tpu.memory_space<hbm>>, %arg3: memref<32x40x128xi32, #tpu.memory_space<hbm>>, %arg4: memref<2x10240xf32, #tpu.memory_space<hbm>>, %arg5: memref<40x128xi32, #tpu.memory_space<vmem>>, %arg6: memref<128xf32, #tpu.memory_space<vmem>>, %arg7: memref<640xf32, #tpu.memory_space<vmem>>, %arg8: memref<!tpu.dma_semaphore, #tpu.memory_space<semaphore_mem>>, %arg9: memref<10240xf32, #tpu.memory_space<vmem_shared>>) attributes {dimension_semantics = [#tpu.dimension_semantics<core_parallel>, #tpu.dimension_semantics<subcore_parallel>], iteration_bounds = array<i64: 2, 16>, scalar_prefetch = 0 : i64, scratch_operands = 5 : i64, tpu.core_type = #tpu.core_type<sc_vector_subcore>, window_params = [{transform_indices = #map}, {transform_indices = #map}, {transform_indices = #map1}]} {
    %mul3A = arith.constant 2 : i32
    %mul3A_0 = arith.muli %arg1, %mul3A : i32
    %add3A = arith.addi %mul3A_0, %arg0 : i32
    %scan3A = arith.constant 0 : i32
    %scan3A_1 = arith.constant 0 : i32
    %scan3A_2 = arith.constant 8 : i32
    %scan3A_3 = arith.addi %scan3A_1, %scan3A_2 : i32
    %scan3A_4 = arith.constant 1 : i32
    scf.for %scan3A_43 = %scan3A_1 to %scan3A_3 step %scan3A_4  : i32 {
      %broadcast_in_dim3A = arith.constant 1.000000e+00 : f32
      %broadcast_in_dim3A_44 = vector.broadcast %broadcast_in_dim3A : f32 to vector<16xf32>
      %mul3A_45 = arith.constant 16 : i32
      %mul3A_46 = arith.muli %scan3A_43, %mul3A_45 : i32
      %swap3A = arith.index_cast %mul3A_46 : i32 to index
      %swap3A_47 = tpu.vector_load %arg6[%swap3A] {strides = array<i32>} : memref<128xf32, #tpu.memory_space<vmem>>, vector<16xf32>,
      %swap3A_48 = vector.shape_cast %swap3A_47 : vector<16xf32> to vector<16xf32>
      %swap3A_49 = vector.shape_cast %broadcast_in_dim3A_44 : vector<16xf32> to vector<16xf32>
      tpu.vector_store %arg6[%swap3A], %swap3A_49 {strides = array<i32>} : memref<128xf32, #tpu.memory_space<vmem>>, vector<16xf32>,
    }
    %scan3A_5 = arith.constant 8 : i32
    %scan3A_6 = arith.constant 0 : i32
    %scan3A_7 = arith.constant 0 : i32
    %scan3A_8 = arith.constant 40 : i32
    %scan3A_9 = arith.addi %scan3A_7, %scan3A_8 : i32
    %scan3A_10 = arith.constant 1 : i32
    scf.for %scan3A_43 = %scan3A_7 to %scan3A_9 step %scan3A_10  : i32 {
      %broadcast_in_dim3A = arith.constant 0.000000e+00 : f32
      %broadcast_in_dim3A_44 = vector.broadcast %broadcast_in_dim3A : f32 to vector<16xf32>
      %mul3A_45 = arith.constant 16 : i32
      %mul3A_46 = arith.muli %scan3A_43, %mul3A_45 : i32
      %swap3A = arith.index_cast %mul3A_46 : i32 to index
      %swap3A_47 = tpu.vector_load %arg7[%swap3A] {strides = array<i32>} : memref<640xf32, #tpu.memory_space<vmem>>, vector<16xf32>,
      %swap3A_48 = vector.shape_cast %swap3A_47 : vector<16xf32> to vector<16xf32>
      %swap3A_49 = vector.shape_cast %broadcast_in_dim3A_44 : vector<16xf32> to vector<16xf32>
      tpu.vector_store %arg7[%swap3A], %swap3A_49 {strides = array<i32>} : memref<640xf32, #tpu.memory_space<vmem>>, vector<16xf32>,
    }
    %scan3A_11 = arith.constant 40 : i32
    %mul3A_12 = arith.constant 640 : i32
    %mul3A_13 = arith.muli %arg1, %mul3A_12 : i32
    "tpu.region"() ({
      %run_scoped3A = tpu.sem_alloc : memref<!tpu.dma_semaphore, #tpu.memory_space<semaphore_mem>>
      %dma_start3A = tpu.memref_slice %arg9[%mul3A_13] : memref<10240xf32, #tpu.memory_space<vmem_shared>> -> memref<640xf32, #tpu.memory_space<vmem_shared>>
      %dma_start3A_43 = tpu.memref_slice %arg9[%mul3A_13] : memref<10240xf32, #tpu.memory_space<vmem_shared>> -> memref<640xf32, #tpu.memory_space<vmem_shared>>
      tpu.enqueue_dma source(%arg7 : memref<640xf32, #tpu.memory_space<vmem>>) target(%dma_start3A_43 : memref<640xf32, #tpu.memory_space<vmem_shared>>) target_semaphore(%run_scoped3A : memref<!tpu.dma_semaphore, #tpu.memory_space<semaphore_mem>>)
      %dma_wait3A = tpu.memref_slice %arg9[%mul3A_13] : memref<10240xf32, #tpu.memory_space<vmem_shared>> -> memref<640xf32, #tpu.memory_space<vmem_shared>>
      %dma_wait3A_44 = tpu.memref_slice %arg9[%mul3A_13] : memref<10240xf32, #tpu.memory_space<vmem_shared>> -> memref<640xf32, #tpu.memory_space<vmem_shared>>
      tpu.wait_dma2 semaphore(%run_scoped3A : memref<!tpu.dma_semaphore, #tpu.memory_space<semaphore_mem>>) src(%arg7 : memref<640xf32, #tpu.memory_space<vmem>>) dst(%dma_wait3A_44 : memref<640xf32, #tpu.memory_space<vmem_shared>>)
      tpu.yield
    }) : () -> ()
    %barrier3A = arith.constant 0 : index
    tpu.barrier barrier_id(%barrier3A)
    "tpu.region"() ({
      %run_scoped3A = tpu.sem_alloc : memref<!tpu.dma_semaphore, #tpu.memory_space<semaphore_mem>>
      %dma_start3A = arith.constant 0 : i32
      %dma_start3A_43 = arith.constant 0 : i32
      %dma_start3A_44 = tpu.memref_slice %arg2[%add3A, %dma_start3A, %dma_start3A_43] : memref<32x40x128xi32, #tpu.memory_space<hbm>> -> memref<1x40x128xi32, #tpu.memory_space<hbm>>
      %dma_start3A_45 = tpu.memref_squeeze %dma_start3A_44 : memref<1x40x128xi32, #tpu.memory_space<hbm>> -> memref<40x128xi32, #tpu.memory_space<hbm>>
      %dma_start3A_46 = arith.constant 0 : i32
      %dma_start3A_47 = arith.constant 0 : i32
      %dma_start3A_48 = tpu.memref_slice %arg2[%add3A, %dma_start3A_46, %dma_start3A_47] : memref<32x40x128xi32, #tpu.memory_space<hbm>> -> memref<1x40x128xi32, #tpu.memory_space<hbm>>
      %dma_start3A_49 = tpu.memref_squeeze %dma_start3A_48 : memref<1x40x128xi32, #tpu.memory_space<hbm>> -> memref<40x128xi32, #tpu.memory_space<hbm>>
      tpu.enqueue_dma source(%dma_start3A_49 : memref<40x128xi32, #tpu.memory_space<hbm>>) target(%arg5 : memref<40x128xi32, #tpu.memory_space<vmem>>) target_semaphore(%run_scoped3A : memref<!tpu.dma_semaphore, #tpu.memory_space<semaphore_mem>>)
      %dma_wait3A = arith.constant 0 : i32
      %dma_wait3A_50 = arith.constant 0 : i32
      %dma_wait3A_51 = tpu.memref_slice %arg2[%add3A, %dma_wait3A, %dma_wait3A_50] : memref<32x40x128xi32, #tpu.memory_space<hbm>> -> memref<1x40x128xi32, #tpu.memory_space<hbm>>
      %dma_wait3A_52 = tpu.memref_squeeze %dma_wait3A_51 : memref<1x40x128xi32, #tpu.memory_space<hbm>> -> memref<40x128xi32, #tpu.memory_space<hbm>>
      %dma_wait3A_53 = arith.constant 0 : i32
      %dma_wait3A_54 = arith.constant 0 : i32
      %dma_wait3A_55 = tpu.memref_slice %arg2[%add3A, %dma_wait3A_53, %dma_wait3A_54] : memref<32x40x128xi32, #tpu.memory_space<hbm>> -> memref<1x40x128xi32, #tpu.memory_space<hbm>>
      %dma_wait3A_56 = tpu.memref_squeeze %dma_wait3A_55 : memref<1x40x128xi32, #tpu.memory_space<hbm>> -> memref<40x128xi32, #tpu.memory_space<hbm>>
      tpu.wait_dma2 semaphore(%run_scoped3A : memref<!tpu.dma_semaphore, #tpu.memory_space<semaphore_mem>>) src(%dma_wait3A_56 : memref<40x128xi32, #tpu.memory_space<hbm>>) dst(%arg5 : memref<40x128xi32, #tpu.memory_space<vmem>>)
      tpu.yield
    }) : () -> ()
    %scan3A_14 = arith.constant 0 : i32
    %scan3A_15 = arith.constant 0 : i32
    %scan3A_16 = arith.constant 40 : i32
    %scan3A_17 = arith.addi %scan3A_15, %scan3A_16 : i32
    %scan3A_18 = arith.constant 1 : i32
    scf.for %scan3A_43 = %scan3A_15 to %scan3A_17 step %scan3A_18  : i32 {
      %dma_start3A = arith.constant 0 : i32
      %dma_start3A_44 = tpu.memref_slice %arg5[%scan3A_43, %dma_start3A] : memref<40x128xi32, #tpu.memory_space<vmem>> -> memref<1x128xi32, #tpu.memory_space<vmem>>
      %dma_start3A_45 = tpu.memref_squeeze %dma_start3A_44 : memref<1x128xi32, #tpu.memory_space<vmem>> -> memref<128xi32, #tpu.memory_space<vmem>>
      %dma_start3A_46 = arith.constant 0 : i32
      %dma_start3A_47 = tpu.memref_slice %arg9[%dma_start3A_46] : memref<10240xf32, #tpu.memory_space<vmem_shared>> -> memref<10240xf32, #tpu.memory_space<vmem_shared>>
      tpu.enqueue_indirect_dma source(%arg6 : memref<128xf32, #tpu.memory_space<vmem>>) target(%dma_start3A_47 : memref<10240xf32, #tpu.memory_space<vmem_shared>>) offsets(%dma_start3A_45 : memref<128xi32, #tpu.memory_space<vmem>>) semaphore(%arg8 : memref<!tpu.dma_semaphore, #tpu.memory_space<semaphore_mem>>) {add = true}
    }
    %scan3A_19 = arith.constant 40 : i32
    %scan3A_20 = arith.constant 0 : i32
    %scan3A_21 = arith.constant 0 : i32
    %scan3A_22 = arith.constant 40 : i32
    %scan3A_23 = arith.addi %scan3A_21, %scan3A_22 : i32
    %scan3A_24 = arith.constant 1 : i32
    scf.for %scan3A_43 = %scan3A_21 to %scan3A_23 step %scan3A_24  : i32 {
      %dma_wait3A = arith.constant 0 : i32
      %dma_wait3A_44 = arith.constant 0 : i32
      %dma_wait3A_45 = tpu.memref_slice %arg5[%dma_wait3A, %dma_wait3A_44] : memref<40x128xi32, #tpu.memory_space<vmem>> -> memref<1x128xi32, #tpu.memory_space<vmem>>
      %dma_wait3A_46 = tpu.memref_squeeze %dma_wait3A_45 : memref<1x128xi32, #tpu.memory_space<vmem>> -> memref<128xi32, #tpu.memory_space<vmem>>
      %dma_wait3A_47 = arith.constant 0 : i32
      %dma_wait3A_48 = tpu.memref_slice %arg9[%dma_wait3A_47] : memref<10240xf32, #tpu.memory_space<vmem_shared>> -> memref<10240xf32, #tpu.memory_space<vmem_shared>>
      tpu.wait_indirect_dma semaphore(%arg8 : memref<!tpu.dma_semaphore, #tpu.memory_space<semaphore_mem>>) src(%arg6 : memref<128xf32, #tpu.memory_space<vmem>>) dst(%dma_wait3A_48 : memref<10240xf32, #tpu.memory_space<vmem_shared>>)
    }
    %scan3A_25 = arith.constant 40 : i32
    "tpu.region"() ({
      %run_scoped3A = tpu.sem_alloc : memref<!tpu.dma_semaphore, #tpu.memory_space<semaphore_mem>>
      %dma_start3A = arith.constant 0 : i32
      %dma_start3A_43 = arith.constant 0 : i32
      %dma_start3A_44 = tpu.memref_slice %arg3[%add3A, %dma_start3A, %dma_start3A_43] : memref<32x40x128xi32, #tpu.memory_space<hbm>> -> memref<1x40x128xi32, #tpu.memory_space<hbm>>
      %dma_start3A_45 = tpu.memref_squeeze %dma_start3A_44 : memref<1x40x128xi32, #tpu.memory_space<hbm>> -> memref<40x128xi32, #tpu.memory_space<hbm>>
      %dma_start3A_46 = arith.constant 0 : i32
      %dma_start3A_47 = arith.constant 0 : i32
      %dma_start3A_48 = tpu.memref_slice %arg3[%add3A, %dma_start3A_46, %dma_start3A_47] : memref<32x40x128xi32, #tpu.memory_space<hbm>> -> memref<1x40x128xi32, #tpu.memory_space<hbm>>
      %dma_start3A_49 = tpu.memref_squeeze %dma_start3A_48 : memref<1x40x128xi32, #tpu.memory_space<hbm>> -> memref<40x128xi32, #tpu.memory_space<hbm>>
      tpu.enqueue_dma source(%dma_start3A_49 : memref<40x128xi32, #tpu.memory_space<hbm>>) target(%arg5 : memref<40x128xi32, #tpu.memory_space<vmem>>) target_semaphore(%run_scoped3A : memref<!tpu.dma_semaphore, #tpu.memory_space<semaphore_mem>>)
      %dma_wait3A = arith.constant 0 : i32
      %dma_wait3A_50 = arith.constant 0 : i32
      %dma_wait3A_51 = tpu.memref_slice %arg3[%add3A, %dma_wait3A, %dma_wait3A_50] : memref<32x40x128xi32, #tpu.memory_space<hbm>> -> memref<1x40x128xi32, #tpu.memory_space<hbm>>
      %dma_wait3A_52 = tpu.memref_squeeze %dma_wait3A_51 : memref<1x40x128xi32, #tpu.memory_space<hbm>> -> memref<40x128xi32, #tpu.memory_space<hbm>>
      %dma_wait3A_53 = arith.constant 0 : i32
      %dma_wait3A_54 = arith.constant 0 : i32
      %dma_wait3A_55 = tpu.memref_slice %arg3[%add3A, %dma_wait3A_53, %dma_wait3A_54] : memref<32x40x128xi32, #tpu.memory_space<hbm>> -> memref<1x40x128xi32, #tpu.memory_space<hbm>>
      %dma_wait3A_56 = tpu.memref_squeeze %dma_wait3A_55 : memref<1x40x128xi32, #tpu.memory_space<hbm>> -> memref<40x128xi32, #tpu.memory_space<hbm>>
      tpu.wait_dma2 semaphore(%run_scoped3A : memref<!tpu.dma_semaphore, #tpu.memory_space<semaphore_mem>>) src(%dma_wait3A_56 : memref<40x128xi32, #tpu.memory_space<hbm>>) dst(%arg5 : memref<40x128xi32, #tpu.memory_space<vmem>>)
      tpu.yield
    }) : () -> ()
    %scan3A_26 = arith.constant 0 : i32
    %scan3A_27 = arith.constant 0 : i32
    %scan3A_28 = arith.constant 40 : i32
    %scan3A_29 = arith.addi %scan3A_27, %scan3A_28 : i32
    %scan3A_30 = arith.constant 1 : i32
    scf.for %scan3A_43 = %scan3A_27 to %scan3A_29 step %scan3A_30  : i32 {
      %dma_start3A = arith.constant 0 : i32
      %dma_start3A_44 = tpu.memref_slice %arg5[%scan3A_43, %dma_start3A] : memref<40x128xi32, #tpu.memory_space<vmem>> -> memref<1x128xi32, #tpu.memory_space<vmem>>
      %dma_start3A_45 = tpu.memref_squeeze %dma_start3A_44 : memref<1x128xi32, #tpu.memory_space<vmem>> -> memref<128xi32, #tpu.memory_space<vmem>>
      %dma_start3A_46 = arith.constant 0 : i32
      %dma_start3A_47 = tpu.memref_slice %arg9[%dma_start3A_46] : memref<10240xf32, #tpu.memory_space<vmem_shared>> -> memref<10240xf32, #tpu.memory_space<vmem_shared>>
      tpu.enqueue_indirect_dma source(%arg6 : memref<128xf32, #tpu.memory_space<vmem>>) target(%dma_start3A_47 : memref<10240xf32, #tpu.memory_space<vmem_shared>>) offsets(%dma_start3A_45 : memref<128xi32, #tpu.memory_space<vmem>>) semaphore(%arg8 : memref<!tpu.dma_semaphore, #tpu.memory_space<semaphore_mem>>) {add = true}
    }
    %scan3A_31 = arith.constant 40 : i32
    %scan3A_32 = arith.constant 0 : i32
    %scan3A_33 = arith.constant 0 : i32
    %scan3A_34 = arith.constant 40 : i32
    %scan3A_35 = arith.addi %scan3A_33, %scan3A_34 : i32
    %scan3A_36 = arith.constant 1 : i32
    scf.for %scan3A_43 = %scan3A_33 to %scan3A_35 step %scan3A_36  : i32 {
      %dma_wait3A = arith.constant 0 : i32
      %dma_wait3A_44 = arith.constant 0 : i32
      %dma_wait3A_45 = tpu.memref_slice %arg5[%dma_wait3A, %dma_wait3A_44] : memref<40x128xi32, #tpu.memory_space<vmem>> -> memref<1x128xi32, #tpu.memory_space<vmem>>
      %dma_wait3A_46 = tpu.memref_squeeze %dma_wait3A_45 : memref<1x128xi32, #tpu.memory_space<vmem>> -> memref<128xi32, #tpu.memory_space<vmem>>
      %dma_wait3A_47 = arith.constant 0 : i32
      %dma_wait3A_48 = tpu.memref_slice %arg9[%dma_wait3A_47] : memref<10240xf32, #tpu.memory_space<vmem_shared>> -> memref<10240xf32, #tpu.memory_space<vmem_shared>>
      tpu.wait_indirect_dma semaphore(%arg8 : memref<!tpu.dma_semaphore, #tpu.memory_space<semaphore_mem>>) src(%arg6 : memref<128xf32, #tpu.memory_space<vmem>>) dst(%dma_wait3A_48 : memref<10240xf32, #tpu.memory_space<vmem_shared>>)
    }
    %scan3A_37 = arith.constant 40 : i32
    %barrier3A_38 = arith.constant 0 : index
    tpu.barrier barrier_id(%barrier3A_38)
    %mul3A_39 = arith.constant 640 : i32
    %mul3A_40 = arith.muli %arg1, %mul3A_39 : i32
    %mul3A_41 = arith.constant 640 : i32
    %mul3A_42 = arith.muli %arg1, %mul3A_41 : i32
    "tpu.region"() ({
      %run_scoped3A = tpu.sem_alloc : memref<!tpu.dma_semaphore, #tpu.memory_space<semaphore_mem>>
      %dma_start3A = tpu.memref_slice %arg4[%arg0, %mul3A_42] : memref<2x10240xf32, #tpu.memory_space<hbm>> -> memref<1x640xf32, #tpu.memory_space<hbm>>
      %dma_start3A_43 = tpu.memref_squeeze %dma_start3A : memref<1x640xf32, #tpu.memory_space<hbm>> -> memref<640xf32, #tpu.memory_space<hbm>>
      %dma_start3A_44 = tpu.memref_slice %arg9[%mul3A_40] : memref<10240xf32, #tpu.memory_space<vmem_shared>> -> memref<640xf32, #tpu.memory_space<vmem_shared>>
      tpu.enqueue_dma source(%dma_start3A_44 : memref<640xf32, #tpu.memory_space<vmem_shared>>) target(%dma_start3A_43 : memref<640xf32, #tpu.memory_space<hbm>>) target_semaphore(%run_scoped3A : memref<!tpu.dma_semaphore, #tpu.memory_space<semaphore_mem>>)
      %dma_wait3A = tpu.memref_slice %arg4[%arg0, %mul3A_42] : memref<2x10240xf32, #tpu.memory_space<hbm>> -> memref<1x640xf32, #tpu.memory_space<hbm>>
      %dma_wait3A_45 = tpu.memref_squeeze %dma_wait3A : memref<1x640xf32, #tpu.memory_space<hbm>> -> memref<640xf32, #tpu.memory_space<hbm>>
      %dma_wait3A_46 = tpu.memref_slice %arg9[%mul3A_40] : memref<10240xf32, #tpu.memory_space<vmem_shared>> -> memref<640xf32, #tpu.memory_space<vmem_shared>>
      tpu.wait_dma2 semaphore(%run_scoped3A : memref<!tpu.dma_semaphore, #tpu.memory_space<semaphore_mem>>) src(%dma_wait3A_46 : memref<640xf32, #tpu.memory_space<vmem_shared>>) dst(%dma_wait3A_45 : memref<640xf32, #tpu.memory_space<hbm>>)
      tpu.yield
    }) : () -> ()
    return
  }
}

#map = affine_map<(d0, d1) -> (0, 0)>
#map1 = affine_map<(d0, d1) -> (0, 0, 0)>
module attributes {stable_mosaic.version = 14 : i64} {
  func.func @_agg_body(%arg0: i32, %arg1: i32, %arg2: memref<10240x128xf32, #tpu.memory_space<hbm>>, %arg3: memref<32x40x128xi32, #tpu.memory_space<hbm>>, %arg4: memref<32x40x128xi32, #tpu.memory_space<hbm>>, %arg5: memref<32x40x128xi32, #tpu.memory_space<hbm>>, %arg6: memref<32x40x128xi32, #tpu.memory_space<hbm>>, %arg7: memref<10240x128xf32, #tpu.memory_space<hbm>>, %arg8: memref<2x10240x128xf32, #tpu.memory_space<hbm>>, %arg9: memref<40x128xi32, #tpu.memory_space<vmem>>, %arg10: memref<40x128xi32, #tpu.memory_space<vmem>>, %arg11: memref<128x128xf32, #tpu.memory_space<vmem>>, %arg12: memref<128x128xf32, #tpu.memory_space<vmem>>, %arg13: memref<!tpu.dma_semaphore, #tpu.memory_space<semaphore_mem>>, %arg14: memref<!tpu.dma_semaphore, #tpu.memory_space<semaphore_mem>>, %arg15: memref<!tpu.dma_semaphore, #tpu.memory_space<semaphore_mem>>, %arg16: memref<!tpu.dma_semaphore, #tpu.memory_space<semaphore_mem>>, %arg17: memref<10240x128xf32, #tpu.memory_space<vmem_shared>>) attributes {dimension_semantics = [#tpu.dimension_semantics<core_parallel>, #tpu.dimension_semantics<subcore_parallel>], iteration_bounds = array<i64: 2, 16>, scalar_prefetch = 0 : i64, scratch_operands = 9 : i64, tpu.core_type = #tpu.core_type<sc_vector_subcore>, window_params = [{transform_indices = #map}, {transform_indices = #map1}, {transform_indices = #map1}, {transform_indices = #map1}, {transform_indices = #map1}, {transform_indices = #map}, {transform_indices = #map1}]} {
    %mul3A = arith.constant 2 : i32
    %mul3A_0 = arith.muli %arg1, %mul3A : i32
    %add3A = arith.addi %mul3A_0, %arg0 : i32
    %mul3A_1 = arith.constant 640 : i32
    %mul3A_2 = arith.muli %arg1, %mul3A_1 : i32
    "tpu.region"() ({
      %run_scoped3A = tpu.sem_alloc : memref<!tpu.dma_semaphore, #tpu.memory_space<semaphore_mem>>
      %dma_start3A_35 = arith.constant 0 : i32
      %dma_start3A_36 = arith.constant 0 : i32
      %dma_start3A_37 = tpu.memref_slice %arg3[%add3A, %dma_start3A_35, %dma_start3A_36] : memref<32x40x128xi32, #tpu.memory_space<hbm>> -> memref<1x40x128xi32, #tpu.memory_space<hbm>>
      %dma_start3A_38 = tpu.memref_squeeze %dma_start3A_37 : memref<1x40x128xi32, #tpu.memory_space<hbm>> -> memref<40x128xi32, #tpu.memory_space<hbm>>
      %dma_start3A_39 = arith.constant 0 : i32
      %dma_start3A_40 = arith.constant 0 : i32
      %dma_start3A_41 = tpu.memref_slice %arg3[%add3A, %dma_start3A_39, %dma_start3A_40] : memref<32x40x128xi32, #tpu.memory_space<hbm>> -> memref<1x40x128xi32, #tpu.memory_space<hbm>>
      %dma_start3A_42 = tpu.memref_squeeze %dma_start3A_41 : memref<1x40x128xi32, #tpu.memory_space<hbm>> -> memref<40x128xi32, #tpu.memory_space<hbm>>
      tpu.enqueue_dma source(%dma_start3A_42 : memref<40x128xi32, #tpu.memory_space<hbm>>) target(%arg9 : memref<40x128xi32, #tpu.memory_space<vmem>>) target_semaphore(%run_scoped3A : memref<!tpu.dma_semaphore, #tpu.memory_space<semaphore_mem>>)
      %dma_wait3A = arith.constant 0 : i32
      %dma_wait3A_43 = arith.constant 0 : i32
      %dma_wait3A_44 = tpu.memref_slice %arg3[%add3A, %dma_wait3A, %dma_wait3A_43] : memref<32x40x128xi32, #tpu.memory_space<hbm>> -> memref<1x40x128xi32, #tpu.memory_space<hbm>>
      %dma_wait3A_45 = tpu.memref_squeeze %dma_wait3A_44 : memref<1x40x128xi32, #tpu.memory_space<hbm>> -> memref<40x128xi32, #tpu.memory_space<hbm>>
      %dma_wait3A_46 = arith.constant 0 : i32
      %dma_wait3A_47 = arith.constant 0 : i32
      %dma_wait3A_48 = tpu.memref_slice %arg3[%add3A, %dma_wait3A_46, %dma_wait3A_47] : memref<32x40x128xi32, #tpu.memory_space<hbm>> -> memref<1x40x128xi32, #tpu.memory_space<hbm>>
      %dma_wait3A_49 = tpu.memref_squeeze %dma_wait3A_48 : memref<1x40x128xi32, #tpu.memory_space<hbm>> -> memref<40x128xi32, #tpu.memory_space<hbm>>
      tpu.wait_dma2 semaphore(%run_scoped3A : memref<!tpu.dma_semaphore, #tpu.memory_space<semaphore_mem>>) src(%dma_wait3A_49 : memref<40x128xi32, #tpu.memory_space<hbm>>) dst(%arg9 : memref<40x128xi32, #tpu.memory_space<vmem>>)
      tpu.yield
    }) : () -> ()
    "tpu.region"() ({
      %run_scoped3A = tpu.sem_alloc : memref<!tpu.dma_semaphore, #tpu.memory_space<semaphore_mem>>
      %dma_start3A_35 = arith.constant 0 : i32
      %dma_start3A_36 = arith.constant 0 : i32
      %dma_start3A_37 = tpu.memref_slice %arg5[%add3A, %dma_start3A_35, %dma_start3A_36] : memref<32x40x128xi32, #tpu.memory_space<hbm>> -> memref<1x40x128xi32, #tpu.memory_space<hbm>>
      %dma_start3A_38 = tpu.memref_squeeze %dma_start3A_37 : memref<1x40x128xi32, #tpu.memory_space<hbm>> -> memref<40x128xi32, #tpu.memory_space<hbm>>
      %dma_start3A_39 = arith.constant 0 : i32
      %dma_start3A_40 = arith.constant 0 : i32
      %dma_start3A_41 = tpu.memref_slice %arg5[%add3A, %dma_start3A_39, %dma_start3A_40] : memref<32x40x128xi32, #tpu.memory_space<hbm>> -> memref<1x40x128xi32, #tpu.memory_space<hbm>>
      %dma_start3A_42 = tpu.memref_squeeze %dma_start3A_41 : memref<1x40x128xi32, #tpu.memory_space<hbm>> -> memref<40x128xi32, #tpu.memory_space<hbm>>
      tpu.enqueue_dma source(%dma_start3A_42 : memref<40x128xi32, #tpu.memory_space<hbm>>) target(%arg10 : memref<40x128xi32, #tpu.memory_space<vmem>>) target_semaphore(%run_scoped3A : memref<!tpu.dma_semaphore, #tpu.memory_space<semaphore_mem>>)
      %dma_wait3A = arith.constant 0 : i32
      %dma_wait3A_43 = arith.constant 0 : i32
      %dma_wait3A_44 = tpu.memref_slice %arg5[%add3A, %dma_wait3A, %dma_wait3A_43] : memref<32x40x128xi32, #tpu.memory_space<hbm>> -> memref<1x40x128xi32, #tpu.memory_space<hbm>>
      %dma_wait3A_45 = tpu.memref_squeeze %dma_wait3A_44 : memref<1x40x128xi32, #tpu.memory_space<hbm>> -> memref<40x128xi32, #tpu.memory_space<hbm>>
      %dma_wait3A_46 = arith.constant 0 : i32
      %dma_wait3A_47 = arith.constant 0 : i32
      %dma_wait3A_48 = tpu.memref_slice %arg5[%add3A, %dma_wait3A_46, %dma_wait3A_47] : memref<32x40x128xi32, #tpu.memory_space<hbm>> -> memref<1x40x128xi32, #tpu.memory_space<hbm>>
      %dma_wait3A_49 = tpu.memref_squeeze %dma_wait3A_48 : memref<1x40x128xi32, #tpu.memory_space<hbm>> -> memref<40x128xi32, #tpu.memory_space<hbm>>
      tpu.wait_dma2 semaphore(%run_scoped3A : memref<!tpu.dma_semaphore, #tpu.memory_space<semaphore_mem>>) src(%dma_wait3A_49 : memref<40x128xi32, #tpu.memory_space<hbm>>) dst(%arg10 : memref<40x128xi32, #tpu.memory_space<vmem>>)
      tpu.yield
    }) : () -> ()
    %dma_start3A = arith.constant 0 : i32
    %dma_start3A_3 = arith.constant 0 : i32
    %dma_start3A_4 = tpu.memref_slice %arg9[%dma_start3A, %dma_start3A_3] : memref<40x128xi32, #tpu.memory_space<vmem>> -> memref<1x128xi32, #tpu.memory_space<vmem>>
    %dma_start3A_5 = tpu.memref_squeeze %dma_start3A_4 : memref<1x128xi32, #tpu.memory_space<vmem>> -> memref<128xi32, #tpu.memory_space<vmem>>
    %dma_start3A_6 = arith.constant 0 : i32
    %dma_start3A_7 = arith.constant 0 : i32
    %dma_start3A_8 = tpu.memref_slice %arg2[%dma_start3A_6, %dma_start3A_7] : memref<10240x128xf32, #tpu.memory_space<hbm>> -> memref<10240x128xf32, #tpu.memory_space<hbm>>
    tpu.enqueue_indirect_dma source(%dma_start3A_8 : memref<10240x128xf32, #tpu.memory_space<hbm>>) target(%arg11 : memref<128x128xf32, #tpu.memory_space<vmem>>) offsets(%dma_start3A_5 : memref<128xi32, #tpu.memory_space<vmem>>) semaphore(%arg13 : memref<!tpu.dma_semaphore, #tpu.memory_space<semaphore_mem>>)
    %eq3A = arith.constant 0 : i32
    %eq3A_9 = arith.cmpi eq, %arg0, %eq3A : i32
    %convert_element_type3A = arith.extui %eq3A_9 : i1 to i32
    %cond3A = arith.constant 0 : i32
    %cond3A_10 = arith.cmpi ne, %convert_element_type3A, %cond3A : i32
    scf.if %cond3A_10 {
      "tpu.region"() ({
        %run_scoped3A = tpu.sem_alloc : memref<!tpu.dma_semaphore, #tpu.memory_space<semaphore_mem>>
        %dma_start3A_35 = arith.constant 0 : i32
        %dma_start3A_36 = tpu.memref_slice %arg17[%mul3A_2, %dma_start3A_35] : memref<10240x128xf32, #tpu.memory_space<vmem_shared>> -> memref<640x128xf32, #tpu.memory_space<vmem_shared>>
        %dma_start3A_37 = arith.constant 0 : i32
        %dma_start3A_38 = tpu.memref_slice %arg2[%mul3A_2, %dma_start3A_37] : memref<10240x128xf32, #tpu.memory_space<hbm>> -> memref<640x128xf32, #tpu.memory_space<hbm>>
        tpu.enqueue_dma source(%dma_start3A_38 : memref<640x128xf32, #tpu.memory_space<hbm>>) target(%dma_start3A_36 : memref<640x128xf32, #tpu.memory_space<vmem_shared>>) target_semaphore(%run_scoped3A : memref<!tpu.dma_semaphore, #tpu.memory_space<semaphore_mem>>)
        %dma_wait3A = arith.constant 0 : i32
        %dma_wait3A_39 = tpu.memref_slice %arg17[%mul3A_2, %dma_wait3A] : memref<10240x128xf32, #tpu.memory_space<vmem_shared>> -> memref<640x128xf32, #tpu.memory_space<vmem_shared>>
        %dma_wait3A_40 = arith.constant 0 : i32
        %dma_wait3A_41 = tpu.memref_slice %arg2[%mul3A_2, %dma_wait3A_40] : memref<10240x128xf32, #tpu.memory_space<hbm>> -> memref<640x128xf32, #tpu.memory_space<hbm>>
        tpu.wait_dma2 semaphore(%run_scoped3A : memref<!tpu.dma_semaphore, #tpu.memory_space<semaphore_mem>>) src(%dma_wait3A_41 : memref<640x128xf32, #tpu.memory_space<hbm>>) dst(%dma_wait3A_39 : memref<640x128xf32, #tpu.memory_space<vmem_shared>>)
        tpu.yield
      }) : () -> ()
    } else {
    }
    %eq3A_11 = arith.constant 1 : i32
    %eq3A_12 = arith.cmpi eq, %arg0, %eq3A_11 : i32
    %convert_element_type3A_13 = arith.extui %eq3A_12 : i1 to i32
    %cond3A_14 = arith.constant 0 : i32
    %cond3A_15 = arith.cmpi ne, %convert_element_type3A_13, %cond3A_14 : i32
    scf.if %cond3A_15 {
      "tpu.region"() ({
        %run_scoped3A = tpu.sem_alloc : memref<!tpu.dma_semaphore, #tpu.memory_space<semaphore_mem>>
        %dma_start3A_35 = arith.constant 0 : i32
        %dma_start3A_36 = tpu.memref_slice %arg17[%mul3A_2, %dma_start3A_35] : memref<10240x128xf32, #tpu.memory_space<vmem_shared>> -> memref<640x128xf32, #tpu.memory_space<vmem_shared>>
        %dma_start3A_37 = arith.constant 0 : i32
        %dma_start3A_38 = tpu.memref_slice %arg7[%mul3A_2, %dma_start3A_37] : memref<10240x128xf32, #tpu.memory_space<hbm>> -> memref<640x128xf32, #tpu.memory_space<hbm>>
        tpu.enqueue_dma source(%dma_start3A_38 : memref<640x128xf32, #tpu.memory_space<hbm>>) target(%dma_start3A_36 : memref<640x128xf32, #tpu.memory_space<vmem_shared>>) target_semaphore(%run_scoped3A : memref<!tpu.dma_semaphore, #tpu.memory_space<semaphore_mem>>)
        %dma_wait3A = arith.constant 0 : i32
        %dma_wait3A_39 = tpu.memref_slice %arg17[%mul3A_2, %dma_wait3A] : memref<10240x128xf32, #tpu.memory_space<vmem_shared>> -> memref<640x128xf32, #tpu.memory_space<vmem_shared>>
        %dma_wait3A_40 = arith.constant 0 : i32
        %dma_wait3A_41 = tpu.memref_slice %arg7[%mul3A_2, %dma_wait3A_40] : memref<10240x128xf32, #tpu.memory_space<hbm>> -> memref<640x128xf32, #tpu.memory_space<hbm>>
        tpu.wait_dma2 semaphore(%run_scoped3A : memref<!tpu.dma_semaphore, #tpu.memory_space<semaphore_mem>>) src(%dma_wait3A_41 : memref<640x128xf32, #tpu.memory_space<hbm>>) dst(%dma_wait3A_39 : memref<640x128xf32, #tpu.memory_space<vmem_shared>>)
        tpu.yield
      }) : () -> ()
    } else {
    }
    %barrier3A = arith.constant 0 : index
    tpu.barrier barrier_id(%barrier3A)
    %scan3A = arith.constant 0 : i32
    %scan3A_16 = arith.constant 0 : i32
    %scan3A_17 = arith.constant 20 : i32
    %scan3A_18 = arith.addi %scan3A_16, %scan3A_17 : i32
    %scan3A_19 = arith.constant 1 : i32
    scf.for %scan3A_35 = %scan3A_16 to %scan3A_18 step %scan3A_19  : i32 {
      %mul3A_36 = arith.constant 2 : i32
      %mul3A_37 = arith.muli %mul3A_36, %scan3A_35 : i32
      %add3A_38 = arith.constant 1 : i32
      %add3A_39 = arith.addi %mul3A_37, %add3A_38 : i32
      %dma_start3A_40 = arith.constant 0 : i32
      %dma_start3A_41 = tpu.memref_slice %arg9[%add3A_39, %dma_start3A_40] : memref<40x128xi32, #tpu.memory_space<vmem>> -> memref<1x128xi32, #tpu.memory_space<vmem>>
      %dma_start3A_42 = tpu.memref_squeeze %dma_start3A_41 : memref<1x128xi32, #tpu.memory_space<vmem>> -> memref<128xi32, #tpu.memory_space<vmem>>
      %dma_start3A_43 = arith.constant 0 : i32
      %dma_start3A_44 = arith.constant 0 : i32
      %dma_start3A_45 = tpu.memref_slice %arg2[%dma_start3A_43, %dma_start3A_44] : memref<10240x128xf32, #tpu.memory_space<hbm>> -> memref<10240x128xf32, #tpu.memory_space<hbm>>
      tpu.enqueue_indirect_dma source(%dma_start3A_45 : memref<10240x128xf32, #tpu.memory_space<hbm>>) target(%arg12 : memref<128x128xf32, #tpu.memory_space<vmem>>) offsets(%dma_start3A_42 : memref<128xi32, #tpu.memory_space<vmem>>) semaphore(%arg14 : memref<!tpu.dma_semaphore, #tpu.memory_space<semaphore_mem>>)
      %dma_wait3A = arith.constant 0 : i32
      %dma_wait3A_46 = tpu.memref_slice %arg9[%mul3A_37, %dma_wait3A] : memref<40x128xi32, #tpu.memory_space<vmem>> -> memref<1x128xi32, #tpu.memory_space<vmem>>
      %dma_wait3A_47 = tpu.memref_squeeze %dma_wait3A_46 : memref<1x128xi32, #tpu.memory_space<vmem>> -> memref<128xi32, #tpu.memory_space<vmem>>
      %dma_wait3A_48 = arith.constant 0 : i32
      %dma_wait3A_49 = arith.constant 0 : i32
      %dma_wait3A_50 = tpu.memref_slice %arg2[%dma_wait3A_48, %dma_wait3A_49] : memref<10240x128xf32, #tpu.memory_space<hbm>> -> memref<10240x128xf32, #tpu.memory_space<hbm>>
      tpu.wait_indirect_dma semaphore(%arg13 : memref<!tpu.dma_semaphore, #tpu.memory_space<semaphore_mem>>) src(%dma_wait3A_50 : memref<10240x128xf32, #tpu.memory_space<hbm>>) dst(%arg11 : memref<128x128xf32, #tpu.memory_space<vmem>>)
      "tpu.region"() ({
        %run_scoped3A = tpu.sem_alloc : memref<!tpu.dma_semaphore, #tpu.memory_space<semaphore_mem>>
        %dma_start3A_65 = arith.constant 0 : i32
        %dma_start3A_66 = tpu.memref_slice %arg10[%mul3A_37, %dma_start3A_65] : memref<40x128xi32, #tpu.memory_space<vmem>> -> memref<1x128xi32, #tpu.memory_space<vmem>>
        %dma_start3A_67 = tpu.memref_squeeze %dma_start3A_66 : memref<1x128xi32, #tpu.memory_space<vmem>> -> memref<128xi32, #tpu.memory_space<vmem>>
        %dma_start3A_68 = arith.constant 0 : i32
        %dma_start3A_69 = arith.constant 0 : i32
        %dma_start3A_70 = tpu.memref_slice %arg17[%dma_start3A_68, %dma_start3A_69] : memref<10240x128xf32, #tpu.memory_space<vmem_shared>> -> memref<10240x128xf32, #tpu.memory_space<vmem_shared>>
        tpu.enqueue_indirect_dma source(%arg11 : memref<128x128xf32, #tpu.memory_space<vmem>>) target(%dma_start3A_70 : memref<10240x128xf32, #tpu.memory_space<vmem_shared>>) offsets(%dma_start3A_67 : memref<128xi32, #tpu.memory_space<vmem>>) semaphore(%run_scoped3A : memref<!tpu.dma_semaphore, #tpu.memory_space<semaphore_mem>>) {add = true}
        %dma_wait3A_71 = arith.constant 0 : i32
        %dma_wait3A_72 = tpu.memref_slice %arg10[%mul3A_37, %dma_wait3A_71] : memref<40x128xi32, #tpu.memory_space<vmem>> -> memref<1x128xi32, #tpu.memory_space<vmem>>
        %dma_wait3A_73 = tpu.memref_squeeze %dma_wait3A_72 : memref<1x128xi32, #tpu.memory_space<vmem>> -> memref<128xi32, #tpu.memory_space<vmem>>
        %dma_wait3A_74 = arith.constant 0 : i32
        %dma_wait3A_75 = arith.constant 0 : i32
        %dma_wait3A_76 = tpu.memref_slice %arg17[%dma_wait3A_74, %dma_wait3A_75] : memref<10240x128xf32, #tpu.memory_space<vmem_shared>> -> memref<10240x128xf32, #tpu.memory_space<vmem_shared>>
        tpu.wait_indirect_dma semaphore(%run_scoped3A : memref<!tpu.dma_semaphore, #tpu.memory_space<semaphore_mem>>) src(%arg11 : memref<128x128xf32, #tpu.memory_space<vmem>>) dst(%dma_wait3A_76 : memref<10240x128xf32, #tpu.memory_space<vmem_shared>>)
        tpu.yield
      }) : () -> ()
      %lt3A = arith.constant 19 : i32
      %lt3A_51 = arith.cmpi slt, %scan3A_35, %lt3A : i32
      %convert_element_type3A_52 = arith.extui %lt3A_51 : i1 to i32
      %cond3A_53 = arith.constant 0 : i32
      %cond3A_54 = arith.cmpi ne, %convert_element_type3A_52, %cond3A_53 : i32
      scf.if %cond3A_54 {
        %add3A_65 = arith.constant 2 : i32
        %add3A_66 = arith.addi %mul3A_37, %add3A_65 : i32
        %dma_start3A_67 = arith.constant 0 : i32
        %dma_start3A_68 = tpu.memref_slice %arg9[%add3A_66, %dma_start3A_67] : memref<40x128xi32, #tpu.memory_space<vmem>> -> memref<1x128xi32, #tpu.memory_space<vmem>>
        %dma_start3A_69 = tpu.memref_squeeze %dma_start3A_68 : memref<1x128xi32, #tpu.memory_space<vmem>> -> memref<128xi32, #tpu.memory_space<vmem>>
        %dma_start3A_70 = arith.constant 0 : i32
        %dma_start3A_71 = arith.constant 0 : i32
        %dma_start3A_72 = tpu.memref_slice %arg2[%dma_start3A_70, %dma_start3A_71] : memref<10240x128xf32, #tpu.memory_space<hbm>> -> memref<10240x128xf32, #tpu.memory_space<hbm>>
        tpu.enqueue_indirect_dma source(%dma_start3A_72 : memref<10240x128xf32, #tpu.memory_space<hbm>>) target(%arg11 : memref<128x128xf32, #tpu.memory_space<vmem>>) offsets(%dma_start3A_69 : memref<128xi32, #tpu.memory_space<vmem>>) semaphore(%arg13 : memref<!tpu.dma_semaphore, #tpu.memory_space<semaphore_mem>>)
      } else {
      }
      %add3A_55 = arith.constant 1 : i32
      %add3A_56 = arith.addi %mul3A_37, %add3A_55 : i32
      %dma_wait3A_57 = arith.constant 0 : i32
      %dma_wait3A_58 = tpu.memref_slice %arg9[%add3A_56, %dma_wait3A_57] : memref<40x128xi32, #tpu.memory_space<vmem>> -> memref<1x128xi32, #tpu.memory_space<vmem>>
      %dma_wait3A_59 = tpu.memref_squeeze %dma_wait3A_58 : memref<1x128xi32, #tpu.memory_space<vmem>> -> memref<128xi32, #tpu.memory_space<vmem>>
      %dma_wait3A_60 = arith.constant 0 : i32
      %dma_wait3A_61 = arith.constant 0 : i32
      %dma_wait3A_62 = tpu.memref_slice %arg2[%dma_wait3A_60, %dma_wait3A_61] : memref<10240x128xf32, #tpu.memory_space<hbm>> -> memref<10240x128xf32, #tpu.memory_space<hbm>>
      tpu.wait_indirect_dma semaphore(%arg14 : memref<!tpu.dma_semaphore, #tpu.memory_space<semaphore_mem>>) src(%dma_wait3A_62 : memref<10240x128xf32, #tpu.memory_space<hbm>>) dst(%arg12 : memref<128x128xf32, #tpu.memory_space<vmem>>)
      %add3A_63 = arith.constant 1 : i32
      %add3A_64 = arith.addi %mul3A_37, %add3A_63 : i32
      "tpu.region"() ({
        %run_scoped3A = tpu.sem_alloc : memref<!tpu.dma_semaphore, #tpu.memory_space<semaphore_mem>>
        %dma_start3A_65 = arith.constant 0 : i32
        %dma_start3A_66 = tpu.memref_slice %arg10[%add3A_64, %dma_start3A_65] : memref<40x128xi32, #tpu.memory_space<vmem>> -> memref<1x128xi32, #tpu.memory_space<vmem>>
        %dma_start3A_67 = tpu.memref_squeeze %dma_start3A_66 : memref<1x128xi32, #tpu.memory_space<vmem>> -> memref<128xi32, #tpu.memory_space<vmem>>
        %dma_start3A_68 = arith.constant 0 : i32
        %dma_start3A_69 = arith.constant 0 : i32
        %dma_start3A_70 = tpu.memref_slice %arg17[%dma_start3A_68, %dma_start3A_69] : memref<10240x128xf32, #tpu.memory_space<vmem_shared>> -> memref<10240x128xf32, #tpu.memory_space<vmem_shared>>
        tpu.enqueue_indirect_dma source(%arg12 : memref<128x128xf32, #tpu.memory_space<vmem>>) target(%dma_start3A_70 : memref<10240x128xf32, #tpu.memory_space<vmem_shared>>) offsets(%dma_start3A_67 : memref<128xi32, #tpu.memory_space<vmem>>) semaphore(%run_scoped3A : memref<!tpu.dma_semaphore, #tpu.memory_space<semaphore_mem>>) {add = true}
        %dma_wait3A_71 = arith.constant 0 : i32
        %dma_wait3A_72 = tpu.memref_slice %arg10[%add3A_64, %dma_wait3A_71] : memref<40x128xi32, #tpu.memory_space<vmem>> -> memref<1x128xi32, #tpu.memory_space<vmem>>
        %dma_wait3A_73 = tpu.memref_squeeze %dma_wait3A_72 : memref<1x128xi32, #tpu.memory_space<vmem>> -> memref<128xi32, #tpu.memory_space<vmem>>
        %dma_wait3A_74 = arith.constant 0 : i32
        %dma_wait3A_75 = arith.constant 0 : i32
        %dma_wait3A_76 = tpu.memref_slice %arg17[%dma_wait3A_74, %dma_wait3A_75] : memref<10240x128xf32, #tpu.memory_space<vmem_shared>> -> memref<10240x128xf32, #tpu.memory_space<vmem_shared>>
        tpu.wait_indirect_dma semaphore(%run_scoped3A : memref<!tpu.dma_semaphore, #tpu.memory_space<semaphore_mem>>) src(%arg12 : memref<128x128xf32, #tpu.memory_space<vmem>>) dst(%dma_wait3A_76 : memref<10240x128xf32, #tpu.memory_space<vmem_shared>>)
        tpu.yield
      }) : () -> ()
    }
    %scan3A_20 = arith.constant 20 : i32
    "tpu.region"() ({
      %run_scoped3A = tpu.sem_alloc : memref<!tpu.dma_semaphore, #tpu.memory_space<semaphore_mem>>
      %dma_start3A_35 = arith.constant 0 : i32
      %dma_start3A_36 = arith.constant 0 : i32
      %dma_start3A_37 = tpu.memref_slice %arg4[%add3A, %dma_start3A_35, %dma_start3A_36] : memref<32x40x128xi32, #tpu.memory_space<hbm>> -> memref<1x40x128xi32, #tpu.memory_space<hbm>>
      %dma_start3A_38 = tpu.memref_squeeze %dma_start3A_37 : memref<1x40x128xi32, #tpu.memory_space<hbm>> -> memref<40x128xi32, #tpu.memory_space<hbm>>
      %dma_start3A_39 = arith.constant 0 : i32
      %dma_start3A_40 = arith.constant 0 : i32
      %dma_start3A_41 = tpu.memref_slice %arg4[%add3A, %dma_start3A_39, %dma_start3A_40] : memref<32x40x128xi32, #tpu.memory_space<hbm>> -> memref<1x40x128xi32, #tpu.memory_space<hbm>>
      %dma_start3A_42 = tpu.memref_squeeze %dma_start3A_41 : memref<1x40x128xi32, #tpu.memory_space<hbm>> -> memref<40x128xi32, #tpu.memory_space<hbm>>
      tpu.enqueue_dma source(%dma_start3A_42 : memref<40x128xi32, #tpu.memory_space<hbm>>) target(%arg9 : memref<40x128xi32, #tpu.memory_space<vmem>>) target_semaphore(%run_scoped3A : memref<!tpu.dma_semaphore, #tpu.memory_space<semaphore_mem>>)
      %dma_wait3A = arith.constant 0 : i32
      %dma_wait3A_43 = arith.constant 0 : i32
      %dma_wait3A_44 = tpu.memref_slice %arg4[%add3A, %dma_wait3A, %dma_wait3A_43] : memref<32x40x128xi32, #tpu.memory_space<hbm>> -> memref<1x40x128xi32, #tpu.memory_space<hbm>>
      %dma_wait3A_45 = tpu.memref_squeeze %dma_wait3A_44 : memref<1x40x128xi32, #tpu.memory_space<hbm>> -> memref<40x128xi32, #tpu.memory_space<hbm>>
      %dma_wait3A_46 = arith.constant 0 : i32
      %dma_wait3A_47 = arith.constant 0 : i32
      %dma_wait3A_48 = tpu.memref_slice %arg4[%add3A, %dma_wait3A_46, %dma_wait3A_47] : memref<32x40x128xi32, #tpu.memory_space<hbm>> -> memref<1x40x128xi32, #tpu.memory_space<hbm>>
      %dma_wait3A_49 = tpu.memref_squeeze %dma_wait3A_48 : memref<1x40x128xi32, #tpu.memory_space<hbm>> -> memref<40x128xi32, #tpu.memory_space<hbm>>
      tpu.wait_dma2 semaphore(%run_scoped3A : memref<!tpu.dma_semaphore, #tpu.memory_space<semaphore_mem>>) src(%dma_wait3A_49 : memref<40x128xi32, #tpu.memory_space<hbm>>) dst(%arg9 : memref<40x128xi32, #tpu.memory_space<vmem>>)
      tpu.yield
    }) : () -> ()
    "tpu.region"() ({
      %run_scoped3A = tpu.sem_alloc : memref<!tpu.dma_semaphore, #tpu.memory_space<semaphore_mem>>
      %dma_start3A_35 = arith.constant 0 : i32
      %dma_start3A_36 = arith.constant 0 : i32
      %dma_start3A_37 = tpu.memref_slice %arg6[%add3A, %dma_start3A_35, %dma_start3A_36] : memref<32x40x128xi32, #tpu.memory_space<hbm>> -> memref<1x40x128xi32, #tpu.memory_space<hbm>>
      %dma_start3A_38 = tpu.memref_squeeze %dma_start3A_37 : memref<1x40x128xi32, #tpu.memory_space<hbm>> -> memref<40x128xi32, #tpu.memory_space<hbm>>
      %dma_start3A_39 = arith.constant 0 : i32
      %dma_start3A_40 = arith.constant 0 : i32
      %dma_start3A_41 = tpu.memref_slice %arg6[%add3A, %dma_start3A_39, %dma_start3A_40] : memref<32x40x128xi32, #tpu.memory_space<hbm>> -> memref<1x40x128xi32, #tpu.memory_space<hbm>>
      %dma_start3A_42 = tpu.memref_squeeze %dma_start3A_41 : memref<1x40x128xi32, #tpu.memory_space<hbm>> -> memref<40x128xi32, #tpu.memory_space<hbm>>
      tpu.enqueue_dma source(%dma_start3A_42 : memref<40x128xi32, #tpu.memory_space<hbm>>) target(%arg10 : memref<40x128xi32, #tpu.memory_space<vmem>>) target_semaphore(%run_scoped3A : memref<!tpu.dma_semaphore, #tpu.memory_space<semaphore_mem>>)
      %dma_wait3A = arith.constant 0 : i32
      %dma_wait3A_43 = arith.constant 0 : i32
      %dma_wait3A_44 = tpu.memref_slice %arg6[%add3A, %dma_wait3A, %dma_wait3A_43] : memref<32x40x128xi32, #tpu.memory_space<hbm>> -> memref<1x40x128xi32, #tpu.memory_space<hbm>>
      %dma_wait3A_45 = tpu.memref_squeeze %dma_wait3A_44 : memref<1x40x128xi32, #tpu.memory_space<hbm>> -> memref<40x128xi32, #tpu.memory_space<hbm>>
      %dma_wait3A_46 = arith.constant 0 : i32
      %dma_wait3A_47 = arith.constant 0 : i32
      %dma_wait3A_48 = tpu.memref_slice %arg6[%add3A, %dma_wait3A_46, %dma_wait3A_47] : memref<32x40x128xi32, #tpu.memory_space<hbm>> -> memref<1x40x128xi32, #tpu.memory_space<hbm>>
      %dma_wait3A_49 = tpu.memref_squeeze %dma_wait3A_48 : memref<1x40x128xi32, #tpu.memory_space<hbm>> -> memref<40x128xi32, #tpu.memory_space<hbm>>
      tpu.wait_dma2 semaphore(%run_scoped3A : memref<!tpu.dma_semaphore, #tpu.memory_space<semaphore_mem>>) src(%dma_wait3A_49 : memref<40x128xi32, #tpu.memory_space<hbm>>) dst(%arg10 : memref<40x128xi32, #tpu.memory_space<vmem>>)
      tpu.yield
    }) : () -> ()
    %dma_start3A_21 = arith.constant 0 : i32
    %dma_start3A_22 = arith.constant 0 : i32
    %dma_start3A_23 = tpu.memref_slice %arg9[%dma_start3A_21, %dma_start3A_22] : memref<40x128xi32, #tpu.memory_space<vmem>> -> memref<1x128xi32, #tpu.memory_space<vmem>>
    %dma_start3A_24 = tpu.memref_squeeze %dma_start3A_23 : memref<1x128xi32, #tpu.memory_space<vmem>> -> memref<128xi32, #tpu.memory_space<vmem>>
    %dma_start3A_25 = arith.constant 0 : i32
    %dma_start3A_26 = arith.constant 0 : i32
    %dma_start3A_27 = tpu.memref_slice %arg2[%dma_start3A_25, %dma_start3A_26] : memref<10240x128xf32, #tpu.memory_space<hbm>> -> memref<10240x128xf32, #tpu.memory_space<hbm>>
    tpu.enqueue_indirect_dma source(%dma_start3A_27 : memref<10240x128xf32, #tpu.memory_space<hbm>>) target(%arg11 : memref<128x128xf32, #tpu.memory_space<vmem>>) offsets(%dma_start3A_24 : memref<128xi32, #tpu.memory_space<vmem>>) semaphore(%arg13 : memref<!tpu.dma_semaphore, #tpu.memory_space<semaphore_mem>>)
    %scan3A_28 = arith.constant 0 : i32
    %scan3A_29 = arith.constant 0 : i32
    %scan3A_30 = arith.constant 20 : i32
    %scan3A_31 = arith.addi %scan3A_29, %scan3A_30 : i32
    %scan3A_32 = arith.constant 1 : i32
    scf.for %scan3A_35 = %scan3A_29 to %scan3A_31 step %scan3A_32  : i32 {
      %mul3A_36 = arith.constant 2 : i32
      %mul3A_37 = arith.muli %mul3A_36, %scan3A_35 : i32
      %add3A_38 = arith.constant 1 : i32
      %add3A_39 = arith.addi %mul3A_37, %add3A_38 : i32
      %dma_start3A_40 = arith.constant 0 : i32
      %dma_start3A_41 = tpu.memref_slice %arg9[%add3A_39, %dma_start3A_40] : memref<40x128xi32, #tpu.memory_space<vmem>> -> memref<1x128xi32, #tpu.memory_space<vmem>>
      %dma_start3A_42 = tpu.memref_squeeze %dma_start3A_41 : memref<1x128xi32, #tpu.memory_space<vmem>> -> memref<128xi32, #tpu.memory_space<vmem>>
      %dma_start3A_43 = arith.constant 0 : i32
      %dma_start3A_44 = arith.constant 0 : i32
      %dma_start3A_45 = tpu.memref_slice %arg2[%dma_start3A_43, %dma_start3A_44] : memref<10240x128xf32, #tpu.memory_space<hbm>> -> memref<10240x128xf32, #tpu.memory_space<hbm>>
      tpu.enqueue_indirect_dma source(%dma_start3A_45 : memref<10240x128xf32, #tpu.memory_space<hbm>>) target(%arg12 : memref<128x128xf32, #tpu.memory_space<vmem>>) offsets(%dma_start3A_42 : memref<128xi32, #tpu.memory_space<vmem>>) semaphore(%arg14 : memref<!tpu.dma_semaphore, #tpu.memory_space<semaphore_mem>>)
      %dma_wait3A = arith.constant 0 : i32
      %dma_wait3A_46 = tpu.memref_slice %arg9[%mul3A_37, %dma_wait3A] : memref<40x128xi32, #tpu.memory_space<vmem>> -> memref<1x128xi32, #tpu.memory_space<vmem>>
      %dma_wait3A_47 = tpu.memref_squeeze %dma_wait3A_46 : memref<1x128xi32, #tpu.memory_space<vmem>> -> memref<128xi32, #tpu.memory_space<vmem>>
      %dma_wait3A_48 = arith.constant 0 : i32
      %dma_wait3A_49 = arith.constant 0 : i32
      %dma_wait3A_50 = tpu.memref_slice %arg2[%dma_wait3A_48, %dma_wait3A_49] : memref<10240x128xf32, #tpu.memory_space<hbm>> -> memref<10240x128xf32, #tpu.memory_space<hbm>>
      tpu.wait_indirect_dma semaphore(%arg13 : memref<!tpu.dma_semaphore, #tpu.memory_space<semaphore_mem>>) src(%dma_wait3A_50 : memref<10240x128xf32, #tpu.memory_space<hbm>>) dst(%arg11 : memref<128x128xf32, #tpu.memory_space<vmem>>)
      "tpu.region"() ({
        %run_scoped3A = tpu.sem_alloc : memref<!tpu.dma_semaphore, #tpu.memory_space<semaphore_mem>>
        %dma_start3A_65 = arith.constant 0 : i32
        %dma_start3A_66 = tpu.memref_slice %arg10[%mul3A_37, %dma_start3A_65] : memref<40x128xi32, #tpu.memory_space<vmem>> -> memref<1x128xi32, #tpu.memory_space<vmem>>
        %dma_start3A_67 = tpu.memref_squeeze %dma_start3A_66 : memref<1x128xi32, #tpu.memory_space<vmem>> -> memref<128xi32, #tpu.memory_space<vmem>>
        %dma_start3A_68 = arith.constant 0 : i32
        %dma_start3A_69 = arith.constant 0 : i32
        %dma_start3A_70 = tpu.memref_slice %arg17[%dma_start3A_68, %dma_start3A_69] : memref<10240x128xf32, #tpu.memory_space<vmem_shared>> -> memref<10240x128xf32, #tpu.memory_space<vmem_shared>>
        tpu.enqueue_indirect_dma source(%arg11 : memref<128x128xf32, #tpu.memory_space<vmem>>) target(%dma_start3A_70 : memref<10240x128xf32, #tpu.memory_space<vmem_shared>>) offsets(%dma_start3A_67 : memref<128xi32, #tpu.memory_space<vmem>>) semaphore(%run_scoped3A : memref<!tpu.dma_semaphore, #tpu.memory_space<semaphore_mem>>) {add = true}
        %dma_wait3A_71 = arith.constant 0 : i32
        %dma_wait3A_72 = tpu.memref_slice %arg10[%mul3A_37, %dma_wait3A_71] : memref<40x128xi32, #tpu.memory_space<vmem>> -> memref<1x128xi32, #tpu.memory_space<vmem>>
        %dma_wait3A_73 = tpu.memref_squeeze %dma_wait3A_72 : memref<1x128xi32, #tpu.memory_space<vmem>> -> memref<128xi32, #tpu.memory_space<vmem>>
        %dma_wait3A_74 = arith.constant 0 : i32
        %dma_wait3A_75 = arith.constant 0 : i32
        %dma_wait3A_76 = tpu.memref_slice %arg17[%dma_wait3A_74, %dma_wait3A_75] : memref<10240x128xf32, #tpu.memory_space<vmem_shared>> -> memref<10240x128xf32, #tpu.memory_space<vmem_shared>>
        tpu.wait_indirect_dma semaphore(%run_scoped3A : memref<!tpu.dma_semaphore, #tpu.memory_space<semaphore_mem>>) src(%arg11 : memref<128x128xf32, #tpu.memory_space<vmem>>) dst(%dma_wait3A_76 : memref<10240x128xf32, #tpu.memory_space<vmem_shared>>)
        tpu.yield
      }) : () -> ()
      %lt3A = arith.constant 19 : i32
      %lt3A_51 = arith.cmpi slt, %scan3A_35, %lt3A : i32
      %convert_element_type3A_52 = arith.extui %lt3A_51 : i1 to i32
      %cond3A_53 = arith.constant 0 : i32
      %cond3A_54 = arith.cmpi ne, %convert_element_type3A_52, %cond3A_53 : i32
      scf.if %cond3A_54 {
        %add3A_65 = arith.constant 2 : i32
        %add3A_66 = arith.addi %mul3A_37, %add3A_65 : i32
        %dma_start3A_67 = arith.constant 0 : i32
        %dma_start3A_68 = tpu.memref_slice %arg9[%add3A_66, %dma_start3A_67] : memref<40x128xi32, #tpu.memory_space<vmem>> -> memref<1x128xi32, #tpu.memory_space<vmem>>
        %dma_start3A_69 = tpu.memref_squeeze %dma_start3A_68 : memref<1x128xi32, #tpu.memory_space<vmem>> -> memref<128xi32, #tpu.memory_space<vmem>>
        %dma_start3A_70 = arith.constant 0 : i32
        %dma_start3A_71 = arith.constant 0 : i32
        %dma_start3A_72 = tpu.memref_slice %arg2[%dma_start3A_70, %dma_start3A_71] : memref<10240x128xf32, #tpu.memory_space<hbm>> -> memref<10240x128xf32, #tpu.memory_space<hbm>>
        tpu.enqueue_indirect_dma source(%dma_start3A_72 : memref<10240x128xf32, #tpu.memory_space<hbm>>) target(%arg11 : memref<128x128xf32, #tpu.memory_space<vmem>>) offsets(%dma_start3A_69 : memref<128xi32, #tpu.memory_space<vmem>>) semaphore(%arg13 : memref<!tpu.dma_semaphore, #tpu.memory_space<semaphore_mem>>)
      } else {
      }
      %add3A_55 = arith.constant 1 : i32
      %add3A_56 = arith.addi %mul3A_37, %add3A_55 : i32
      %dma_wait3A_57 = arith.constant 0 : i32
      %dma_wait3A_58 = tpu.memref_slice %arg9[%add3A_56, %dma_wait3A_57] : memref<40x128xi32, #tpu.memory_space<vmem>> -> memref<1x128xi32, #tpu.memory_space<vmem>>
      %dma_wait3A_59 = tpu.memref_squeeze %dma_wait3A_58 : memref<1x128xi32, #tpu.memory_space<vmem>> -> memref<128xi32, #tpu.memory_space<vmem>>
      %dma_wait3A_60 = arith.constant 0 : i32
      %dma_wait3A_61 = arith.constant 0 : i32
      %dma_wait3A_62 = tpu.memref_slice %arg2[%dma_wait3A_60, %dma_wait3A_61] : memref<10240x128xf32, #tpu.memory_space<hbm>> -> memref<10240x128xf32, #tpu.memory_space<hbm>>
      tpu.wait_indirect_dma semaphore(%arg14 : memref<!tpu.dma_semaphore, #tpu.memory_space<semaphore_mem>>) src(%dma_wait3A_62 : memref<10240x128xf32, #tpu.memory_space<hbm>>) dst(%arg12 : memref<128x128xf32, #tpu.memory_space<vmem>>)
      %add3A_63 = arith.constant 1 : i32
      %add3A_64 = arith.addi %mul3A_37, %add3A_63 : i32
      "tpu.region"() ({
        %run_scoped3A = tpu.sem_alloc : memref<!tpu.dma_semaphore, #tpu.memory_space<semaphore_mem>>
        %dma_start3A_65 = arith.constant 0 : i32
        %dma_start3A_66 = tpu.memref_slice %arg10[%add3A_64, %dma_start3A_65] : memref<40x128xi32, #tpu.memory_space<vmem>> -> memref<1x128xi32, #tpu.memory_space<vmem>>
        %dma_start3A_67 = tpu.memref_squeeze %dma_start3A_66 : memref<1x128xi32, #tpu.memory_space<vmem>> -> memref<128xi32, #tpu.memory_space<vmem>>
        %dma_start3A_68 = arith.constant 0 : i32
        %dma_start3A_69 = arith.constant 0 : i32
        %dma_start3A_70 = tpu.memref_slice %arg17[%dma_start3A_68, %dma_start3A_69] : memref<10240x128xf32, #tpu.memory_space<vmem_shared>> -> memref<10240x128xf32, #tpu.memory_space<vmem_shared>>
        tpu.enqueue_indirect_dma source(%arg12 : memref<128x128xf32, #tpu.memory_space<vmem>>) target(%dma_start3A_70 : memref<10240x128xf32, #tpu.memory_space<vmem_shared>>) offsets(%dma_start3A_67 : memref<128xi32, #tpu.memory_space<vmem>>) semaphore(%run_scoped3A : memref<!tpu.dma_semaphore, #tpu.memory_space<semaphore_mem>>) {add = true}
        %dma_wait3A_71 = arith.constant 0 : i32
        %dma_wait3A_72 = tpu.memref_slice %arg10[%add3A_64, %dma_wait3A_71] : memref<40x128xi32, #tpu.memory_space<vmem>> -> memref<1x128xi32, #tpu.memory_space<vmem>>
        %dma_wait3A_73 = tpu.memref_squeeze %dma_wait3A_72 : memref<1x128xi32, #tpu.memory_space<vmem>> -> memref<128xi32, #tpu.memory_space<vmem>>
        %dma_wait3A_74 = arith.constant 0 : i32
        %dma_wait3A_75 = arith.constant 0 : i32
        %dma_wait3A_76 = tpu.memref_slice %arg17[%dma_wait3A_74, %dma_wait3A_75] : memref<10240x128xf32, #tpu.memory_space<vmem_shared>> -> memref<10240x128xf32, #tpu.memory_space<vmem_shared>>
        tpu.wait_indirect_dma semaphore(%run_scoped3A : memref<!tpu.dma_semaphore, #tpu.memory_space<semaphore_mem>>) src(%arg12 : memref<128x128xf32, #tpu.memory_space<vmem>>) dst(%dma_wait3A_76 : memref<10240x128xf32, #tpu.memory_space<vmem_shared>>)
        tpu.yield
      }) : () -> ()
    }
    %scan3A_33 = arith.constant 20 : i32
    %barrier3A_34 = arith.constant 0 : index
    tpu.barrier barrier_id(%barrier3A_34)
    "tpu.region"() ({
      %run_scoped3A = tpu.sem_alloc : memref<!tpu.dma_semaphore, #tpu.memory_space<semaphore_mem>>
      %dma_start3A_35 = arith.constant 0 : i32
      %dma_start3A_36 = tpu.memref_slice %arg8[%arg0, %mul3A_2, %dma_start3A_35] : memref<2x10240x128xf32, #tpu.memory_space<hbm>> -> memref<1x640x128xf32, #tpu.memory_space<hbm>>
      %dma_start3A_37 = tpu.memref_squeeze %dma_start3A_36 : memref<1x640x128xf32, #tpu.memory_space<hbm>> -> memref<640x128xf32, #tpu.memory_space<hbm>>
      %dma_start3A_38 = arith.constant 0 : i32
      %dma_start3A_39 = tpu.memref_slice %arg17[%mul3A_2, %dma_start3A_38] : memref<10240x128xf32, #tpu.memory_space<vmem_shared>> -> memref<640x128xf32, #tpu.memory_space<vmem_shared>>
      tpu.enqueue_dma source(%dma_start3A_39 : memref<640x128xf32, #tpu.memory_space<vmem_shared>>) target(%dma_start3A_37 : memref<640x128xf32, #tpu.memory_space<hbm>>) target_semaphore(%run_scoped3A : memref<!tpu.dma_semaphore, #tpu.memory_space<semaphore_mem>>)
      %dma_wait3A = arith.constant 0 : i32
      %dma_wait3A_40 = tpu.memref_slice %arg8[%arg0, %mul3A_2, %dma_wait3A] : memref<2x10240x128xf32, #tpu.memory_space<hbm>> -> memref<1x640x128xf32, #tpu.memory_space<hbm>>
      %dma_wait3A_41 = tpu.memref_squeeze %dma_wait3A_40 : memref<1x640x128xf32, #tpu.memory_space<hbm>> -> memref<640x128xf32, #tpu.memory_space<hbm>>
      %dma_wait3A_42 = arith.constant 0 : i32
      %dma_wait3A_43 = tpu.memref_slice %arg17[%mul3A_2, %dma_wait3A_42] : memref<10240x128xf32, #tpu.memory_space<vmem_shared>> -> memref<640x128xf32, #tpu.memory_space<vmem_shared>>
      tpu.wait_dma2 semaphore(%run_scoped3A : memref<!tpu.dma_semaphore, #tpu.memory_space<semaphore_mem>>) src(%dma_wait3A_43 : memref<640x128xf32, #tpu.memory_space<vmem_shared>>) dst(%dma_wait3A_41 : memref<640x128xf32, #tpu.memory_space<hbm>>)
      tpu.yield
    }) : () -> ()
    return
  }
}

#map = affine_map<(d0, d1) -> (0, 0)>
#map1 = affine_map<(d0, d1) -> (0, 0, 0)>
module attributes {stable_mosaic.version = 14 : i64} {
  func.func @_agg_body(%arg0: i32, %arg1: i32, %arg2: memref<10240x64xf32, #tpu.memory_space<hbm>>, %arg3: memref<32x40x128xi32, #tpu.memory_space<hbm>>, %arg4: memref<32x40x128xi32, #tpu.memory_space<hbm>>, %arg5: memref<32x40x128xi32, #tpu.memory_space<hbm>>, %arg6: memref<32x40x128xi32, #tpu.memory_space<hbm>>, %arg7: memref<10240x64xf32, #tpu.memory_space<hbm>>, %arg8: memref<2x10240x64xf32, #tpu.memory_space<hbm>>, %arg9: memref<40x128xi32, #tpu.memory_space<vmem>>, %arg10: memref<40x128xi32, #tpu.memory_space<vmem>>, %arg11: memref<128x64xf32, #tpu.memory_space<vmem>>, %arg12: memref<128x64xf32, #tpu.memory_space<vmem>>, %arg13: memref<!tpu.dma_semaphore, #tpu.memory_space<semaphore_mem>>, %arg14: memref<!tpu.dma_semaphore, #tpu.memory_space<semaphore_mem>>, %arg15: memref<!tpu.dma_semaphore, #tpu.memory_space<semaphore_mem>>, %arg16: memref<!tpu.dma_semaphore, #tpu.memory_space<semaphore_mem>>, %arg17: memref<10240x64xf32, #tpu.memory_space<vmem_shared>>) attributes {dimension_semantics = [#tpu.dimension_semantics<core_parallel>, #tpu.dimension_semantics<subcore_parallel>], iteration_bounds = array<i64: 2, 16>, scalar_prefetch = 0 : i64, scratch_operands = 9 : i64, tpu.core_type = #tpu.core_type<sc_vector_subcore>, window_params = [{transform_indices = #map}, {transform_indices = #map1}, {transform_indices = #map1}, {transform_indices = #map1}, {transform_indices = #map1}, {transform_indices = #map}, {transform_indices = #map1}]} {
    %mul3A = arith.constant 2 : i32
    %mul3A_0 = arith.muli %arg1, %mul3A : i32
    %add3A = arith.addi %mul3A_0, %arg0 : i32
    %mul3A_1 = arith.constant 640 : i32
    %mul3A_2 = arith.muli %arg1, %mul3A_1 : i32
    "tpu.region"() ({
      %run_scoped3A = tpu.sem_alloc : memref<!tpu.dma_semaphore, #tpu.memory_space<semaphore_mem>>
      %dma_start3A_35 = arith.constant 0 : i32
      %dma_start3A_36 = arith.constant 0 : i32
      %dma_start3A_37 = tpu.memref_slice %arg3[%add3A, %dma_start3A_35, %dma_start3A_36] : memref<32x40x128xi32, #tpu.memory_space<hbm>> -> memref<1x40x128xi32, #tpu.memory_space<hbm>>
      %dma_start3A_38 = tpu.memref_squeeze %dma_start3A_37 : memref<1x40x128xi32, #tpu.memory_space<hbm>> -> memref<40x128xi32, #tpu.memory_space<hbm>>
      %dma_start3A_39 = arith.constant 0 : i32
      %dma_start3A_40 = arith.constant 0 : i32
      %dma_start3A_41 = tpu.memref_slice %arg3[%add3A, %dma_start3A_39, %dma_start3A_40] : memref<32x40x128xi32, #tpu.memory_space<hbm>> -> memref<1x40x128xi32, #tpu.memory_space<hbm>>
      %dma_start3A_42 = tpu.memref_squeeze %dma_start3A_41 : memref<1x40x128xi32, #tpu.memory_space<hbm>> -> memref<40x128xi32, #tpu.memory_space<hbm>>
      tpu.enqueue_dma source(%dma_start3A_42 : memref<40x128xi32, #tpu.memory_space<hbm>>) target(%arg9 : memref<40x128xi32, #tpu.memory_space<vmem>>) target_semaphore(%run_scoped3A : memref<!tpu.dma_semaphore, #tpu.memory_space<semaphore_mem>>)
      %dma_wait3A = arith.constant 0 : i32
      %dma_wait3A_43 = arith.constant 0 : i32
      %dma_wait3A_44 = tpu.memref_slice %arg3[%add3A, %dma_wait3A, %dma_wait3A_43] : memref<32x40x128xi32, #tpu.memory_space<hbm>> -> memref<1x40x128xi32, #tpu.memory_space<hbm>>
      %dma_wait3A_45 = tpu.memref_squeeze %dma_wait3A_44 : memref<1x40x128xi32, #tpu.memory_space<hbm>> -> memref<40x128xi32, #tpu.memory_space<hbm>>
      %dma_wait3A_46 = arith.constant 0 : i32
      %dma_wait3A_47 = arith.constant 0 : i32
      %dma_wait3A_48 = tpu.memref_slice %arg3[%add3A, %dma_wait3A_46, %dma_wait3A_47] : memref<32x40x128xi32, #tpu.memory_space<hbm>> -> memref<1x40x128xi32, #tpu.memory_space<hbm>>
      %dma_wait3A_49 = tpu.memref_squeeze %dma_wait3A_48 : memref<1x40x128xi32, #tpu.memory_space<hbm>> -> memref<40x128xi32, #tpu.memory_space<hbm>>
      tpu.wait_dma2 semaphore(%run_scoped3A : memref<!tpu.dma_semaphore, #tpu.memory_space<semaphore_mem>>) src(%dma_wait3A_49 : memref<40x128xi32, #tpu.memory_space<hbm>>) dst(%arg9 : memref<40x128xi32, #tpu.memory_space<vmem>>)
      tpu.yield
    }) : () -> ()
    "tpu.region"() ({
      %run_scoped3A = tpu.sem_alloc : memref<!tpu.dma_semaphore, #tpu.memory_space<semaphore_mem>>
      %dma_start3A_35 = arith.constant 0 : i32
      %dma_start3A_36 = arith.constant 0 : i32
      %dma_start3A_37 = tpu.memref_slice %arg5[%add3A, %dma_start3A_35, %dma_start3A_36] : memref<32x40x128xi32, #tpu.memory_space<hbm>> -> memref<1x40x128xi32, #tpu.memory_space<hbm>>
      %dma_start3A_38 = tpu.memref_squeeze %dma_start3A_37 : memref<1x40x128xi32, #tpu.memory_space<hbm>> -> memref<40x128xi32, #tpu.memory_space<hbm>>
      %dma_start3A_39 = arith.constant 0 : i32
      %dma_start3A_40 = arith.constant 0 : i32
      %dma_start3A_41 = tpu.memref_slice %arg5[%add3A, %dma_start3A_39, %dma_start3A_40] : memref<32x40x128xi32, #tpu.memory_space<hbm>> -> memref<1x40x128xi32, #tpu.memory_space<hbm>>
      %dma_start3A_42 = tpu.memref_squeeze %dma_start3A_41 : memref<1x40x128xi32, #tpu.memory_space<hbm>> -> memref<40x128xi32, #tpu.memory_space<hbm>>
      tpu.enqueue_dma source(%dma_start3A_42 : memref<40x128xi32, #tpu.memory_space<hbm>>) target(%arg10 : memref<40x128xi32, #tpu.memory_space<vmem>>) target_semaphore(%run_scoped3A : memref<!tpu.dma_semaphore, #tpu.memory_space<semaphore_mem>>)
      %dma_wait3A = arith.constant 0 : i32
      %dma_wait3A_43 = arith.constant 0 : i32
      %dma_wait3A_44 = tpu.memref_slice %arg5[%add3A, %dma_wait3A, %dma_wait3A_43] : memref<32x40x128xi32, #tpu.memory_space<hbm>> -> memref<1x40x128xi32, #tpu.memory_space<hbm>>
      %dma_wait3A_45 = tpu.memref_squeeze %dma_wait3A_44 : memref<1x40x128xi32, #tpu.memory_space<hbm>> -> memref<40x128xi32, #tpu.memory_space<hbm>>
      %dma_wait3A_46 = arith.constant 0 : i32
      %dma_wait3A_47 = arith.constant 0 : i32
      %dma_wait3A_48 = tpu.memref_slice %arg5[%add3A, %dma_wait3A_46, %dma_wait3A_47] : memref<32x40x128xi32, #tpu.memory_space<hbm>> -> memref<1x40x128xi32, #tpu.memory_space<hbm>>
      %dma_wait3A_49 = tpu.memref_squeeze %dma_wait3A_48 : memref<1x40x128xi32, #tpu.memory_space<hbm>> -> memref<40x128xi32, #tpu.memory_space<hbm>>
      tpu.wait_dma2 semaphore(%run_scoped3A : memref<!tpu.dma_semaphore, #tpu.memory_space<semaphore_mem>>) src(%dma_wait3A_49 : memref<40x128xi32, #tpu.memory_space<hbm>>) dst(%arg10 : memref<40x128xi32, #tpu.memory_space<vmem>>)
      tpu.yield
    }) : () -> ()
    %dma_start3A = arith.constant 0 : i32
    %dma_start3A_3 = arith.constant 0 : i32
    %dma_start3A_4 = tpu.memref_slice %arg9[%dma_start3A, %dma_start3A_3] : memref<40x128xi32, #tpu.memory_space<vmem>> -> memref<1x128xi32, #tpu.memory_space<vmem>>
    %dma_start3A_5 = tpu.memref_squeeze %dma_start3A_4 : memref<1x128xi32, #tpu.memory_space<vmem>> -> memref<128xi32, #tpu.memory_space<vmem>>
    %dma_start3A_6 = arith.constant 0 : i32
    %dma_start3A_7 = arith.constant 0 : i32
    %dma_start3A_8 = tpu.memref_slice %arg2[%dma_start3A_6, %dma_start3A_7] : memref<10240x64xf32, #tpu.memory_space<hbm>> -> memref<10240x64xf32, #tpu.memory_space<hbm>>
    tpu.enqueue_indirect_dma source(%dma_start3A_8 : memref<10240x64xf32, #tpu.memory_space<hbm>>) target(%arg11 : memref<128x64xf32, #tpu.memory_space<vmem>>) offsets(%dma_start3A_5 : memref<128xi32, #tpu.memory_space<vmem>>) semaphore(%arg13 : memref<!tpu.dma_semaphore, #tpu.memory_space<semaphore_mem>>)
    %eq3A = arith.constant 0 : i32
    %eq3A_9 = arith.cmpi eq, %arg0, %eq3A : i32
    %convert_element_type3A = arith.extui %eq3A_9 : i1 to i32
    %cond3A = arith.constant 0 : i32
    %cond3A_10 = arith.cmpi ne, %convert_element_type3A, %cond3A : i32
    scf.if %cond3A_10 {
      "tpu.region"() ({
        %run_scoped3A = tpu.sem_alloc : memref<!tpu.dma_semaphore, #tpu.memory_space<semaphore_mem>>
        %dma_start3A_35 = arith.constant 0 : i32
        %dma_start3A_36 = tpu.memref_slice %arg17[%mul3A_2, %dma_start3A_35] : memref<10240x64xf32, #tpu.memory_space<vmem_shared>> -> memref<640x64xf32, #tpu.memory_space<vmem_shared>>
        %dma_start3A_37 = arith.constant 0 : i32
        %dma_start3A_38 = tpu.memref_slice %arg2[%mul3A_2, %dma_start3A_37] : memref<10240x64xf32, #tpu.memory_space<hbm>> -> memref<640x64xf32, #tpu.memory_space<hbm>>
        tpu.enqueue_dma source(%dma_start3A_38 : memref<640x64xf32, #tpu.memory_space<hbm>>) target(%dma_start3A_36 : memref<640x64xf32, #tpu.memory_space<vmem_shared>>) target_semaphore(%run_scoped3A : memref<!tpu.dma_semaphore, #tpu.memory_space<semaphore_mem>>)
        %dma_wait3A = arith.constant 0 : i32
        %dma_wait3A_39 = tpu.memref_slice %arg17[%mul3A_2, %dma_wait3A] : memref<10240x64xf32, #tpu.memory_space<vmem_shared>> -> memref<640x64xf32, #tpu.memory_space<vmem_shared>>
        %dma_wait3A_40 = arith.constant 0 : i32
        %dma_wait3A_41 = tpu.memref_slice %arg2[%mul3A_2, %dma_wait3A_40] : memref<10240x64xf32, #tpu.memory_space<hbm>> -> memref<640x64xf32, #tpu.memory_space<hbm>>
        tpu.wait_dma2 semaphore(%run_scoped3A : memref<!tpu.dma_semaphore, #tpu.memory_space<semaphore_mem>>) src(%dma_wait3A_41 : memref<640x64xf32, #tpu.memory_space<hbm>>) dst(%dma_wait3A_39 : memref<640x64xf32, #tpu.memory_space<vmem_shared>>)
        tpu.yield
      }) : () -> ()
    } else {
    }
    %eq3A_11 = arith.constant 1 : i32
    %eq3A_12 = arith.cmpi eq, %arg0, %eq3A_11 : i32
    %convert_element_type3A_13 = arith.extui %eq3A_12 : i1 to i32
    %cond3A_14 = arith.constant 0 : i32
    %cond3A_15 = arith.cmpi ne, %convert_element_type3A_13, %cond3A_14 : i32
    scf.if %cond3A_15 {
      "tpu.region"() ({
        %run_scoped3A = tpu.sem_alloc : memref<!tpu.dma_semaphore, #tpu.memory_space<semaphore_mem>>
        %dma_start3A_35 = arith.constant 0 : i32
        %dma_start3A_36 = tpu.memref_slice %arg17[%mul3A_2, %dma_start3A_35] : memref<10240x64xf32, #tpu.memory_space<vmem_shared>> -> memref<640x64xf32, #tpu.memory_space<vmem_shared>>
        %dma_start3A_37 = arith.constant 0 : i32
        %dma_start3A_38 = tpu.memref_slice %arg7[%mul3A_2, %dma_start3A_37] : memref<10240x64xf32, #tpu.memory_space<hbm>> -> memref<640x64xf32, #tpu.memory_space<hbm>>
        tpu.enqueue_dma source(%dma_start3A_38 : memref<640x64xf32, #tpu.memory_space<hbm>>) target(%dma_start3A_36 : memref<640x64xf32, #tpu.memory_space<vmem_shared>>) target_semaphore(%run_scoped3A : memref<!tpu.dma_semaphore, #tpu.memory_space<semaphore_mem>>)
        %dma_wait3A = arith.constant 0 : i32
        %dma_wait3A_39 = tpu.memref_slice %arg17[%mul3A_2, %dma_wait3A] : memref<10240x64xf32, #tpu.memory_space<vmem_shared>> -> memref<640x64xf32, #tpu.memory_space<vmem_shared>>
        %dma_wait3A_40 = arith.constant 0 : i32
        %dma_wait3A_41 = tpu.memref_slice %arg7[%mul3A_2, %dma_wait3A_40] : memref<10240x64xf32, #tpu.memory_space<hbm>> -> memref<640x64xf32, #tpu.memory_space<hbm>>
        tpu.wait_dma2 semaphore(%run_scoped3A : memref<!tpu.dma_semaphore, #tpu.memory_space<semaphore_mem>>) src(%dma_wait3A_41 : memref<640x64xf32, #tpu.memory_space<hbm>>) dst(%dma_wait3A_39 : memref<640x64xf32, #tpu.memory_space<vmem_shared>>)
        tpu.yield
      }) : () -> ()
    } else {
    }
    %barrier3A = arith.constant 0 : index
    tpu.barrier barrier_id(%barrier3A)
    %scan3A = arith.constant 0 : i32
    %scan3A_16 = arith.constant 0 : i32
    %scan3A_17 = arith.constant 20 : i32
    %scan3A_18 = arith.addi %scan3A_16, %scan3A_17 : i32
    %scan3A_19 = arith.constant 1 : i32
    scf.for %scan3A_35 = %scan3A_16 to %scan3A_18 step %scan3A_19  : i32 {
      %mul3A_36 = arith.constant 2 : i32
      %mul3A_37 = arith.muli %mul3A_36, %scan3A_35 : i32
      %add3A_38 = arith.constant 1 : i32
      %add3A_39 = arith.addi %mul3A_37, %add3A_38 : i32
      %dma_start3A_40 = arith.constant 0 : i32
      %dma_start3A_41 = tpu.memref_slice %arg9[%add3A_39, %dma_start3A_40] : memref<40x128xi32, #tpu.memory_space<vmem>> -> memref<1x128xi32, #tpu.memory_space<vmem>>
      %dma_start3A_42 = tpu.memref_squeeze %dma_start3A_41 : memref<1x128xi32, #tpu.memory_space<vmem>> -> memref<128xi32, #tpu.memory_space<vmem>>
      %dma_start3A_43 = arith.constant 0 : i32
      %dma_start3A_44 = arith.constant 0 : i32
      %dma_start3A_45 = tpu.memref_slice %arg2[%dma_start3A_43, %dma_start3A_44] : memref<10240x64xf32, #tpu.memory_space<hbm>> -> memref<10240x64xf32, #tpu.memory_space<hbm>>
      tpu.enqueue_indirect_dma source(%dma_start3A_45 : memref<10240x64xf32, #tpu.memory_space<hbm>>) target(%arg12 : memref<128x64xf32, #tpu.memory_space<vmem>>) offsets(%dma_start3A_42 : memref<128xi32, #tpu.memory_space<vmem>>) semaphore(%arg14 : memref<!tpu.dma_semaphore, #tpu.memory_space<semaphore_mem>>)
      %dma_wait3A = arith.constant 0 : i32
      %dma_wait3A_46 = tpu.memref_slice %arg9[%mul3A_37, %dma_wait3A] : memref<40x128xi32, #tpu.memory_space<vmem>> -> memref<1x128xi32, #tpu.memory_space<vmem>>
      %dma_wait3A_47 = tpu.memref_squeeze %dma_wait3A_46 : memref<1x128xi32, #tpu.memory_space<vmem>> -> memref<128xi32, #tpu.memory_space<vmem>>
      %dma_wait3A_48 = arith.constant 0 : i32
      %dma_wait3A_49 = arith.constant 0 : i32
      %dma_wait3A_50 = tpu.memref_slice %arg2[%dma_wait3A_48, %dma_wait3A_49] : memref<10240x64xf32, #tpu.memory_space<hbm>> -> memref<10240x64xf32, #tpu.memory_space<hbm>>
      tpu.wait_indirect_dma semaphore(%arg13 : memref<!tpu.dma_semaphore, #tpu.memory_space<semaphore_mem>>) src(%dma_wait3A_50 : memref<10240x64xf32, #tpu.memory_space<hbm>>) dst(%arg11 : memref<128x64xf32, #tpu.memory_space<vmem>>)
      "tpu.region"() ({
        %run_scoped3A = tpu.sem_alloc : memref<!tpu.dma_semaphore, #tpu.memory_space<semaphore_mem>>
        %dma_start3A_65 = arith.constant 0 : i32
        %dma_start3A_66 = tpu.memref_slice %arg10[%mul3A_37, %dma_start3A_65] : memref<40x128xi32, #tpu.memory_space<vmem>> -> memref<1x128xi32, #tpu.memory_space<vmem>>
        %dma_start3A_67 = tpu.memref_squeeze %dma_start3A_66 : memref<1x128xi32, #tpu.memory_space<vmem>> -> memref<128xi32, #tpu.memory_space<vmem>>
        %dma_start3A_68 = arith.constant 0 : i32
        %dma_start3A_69 = arith.constant 0 : i32
        %dma_start3A_70 = tpu.memref_slice %arg17[%dma_start3A_68, %dma_start3A_69] : memref<10240x64xf32, #tpu.memory_space<vmem_shared>> -> memref<10240x64xf32, #tpu.memory_space<vmem_shared>>
        tpu.enqueue_indirect_dma source(%arg11 : memref<128x64xf32, #tpu.memory_space<vmem>>) target(%dma_start3A_70 : memref<10240x64xf32, #tpu.memory_space<vmem_shared>>) offsets(%dma_start3A_67 : memref<128xi32, #tpu.memory_space<vmem>>) semaphore(%run_scoped3A : memref<!tpu.dma_semaphore, #tpu.memory_space<semaphore_mem>>) {add = true}
        %dma_wait3A_71 = arith.constant 0 : i32
        %dma_wait3A_72 = tpu.memref_slice %arg10[%mul3A_37, %dma_wait3A_71] : memref<40x128xi32, #tpu.memory_space<vmem>> -> memref<1x128xi32, #tpu.memory_space<vmem>>
        %dma_wait3A_73 = tpu.memref_squeeze %dma_wait3A_72 : memref<1x128xi32, #tpu.memory_space<vmem>> -> memref<128xi32, #tpu.memory_space<vmem>>
        %dma_wait3A_74 = arith.constant 0 : i32
        %dma_wait3A_75 = arith.constant 0 : i32
        %dma_wait3A_76 = tpu.memref_slice %arg17[%dma_wait3A_74, %dma_wait3A_75] : memref<10240x64xf32, #tpu.memory_space<vmem_shared>> -> memref<10240x64xf32, #tpu.memory_space<vmem_shared>>
        tpu.wait_indirect_dma semaphore(%run_scoped3A : memref<!tpu.dma_semaphore, #tpu.memory_space<semaphore_mem>>) src(%arg11 : memref<128x64xf32, #tpu.memory_space<vmem>>) dst(%dma_wait3A_76 : memref<10240x64xf32, #tpu.memory_space<vmem_shared>>)
        tpu.yield
      }) : () -> ()
      %lt3A = arith.constant 19 : i32
      %lt3A_51 = arith.cmpi slt, %scan3A_35, %lt3A : i32
      %convert_element_type3A_52 = arith.extui %lt3A_51 : i1 to i32
      %cond3A_53 = arith.constant 0 : i32
      %cond3A_54 = arith.cmpi ne, %convert_element_type3A_52, %cond3A_53 : i32
      scf.if %cond3A_54 {
        %add3A_65 = arith.constant 2 : i32
        %add3A_66 = arith.addi %mul3A_37, %add3A_65 : i32
        %dma_start3A_67 = arith.constant 0 : i32
        %dma_start3A_68 = tpu.memref_slice %arg9[%add3A_66, %dma_start3A_67] : memref<40x128xi32, #tpu.memory_space<vmem>> -> memref<1x128xi32, #tpu.memory_space<vmem>>
        %dma_start3A_69 = tpu.memref_squeeze %dma_start3A_68 : memref<1x128xi32, #tpu.memory_space<vmem>> -> memref<128xi32, #tpu.memory_space<vmem>>
        %dma_start3A_70 = arith.constant 0 : i32
        %dma_start3A_71 = arith.constant 0 : i32
        %dma_start3A_72 = tpu.memref_slice %arg2[%dma_start3A_70, %dma_start3A_71] : memref<10240x64xf32, #tpu.memory_space<hbm>> -> memref<10240x64xf32, #tpu.memory_space<hbm>>
        tpu.enqueue_indirect_dma source(%dma_start3A_72 : memref<10240x64xf32, #tpu.memory_space<hbm>>) target(%arg11 : memref<128x64xf32, #tpu.memory_space<vmem>>) offsets(%dma_start3A_69 : memref<128xi32, #tpu.memory_space<vmem>>) semaphore(%arg13 : memref<!tpu.dma_semaphore, #tpu.memory_space<semaphore_mem>>)
      } else {
      }
      %add3A_55 = arith.constant 1 : i32
      %add3A_56 = arith.addi %mul3A_37, %add3A_55 : i32
      %dma_wait3A_57 = arith.constant 0 : i32
      %dma_wait3A_58 = tpu.memref_slice %arg9[%add3A_56, %dma_wait3A_57] : memref<40x128xi32, #tpu.memory_space<vmem>> -> memref<1x128xi32, #tpu.memory_space<vmem>>
      %dma_wait3A_59 = tpu.memref_squeeze %dma_wait3A_58 : memref<1x128xi32, #tpu.memory_space<vmem>> -> memref<128xi32, #tpu.memory_space<vmem>>
      %dma_wait3A_60 = arith.constant 0 : i32
      %dma_wait3A_61 = arith.constant 0 : i32
      %dma_wait3A_62 = tpu.memref_slice %arg2[%dma_wait3A_60, %dma_wait3A_61] : memref<10240x64xf32, #tpu.memory_space<hbm>> -> memref<10240x64xf32, #tpu.memory_space<hbm>>
      tpu.wait_indirect_dma semaphore(%arg14 : memref<!tpu.dma_semaphore, #tpu.memory_space<semaphore_mem>>) src(%dma_wait3A_62 : memref<10240x64xf32, #tpu.memory_space<hbm>>) dst(%arg12 : memref<128x64xf32, #tpu.memory_space<vmem>>)
      %add3A_63 = arith.constant 1 : i32
      %add3A_64 = arith.addi %mul3A_37, %add3A_63 : i32
      "tpu.region"() ({
        %run_scoped3A = tpu.sem_alloc : memref<!tpu.dma_semaphore, #tpu.memory_space<semaphore_mem>>
        %dma_start3A_65 = arith.constant 0 : i32
        %dma_start3A_66 = tpu.memref_slice %arg10[%add3A_64, %dma_start3A_65] : memref<40x128xi32, #tpu.memory_space<vmem>> -> memref<1x128xi32, #tpu.memory_space<vmem>>
        %dma_start3A_67 = tpu.memref_squeeze %dma_start3A_66 : memref<1x128xi32, #tpu.memory_space<vmem>> -> memref<128xi32, #tpu.memory_space<vmem>>
        %dma_start3A_68 = arith.constant 0 : i32
        %dma_start3A_69 = arith.constant 0 : i32
        %dma_start3A_70 = tpu.memref_slice %arg17[%dma_start3A_68, %dma_start3A_69] : memref<10240x64xf32, #tpu.memory_space<vmem_shared>> -> memref<10240x64xf32, #tpu.memory_space<vmem_shared>>
        tpu.enqueue_indirect_dma source(%arg12 : memref<128x64xf32, #tpu.memory_space<vmem>>) target(%dma_start3A_70 : memref<10240x64xf32, #tpu.memory_space<vmem_shared>>) offsets(%dma_start3A_67 : memref<128xi32, #tpu.memory_space<vmem>>) semaphore(%run_scoped3A : memref<!tpu.dma_semaphore, #tpu.memory_space<semaphore_mem>>) {add = true}
        %dma_wait3A_71 = arith.constant 0 : i32
        %dma_wait3A_72 = tpu.memref_slice %arg10[%add3A_64, %dma_wait3A_71] : memref<40x128xi32, #tpu.memory_space<vmem>> -> memref<1x128xi32, #tpu.memory_space<vmem>>
        %dma_wait3A_73 = tpu.memref_squeeze %dma_wait3A_72 : memref<1x128xi32, #tpu.memory_space<vmem>> -> memref<128xi32, #tpu.memory_space<vmem>>
        %dma_wait3A_74 = arith.constant 0 : i32
        %dma_wait3A_75 = arith.constant 0 : i32
        %dma_wait3A_76 = tpu.memref_slice %arg17[%dma_wait3A_74, %dma_wait3A_75] : memref<10240x64xf32, #tpu.memory_space<vmem_shared>> -> memref<10240x64xf32, #tpu.memory_space<vmem_shared>>
        tpu.wait_indirect_dma semaphore(%run_scoped3A : memref<!tpu.dma_semaphore, #tpu.memory_space<semaphore_mem>>) src(%arg12 : memref<128x64xf32, #tpu.memory_space<vmem>>) dst(%dma_wait3A_76 : memref<10240x64xf32, #tpu.memory_space<vmem_shared>>)
        tpu.yield
      }) : () -> ()
    }
    %scan3A_20 = arith.constant 20 : i32
    "tpu.region"() ({
      %run_scoped3A = tpu.sem_alloc : memref<!tpu.dma_semaphore, #tpu.memory_space<semaphore_mem>>
      %dma_start3A_35 = arith.constant 0 : i32
      %dma_start3A_36 = arith.constant 0 : i32
      %dma_start3A_37 = tpu.memref_slice %arg4[%add3A, %dma_start3A_35, %dma_start3A_36] : memref<32x40x128xi32, #tpu.memory_space<hbm>> -> memref<1x40x128xi32, #tpu.memory_space<hbm>>
      %dma_start3A_38 = tpu.memref_squeeze %dma_start3A_37 : memref<1x40x128xi32, #tpu.memory_space<hbm>> -> memref<40x128xi32, #tpu.memory_space<hbm>>
      %dma_start3A_39 = arith.constant 0 : i32
      %dma_start3A_40 = arith.constant 0 : i32
      %dma_start3A_41 = tpu.memref_slice %arg4[%add3A, %dma_start3A_39, %dma_start3A_40] : memref<32x40x128xi32, #tpu.memory_space<hbm>> -> memref<1x40x128xi32, #tpu.memory_space<hbm>>
      %dma_start3A_42 = tpu.memref_squeeze %dma_start3A_41 : memref<1x40x128xi32, #tpu.memory_space<hbm>> -> memref<40x128xi32, #tpu.memory_space<hbm>>
      tpu.enqueue_dma source(%dma_start3A_42 : memref<40x128xi32, #tpu.memory_space<hbm>>) target(%arg9 : memref<40x128xi32, #tpu.memory_space<vmem>>) target_semaphore(%run_scoped3A : memref<!tpu.dma_semaphore, #tpu.memory_space<semaphore_mem>>)
      %dma_wait3A = arith.constant 0 : i32
      %dma_wait3A_43 = arith.constant 0 : i32
      %dma_wait3A_44 = tpu.memref_slice %arg4[%add3A, %dma_wait3A, %dma_wait3A_43] : memref<32x40x128xi32, #tpu.memory_space<hbm>> -> memref<1x40x128xi32, #tpu.memory_space<hbm>>
      %dma_wait3A_45 = tpu.memref_squeeze %dma_wait3A_44 : memref<1x40x128xi32, #tpu.memory_space<hbm>> -> memref<40x128xi32, #tpu.memory_space<hbm>>
      %dma_wait3A_46 = arith.constant 0 : i32
      %dma_wait3A_47 = arith.constant 0 : i32
      %dma_wait3A_48 = tpu.memref_slice %arg4[%add3A, %dma_wait3A_46, %dma_wait3A_47] : memref<32x40x128xi32, #tpu.memory_space<hbm>> -> memref<1x40x128xi32, #tpu.memory_space<hbm>>
      %dma_wait3A_49 = tpu.memref_squeeze %dma_wait3A_48 : memref<1x40x128xi32, #tpu.memory_space<hbm>> -> memref<40x128xi32, #tpu.memory_space<hbm>>
      tpu.wait_dma2 semaphore(%run_scoped3A : memref<!tpu.dma_semaphore, #tpu.memory_space<semaphore_mem>>) src(%dma_wait3A_49 : memref<40x128xi32, #tpu.memory_space<hbm>>) dst(%arg9 : memref<40x128xi32, #tpu.memory_space<vmem>>)
      tpu.yield
    }) : () -> ()
    "tpu.region"() ({
      %run_scoped3A = tpu.sem_alloc : memref<!tpu.dma_semaphore, #tpu.memory_space<semaphore_mem>>
      %dma_start3A_35 = arith.constant 0 : i32
      %dma_start3A_36 = arith.constant 0 : i32
      %dma_start3A_37 = tpu.memref_slice %arg6[%add3A, %dma_start3A_35, %dma_start3A_36] : memref<32x40x128xi32, #tpu.memory_space<hbm>> -> memref<1x40x128xi32, #tpu.memory_space<hbm>>
      %dma_start3A_38 = tpu.memref_squeeze %dma_start3A_37 : memref<1x40x128xi32, #tpu.memory_space<hbm>> -> memref<40x128xi32, #tpu.memory_space<hbm>>
      %dma_start3A_39 = arith.constant 0 : i32
      %dma_start3A_40 = arith.constant 0 : i32
      %dma_start3A_41 = tpu.memref_slice %arg6[%add3A, %dma_start3A_39, %dma_start3A_40] : memref<32x40x128xi32, #tpu.memory_space<hbm>> -> memref<1x40x128xi32, #tpu.memory_space<hbm>>
      %dma_start3A_42 = tpu.memref_squeeze %dma_start3A_41 : memref<1x40x128xi32, #tpu.memory_space<hbm>> -> memref<40x128xi32, #tpu.memory_space<hbm>>
      tpu.enqueue_dma source(%dma_start3A_42 : memref<40x128xi32, #tpu.memory_space<hbm>>) target(%arg10 : memref<40x128xi32, #tpu.memory_space<vmem>>) target_semaphore(%run_scoped3A : memref<!tpu.dma_semaphore, #tpu.memory_space<semaphore_mem>>)
      %dma_wait3A = arith.constant 0 : i32
      %dma_wait3A_43 = arith.constant 0 : i32
      %dma_wait3A_44 = tpu.memref_slice %arg6[%add3A, %dma_wait3A, %dma_wait3A_43] : memref<32x40x128xi32, #tpu.memory_space<hbm>> -> memref<1x40x128xi32, #tpu.memory_space<hbm>>
      %dma_wait3A_45 = tpu.memref_squeeze %dma_wait3A_44 : memref<1x40x128xi32, #tpu.memory_space<hbm>> -> memref<40x128xi32, #tpu.memory_space<hbm>>
      %dma_wait3A_46 = arith.constant 0 : i32
      %dma_wait3A_47 = arith.constant 0 : i32
      %dma_wait3A_48 = tpu.memref_slice %arg6[%add3A, %dma_wait3A_46, %dma_wait3A_47] : memref<32x40x128xi32, #tpu.memory_space<hbm>> -> memref<1x40x128xi32, #tpu.memory_space<hbm>>
      %dma_wait3A_49 = tpu.memref_squeeze %dma_wait3A_48 : memref<1x40x128xi32, #tpu.memory_space<hbm>> -> memref<40x128xi32, #tpu.memory_space<hbm>>
      tpu.wait_dma2 semaphore(%run_scoped3A : memref<!tpu.dma_semaphore, #tpu.memory_space<semaphore_mem>>) src(%dma_wait3A_49 : memref<40x128xi32, #tpu.memory_space<hbm>>) dst(%arg10 : memref<40x128xi32, #tpu.memory_space<vmem>>)
      tpu.yield
    }) : () -> ()
    %dma_start3A_21 = arith.constant 0 : i32
    %dma_start3A_22 = arith.constant 0 : i32
    %dma_start3A_23 = tpu.memref_slice %arg9[%dma_start3A_21, %dma_start3A_22] : memref<40x128xi32, #tpu.memory_space<vmem>> -> memref<1x128xi32, #tpu.memory_space<vmem>>
    %dma_start3A_24 = tpu.memref_squeeze %dma_start3A_23 : memref<1x128xi32, #tpu.memory_space<vmem>> -> memref<128xi32, #tpu.memory_space<vmem>>
    %dma_start3A_25 = arith.constant 0 : i32
    %dma_start3A_26 = arith.constant 0 : i32
    %dma_start3A_27 = tpu.memref_slice %arg2[%dma_start3A_25, %dma_start3A_26] : memref<10240x64xf32, #tpu.memory_space<hbm>> -> memref<10240x64xf32, #tpu.memory_space<hbm>>
    tpu.enqueue_indirect_dma source(%dma_start3A_27 : memref<10240x64xf32, #tpu.memory_space<hbm>>) target(%arg11 : memref<128x64xf32, #tpu.memory_space<vmem>>) offsets(%dma_start3A_24 : memref<128xi32, #tpu.memory_space<vmem>>) semaphore(%arg13 : memref<!tpu.dma_semaphore, #tpu.memory_space<semaphore_mem>>)
    %scan3A_28 = arith.constant 0 : i32
    %scan3A_29 = arith.constant 0 : i32
    %scan3A_30 = arith.constant 20 : i32
    %scan3A_31 = arith.addi %scan3A_29, %scan3A_30 : i32
    %scan3A_32 = arith.constant 1 : i32
    scf.for %scan3A_35 = %scan3A_29 to %scan3A_31 step %scan3A_32  : i32 {
      %mul3A_36 = arith.constant 2 : i32
      %mul3A_37 = arith.muli %mul3A_36, %scan3A_35 : i32
      %add3A_38 = arith.constant 1 : i32
      %add3A_39 = arith.addi %mul3A_37, %add3A_38 : i32
      %dma_start3A_40 = arith.constant 0 : i32
      %dma_start3A_41 = tpu.memref_slice %arg9[%add3A_39, %dma_start3A_40] : memref<40x128xi32, #tpu.memory_space<vmem>> -> memref<1x128xi32, #tpu.memory_space<vmem>>
      %dma_start3A_42 = tpu.memref_squeeze %dma_start3A_41 : memref<1x128xi32, #tpu.memory_space<vmem>> -> memref<128xi32, #tpu.memory_space<vmem>>
      %dma_start3A_43 = arith.constant 0 : i32
      %dma_start3A_44 = arith.constant 0 : i32
      %dma_start3A_45 = tpu.memref_slice %arg2[%dma_start3A_43, %dma_start3A_44] : memref<10240x64xf32, #tpu.memory_space<hbm>> -> memref<10240x64xf32, #tpu.memory_space<hbm>>
      tpu.enqueue_indirect_dma source(%dma_start3A_45 : memref<10240x64xf32, #tpu.memory_space<hbm>>) target(%arg12 : memref<128x64xf32, #tpu.memory_space<vmem>>) offsets(%dma_start3A_42 : memref<128xi32, #tpu.memory_space<vmem>>) semaphore(%arg14 : memref<!tpu.dma_semaphore, #tpu.memory_space<semaphore_mem>>)
      %dma_wait3A = arith.constant 0 : i32
      %dma_wait3A_46 = tpu.memref_slice %arg9[%mul3A_37, %dma_wait3A] : memref<40x128xi32, #tpu.memory_space<vmem>> -> memref<1x128xi32, #tpu.memory_space<vmem>>
      %dma_wait3A_47 = tpu.memref_squeeze %dma_wait3A_46 : memref<1x128xi32, #tpu.memory_space<vmem>> -> memref<128xi32, #tpu.memory_space<vmem>>
      %dma_wait3A_48 = arith.constant 0 : i32
      %dma_wait3A_49 = arith.constant 0 : i32
      %dma_wait3A_50 = tpu.memref_slice %arg2[%dma_wait3A_48, %dma_wait3A_49] : memref<10240x64xf32, #tpu.memory_space<hbm>> -> memref<10240x64xf32, #tpu.memory_space<hbm>>
      tpu.wait_indirect_dma semaphore(%arg13 : memref<!tpu.dma_semaphore, #tpu.memory_space<semaphore_mem>>) src(%dma_wait3A_50 : memref<10240x64xf32, #tpu.memory_space<hbm>>) dst(%arg11 : memref<128x64xf32, #tpu.memory_space<vmem>>)
      "tpu.region"() ({
        %run_scoped3A = tpu.sem_alloc : memref<!tpu.dma_semaphore, #tpu.memory_space<semaphore_mem>>
        %dma_start3A_65 = arith.constant 0 : i32
        %dma_start3A_66 = tpu.memref_slice %arg10[%mul3A_37, %dma_start3A_65] : memref<40x128xi32, #tpu.memory_space<vmem>> -> memref<1x128xi32, #tpu.memory_space<vmem>>
        %dma_start3A_67 = tpu.memref_squeeze %dma_start3A_66 : memref<1x128xi32, #tpu.memory_space<vmem>> -> memref<128xi32, #tpu.memory_space<vmem>>
        %dma_start3A_68 = arith.constant 0 : i32
        %dma_start3A_69 = arith.constant 0 : i32
        %dma_start3A_70 = tpu.memref_slice %arg17[%dma_start3A_68, %dma_start3A_69] : memref<10240x64xf32, #tpu.memory_space<vmem_shared>> -> memref<10240x64xf32, #tpu.memory_space<vmem_shared>>
        tpu.enqueue_indirect_dma source(%arg11 : memref<128x64xf32, #tpu.memory_space<vmem>>) target(%dma_start3A_70 : memref<10240x64xf32, #tpu.memory_space<vmem_shared>>) offsets(%dma_start3A_67 : memref<128xi32, #tpu.memory_space<vmem>>) semaphore(%run_scoped3A : memref<!tpu.dma_semaphore, #tpu.memory_space<semaphore_mem>>) {add = true}
        %dma_wait3A_71 = arith.constant 0 : i32
        %dma_wait3A_72 = tpu.memref_slice %arg10[%mul3A_37, %dma_wait3A_71] : memref<40x128xi32, #tpu.memory_space<vmem>> -> memref<1x128xi32, #tpu.memory_space<vmem>>
        %dma_wait3A_73 = tpu.memref_squeeze %dma_wait3A_72 : memref<1x128xi32, #tpu.memory_space<vmem>> -> memref<128xi32, #tpu.memory_space<vmem>>
        %dma_wait3A_74 = arith.constant 0 : i32
        %dma_wait3A_75 = arith.constant 0 : i32
        %dma_wait3A_76 = tpu.memref_slice %arg17[%dma_wait3A_74, %dma_wait3A_75] : memref<10240x64xf32, #tpu.memory_space<vmem_shared>> -> memref<10240x64xf32, #tpu.memory_space<vmem_shared>>
        tpu.wait_indirect_dma semaphore(%run_scoped3A : memref<!tpu.dma_semaphore, #tpu.memory_space<semaphore_mem>>) src(%arg11 : memref<128x64xf32, #tpu.memory_space<vmem>>) dst(%dma_wait3A_76 : memref<10240x64xf32, #tpu.memory_space<vmem_shared>>)
        tpu.yield
      }) : () -> ()
      %lt3A = arith.constant 19 : i32
      %lt3A_51 = arith.cmpi slt, %scan3A_35, %lt3A : i32
      %convert_element_type3A_52 = arith.extui %lt3A_51 : i1 to i32
      %cond3A_53 = arith.constant 0 : i32
      %cond3A_54 = arith.cmpi ne, %convert_element_type3A_52, %cond3A_53 : i32
      scf.if %cond3A_54 {
        %add3A_65 = arith.constant 2 : i32
        %add3A_66 = arith.addi %mul3A_37, %add3A_65 : i32
        %dma_start3A_67 = arith.constant 0 : i32
        %dma_start3A_68 = tpu.memref_slice %arg9[%add3A_66, %dma_start3A_67] : memref<40x128xi32, #tpu.memory_space<vmem>> -> memref<1x128xi32, #tpu.memory_space<vmem>>
        %dma_start3A_69 = tpu.memref_squeeze %dma_start3A_68 : memref<1x128xi32, #tpu.memory_space<vmem>> -> memref<128xi32, #tpu.memory_space<vmem>>
        %dma_start3A_70 = arith.constant 0 : i32
        %dma_start3A_71 = arith.constant 0 : i32
        %dma_start3A_72 = tpu.memref_slice %arg2[%dma_start3A_70, %dma_start3A_71] : memref<10240x64xf32, #tpu.memory_space<hbm>> -> memref<10240x64xf32, #tpu.memory_space<hbm>>
        tpu.enqueue_indirect_dma source(%dma_start3A_72 : memref<10240x64xf32, #tpu.memory_space<hbm>>) target(%arg11 : memref<128x64xf32, #tpu.memory_space<vmem>>) offsets(%dma_start3A_69 : memref<128xi32, #tpu.memory_space<vmem>>) semaphore(%arg13 : memref<!tpu.dma_semaphore, #tpu.memory_space<semaphore_mem>>)
      } else {
      }
      %add3A_55 = arith.constant 1 : i32
      %add3A_56 = arith.addi %mul3A_37, %add3A_55 : i32
      %dma_wait3A_57 = arith.constant 0 : i32
      %dma_wait3A_58 = tpu.memref_slice %arg9[%add3A_56, %dma_wait3A_57] : memref<40x128xi32, #tpu.memory_space<vmem>> -> memref<1x128xi32, #tpu.memory_space<vmem>>
      %dma_wait3A_59 = tpu.memref_squeeze %dma_wait3A_58 : memref<1x128xi32, #tpu.memory_space<vmem>> -> memref<128xi32, #tpu.memory_space<vmem>>
      %dma_wait3A_60 = arith.constant 0 : i32
      %dma_wait3A_61 = arith.constant 0 : i32
      %dma_wait3A_62 = tpu.memref_slice %arg2[%dma_wait3A_60, %dma_wait3A_61] : memref<10240x64xf32, #tpu.memory_space<hbm>> -> memref<10240x64xf32, #tpu.memory_space<hbm>>
      tpu.wait_indirect_dma semaphore(%arg14 : memref<!tpu.dma_semaphore, #tpu.memory_space<semaphore_mem>>) src(%dma_wait3A_62 : memref<10240x64xf32, #tpu.memory_space<hbm>>) dst(%arg12 : memref<128x64xf32, #tpu.memory_space<vmem>>)
      %add3A_63 = arith.constant 1 : i32
      %add3A_64 = arith.addi %mul3A_37, %add3A_63 : i32
      "tpu.region"() ({
        %run_scoped3A = tpu.sem_alloc : memref<!tpu.dma_semaphore, #tpu.memory_space<semaphore_mem>>
        %dma_start3A_65 = arith.constant 0 : i32
        %dma_start3A_66 = tpu.memref_slice %arg10[%add3A_64, %dma_start3A_65] : memref<40x128xi32, #tpu.memory_space<vmem>> -> memref<1x128xi32, #tpu.memory_space<vmem>>
        %dma_start3A_67 = tpu.memref_squeeze %dma_start3A_66 : memref<1x128xi32, #tpu.memory_space<vmem>> -> memref<128xi32, #tpu.memory_space<vmem>>
        %dma_start3A_68 = arith.constant 0 : i32
        %dma_start3A_69 = arith.constant 0 : i32
        %dma_start3A_70 = tpu.memref_slice %arg17[%dma_start3A_68, %dma_start3A_69] : memref<10240x64xf32, #tpu.memory_space<vmem_shared>> -> memref<10240x64xf32, #tpu.memory_space<vmem_shared>>
        tpu.enqueue_indirect_dma source(%arg12 : memref<128x64xf32, #tpu.memory_space<vmem>>) target(%dma_start3A_70 : memref<10240x64xf32, #tpu.memory_space<vmem_shared>>) offsets(%dma_start3A_67 : memref<128xi32, #tpu.memory_space<vmem>>) semaphore(%run_scoped3A : memref<!tpu.dma_semaphore, #tpu.memory_space<semaphore_mem>>) {add = true}
        %dma_wait3A_71 = arith.constant 0 : i32
        %dma_wait3A_72 = tpu.memref_slice %arg10[%add3A_64, %dma_wait3A_71] : memref<40x128xi32, #tpu.memory_space<vmem>> -> memref<1x128xi32, #tpu.memory_space<vmem>>
        %dma_wait3A_73 = tpu.memref_squeeze %dma_wait3A_72 : memref<1x128xi32, #tpu.memory_space<vmem>> -> memref<128xi32, #tpu.memory_space<vmem>>
        %dma_wait3A_74 = arith.constant 0 : i32
        %dma_wait3A_75 = arith.constant 0 : i32
        %dma_wait3A_76 = tpu.memref_slice %arg17[%dma_wait3A_74, %dma_wait3A_75] : memref<10240x64xf32, #tpu.memory_space<vmem_shared>> -> memref<10240x64xf32, #tpu.memory_space<vmem_shared>>
        tpu.wait_indirect_dma semaphore(%run_scoped3A : memref<!tpu.dma_semaphore, #tpu.memory_space<semaphore_mem>>) src(%arg12 : memref<128x64xf32, #tpu.memory_space<vmem>>) dst(%dma_wait3A_76 : memref<10240x64xf32, #tpu.memory_space<vmem_shared>>)
        tpu.yield
      }) : () -> ()
    }
    %scan3A_33 = arith.constant 20 : i32
    %barrier3A_34 = arith.constant 0 : index
    tpu.barrier barrier_id(%barrier3A_34)
    "tpu.region"() ({
      %run_scoped3A = tpu.sem_alloc : memref<!tpu.dma_semaphore, #tpu.memory_space<semaphore_mem>>
      %dma_start3A_35 = arith.constant 0 : i32
      %dma_start3A_36 = tpu.memref_slice %arg8[%arg0, %mul3A_2, %dma_start3A_35] : memref<2x10240x64xf32, #tpu.memory_space<hbm>> -> memref<1x640x64xf32, #tpu.memory_space<hbm>>
      %dma_start3A_37 = tpu.memref_squeeze %dma_start3A_36 : memref<1x640x64xf32, #tpu.memory_space<hbm>> -> memref<640x64xf32, #tpu.memory_space<hbm>>
      %dma_start3A_38 = arith.constant 0 : i32
      %dma_start3A_39 = tpu.memref_slice %arg17[%mul3A_2, %dma_start3A_38] : memref<10240x64xf32, #tpu.memory_space<vmem_shared>> -> memref<640x64xf32, #tpu.memory_space<vmem_shared>>
      tpu.enqueue_dma source(%dma_start3A_39 : memref<640x64xf32, #tpu.memory_space<vmem_shared>>) target(%dma_start3A_37 : memref<640x64xf32, #tpu.memory_space<hbm>>) target_semaphore(%run_scoped3A : memref<!tpu.dma_semaphore, #tpu.memory_space<semaphore_mem>>)
      %dma_wait3A = arith.constant 0 : i32
      %dma_wait3A_40 = tpu.memref_slice %arg8[%arg0, %mul3A_2, %dma_wait3A] : memref<2x10240x64xf32, #tpu.memory_space<hbm>> -> memref<1x640x64xf32, #tpu.memory_space<hbm>>
      %dma_wait3A_41 = tpu.memref_squeeze %dma_wait3A_40 : memref<1x640x64xf32, #tpu.memory_space<hbm>> -> memref<640x64xf32, #tpu.memory_space<hbm>>
      %dma_wait3A_42 = arith.constant 0 : i32
      %dma_wait3A_43 = tpu.memref_slice %arg17[%mul3A_2, %dma_wait3A_42] : memref<10240x64xf32, #tpu.memory_space<vmem_shared>> -> memref<640x64xf32, #tpu.memory_space<vmem_shared>>
      tpu.wait_dma2 semaphore(%run_scoped3A : memref<!tpu.dma_semaphore, #tpu.memory_space<semaphore_mem>>) src(%dma_wait3A_43 : memref<640x64xf32, #tpu.memory_space<vmem_shared>>) dst(%dma_wait3A_41 : memref<640x64xf32, #tpu.memory_space<hbm>>)
      tpu.yield
    }) : () -> ()
    return
  }
}

module attributes {stable_mosaic.version = 14 : i64} {
  func.func @_tc_first_body(%arg0: i32, %arg1: memref<5120x128xf32, #tpu.memory_space<vmem>>, %arg2: memref<128x128xf32, #tpu.memory_space<vmem>>, %arg3: memref<1x5120xf32, #tpu.memory_space<vmem>>, %arg4: memref<5120x128xf32, #tpu.memory_space<vmem>>) attributes {dimension_semantics = [#tpu.dimension_semantics<arbitrary>], iteration_bounds = array<i64: 2>, scalar_prefetch = 0 : i64, scratch_operands = 0 : i64, tpu.core_type = #tpu.core_type<tc>, window_params = [{transform_indices = @transform_0, window_bounds = array<i64: 5120, 128>}, {pipeline_mode = #tpu.pipeline_mode<synchronous>, transform_indices = @transform_1, window_bounds = array<i64: 128, 128>}, {transform_indices = @transform_2, window_bounds = array<i64: 1, 5120>}, {transform_indices = @transform_3, window_bounds = array<i64: 5120, 128>}]} {
    %get3A = arith.constant 0 : index
    %get3A_0 = arith.constant 0 : index
    %get3A_1 = vector.load %arg1[%get3A, %get3A_0] : memref<5120x128xf32, #tpu.memory_space<vmem>>, vector<5120x128xf32>
    %get3A_2 = arith.constant 0 : index
    %get3A_3 = arith.constant 0 : index
    %get3A_4 = vector.load %arg2[%get3A_2, %get3A_3] : memref<128x128xf32, #tpu.memory_space<vmem>>, vector<128x128xf32>
    %dot_general3A = arith.constant dense<0.000000e+00> : vector<5120x128xf32>
    %dot_general3A_5 = tpu.matmul %get3A_1, %get3A_4, %dot_general3A {dimension_numbers = #tpu.dot_dimension_numbers<[1], [0], [0], [1], [0, 0, 1, 1], [], []>, transpose_lhs_hint = false} : vector<5120x128xf32>, vector<128x128xf32>, vector<5120x128xf32> -> vector<5120x128xf32>
    %get3A_6 = arith.constant 0 : index
    %get3A_7 = arith.constant 0 : index
    %get3A_8 = vector.load %arg3[%get3A_6, %get3A_7] : memref<1x5120xf32, #tpu.memory_space<vmem>>, vector<1x5120xf32>
    %reshape3A = vector.shape_cast %get3A_8 : vector<1x5120xf32> to vector<5120x1xf32>
    %rsqrt3A = math.rsqrt %reshape3A : vector<5120x1xf32>
    %mul3A = vector.broadcast %rsqrt3A : vector<5120x1xf32> to vector<5120x128xf32>
    %mul3A_9 = arith.mulf %dot_general3A_5, %mul3A : vector<5120x128xf32>
    %swap3A = arith.constant 0 : index
    %swap3A_10 = arith.constant 0 : index
    %swap3A_11 = vector.load %arg4[%swap3A, %swap3A_10] : memref<5120x128xf32, #tpu.memory_space<vmem>>, vector<5120x128xf32>
    tpu.vector_store %arg4[%swap3A, %swap3A_10], %mul3A_9 {strides = array<i32>} : memref<5120x128xf32, #tpu.memory_space<vmem>>, vector<5120x128xf32>,
    return
  }
  func.func @transform_0(%arg0: i32) -> (i32, i32) {
    %c0_i32 = arith.constant 0 : i32
    %c0_i32_0 = arith.constant 0 : i32
    return %arg0, %c0_i32 : i32, i32
  }
  func.func @transform_1(%arg0: i32) -> (i32, i32) {
    %c0_i32 = arith.constant 0 : i32
    %c0_i32_0 = arith.constant 0 : i32
    %c0_i32_1 = arith.constant 0 : i32
    return %c0_i32, %c0_i32_0 : i32, i32
  }
  func.func @transform_2(%arg0: i32) -> (i32, i32) {
    %c0_i32 = arith.constant 0 : i32
    %c0_i32_0 = arith.constant 0 : i32
    return %c0_i32, %arg0 : i32, i32
  }
  func.func @transform_3(%arg0: i32) -> (i32, i32) {
    %c0_i32 = arith.constant 0 : i32
    %c0_i32_0 = arith.constant 0 : i32
    return %arg0, %c0_i32 : i32, i32
  }
}

module attributes {stable_mosaic.version = 14 : i64} {
  func.func @_tc_mid_body(%arg0: i32, %arg1: memref<2x5120x128xf32, #tpu.memory_space<vmem>>, %arg2: memref<1x5120xf32, #tpu.memory_space<vmem>>, %arg3: memref<1x128xf32, #tpu.memory_space<vmem>>, %arg4: memref<128x64xf32, #tpu.memory_space<vmem>>, %arg5: memref<5120x64xf32, #tpu.memory_space<vmem>>) attributes {dimension_semantics = [#tpu.dimension_semantics<arbitrary>], iteration_bounds = array<i64: 2>, scalar_prefetch = 0 : i64, scratch_operands = 0 : i64, tpu.core_type = #tpu.core_type<tc>, window_params = [{transform_indices = @transform_0, window_bounds = array<i64: 2, 5120, 128>}, {transform_indices = @transform_1, window_bounds = array<i64: 1, 5120>}, {pipeline_mode = #tpu.pipeline_mode<synchronous>, transform_indices = @transform_2, window_bounds = array<i64: 1, 128>}, {pipeline_mode = #tpu.pipeline_mode<synchronous>, transform_indices = @transform_3, window_bounds = array<i64: 128, 64>}, {transform_indices = @transform_4, window_bounds = array<i64: 5120, 64>}]} {
    %get3A = arith.constant 0 : index
    %get3A_0 = arith.constant 0 : index
    %get3A_1 = vector.load %arg2[%get3A, %get3A_0] : memref<1x5120xf32, #tpu.memory_space<vmem>>, vector<1x5120xf32>
    %reshape3A = vector.shape_cast %get3A_1 : vector<1x5120xf32> to vector<5120x1xf32>
    %rsqrt3A = math.rsqrt %reshape3A : vector<5120x1xf32>
    %get3A_2 = arith.constant 0 : index
    %get3A_3 = arith.constant 0 : index
    %get3A_4 = arith.constant 0 : index
    %get3A_5 = vector.load %arg1[%get3A_2, %get3A_3, %get3A_4] : memref<2x5120x128xf32, #tpu.memory_space<vmem>>, vector<1x5120x128xf32>
    %get3A_6 = vector.shape_cast %get3A_5 : vector<1x5120x128xf32> to vector<5120x128xf32>
    %get3A_7 = arith.constant 1 : index
    %get3A_8 = arith.constant 0 : index
    %get3A_9 = arith.constant 0 : index
    %get3A_10 = vector.load %arg1[%get3A_7, %get3A_8, %get3A_9] : memref<2x5120x128xf32, #tpu.memory_space<vmem>>, vector<1x5120x128xf32>
    %get3A_11 = vector.shape_cast %get3A_10 : vector<1x5120x128xf32> to vector<5120x128xf32>
    %add3A = arith.addf %get3A_6, %get3A_11 : vector<5120x128xf32>
    %mul3A = vector.broadcast %rsqrt3A : vector<5120x1xf32> to vector<5120x128xf32>
    %mul3A_12 = arith.mulf %add3A, %mul3A : vector<5120x128xf32>
    %get3A_13 = arith.constant 0 : index
    %get3A_14 = arith.constant 0 : index
    %get3A_15 = vector.load %arg3[%get3A_13, %get3A_14] : memref<1x128xf32, #tpu.memory_space<vmem>>, vector<1x128xf32>
    %add3A_16 = vector.broadcast %get3A_15 : vector<1x128xf32> to vector<5120x128xf32>
    %add3A_17 = arith.addf %mul3A_12, %add3A_16 : vector<5120x128xf32>
    %max3A = arith.constant 0.000000e+00 : f32
    %max3A_18 = vector.broadcast %max3A : f32 to vector<5120x128xf32>
    %max3A_19 = arith.maximumf %add3A_17, %max3A_18 : vector<5120x128xf32>
    %get3A_20 = arith.constant 0 : index
    %get3A_21 = arith.constant 0 : index
    %get3A_22 = vector.load %arg4[%get3A_20, %get3A_21] : memref<128x64xf32, #tpu.memory_space<vmem>>, vector<128x64xf32>
    %dot_general3A = arith.constant dense<0.000000e+00> : vector<5120x64xf32>
    %dot_general3A_23 = tpu.matmul %max3A_19, %get3A_22, %dot_general3A {dimension_numbers = #tpu.dot_dimension_numbers<[1], [0], [0], [1], [0, 0, 1, 1], [], []>, transpose_lhs_hint = false} : vector<5120x128xf32>, vector<128x64xf32>, vector<5120x64xf32> -> vector<5120x64xf32>
    %mul3A_24 = vector.broadcast %rsqrt3A : vector<5120x1xf32> to vector<5120x64xf32>
    %mul3A_25 = arith.mulf %dot_general3A_23, %mul3A_24 : vector<5120x64xf32>
    %swap3A = arith.constant 0 : index
    %swap3A_26 = arith.constant 0 : index
    %swap3A_27 = vector.load %arg5[%swap3A, %swap3A_26] : memref<5120x64xf32, #tpu.memory_space<vmem>>, vector<5120x64xf32>
    tpu.vector_store %arg5[%swap3A, %swap3A_26], %mul3A_25 {strides = array<i32>} : memref<5120x64xf32, #tpu.memory_space<vmem>>, vector<5120x64xf32>,
    return
  }
  func.func @transform_0(%arg0: i32) -> (i32, i32, i32) {
    %c0_i32 = arith.constant 0 : i32
    %c0_i32_0 = arith.constant 0 : i32
    %c0_i32_1 = arith.constant 0 : i32
    return %c0_i32, %arg0, %c0_i32_0 : i32, i32, i32
  }
  func.func @transform_1(%arg0: i32) -> (i32, i32) {
    %c0_i32 = arith.constant 0 : i32
    %c0_i32_0 = arith.constant 0 : i32
    return %c0_i32, %arg0 : i32, i32
  }
  func.func @transform_2(%arg0: i32) -> (i32, i32) {
    %c0_i32 = arith.constant 0 : i32
    %c0_i32_0 = arith.constant 0 : i32
    %c0_i32_1 = arith.constant 0 : i32
    return %c0_i32, %c0_i32_0 : i32, i32
  }
  func.func @transform_3(%arg0: i32) -> (i32, i32) {
    %c0_i32 = arith.constant 0 : i32
    %c0_i32_0 = arith.constant 0 : i32
    %c0_i32_1 = arith.constant 0 : i32
    return %c0_i32, %c0_i32_0 : i32, i32
  }
  func.func @transform_4(%arg0: i32) -> (i32, i32) {
    %c0_i32 = arith.constant 0 : i32
    %c0_i32_0 = arith.constant 0 : i32
    return %arg0, %c0_i32 : i32, i32
  }
}

module attributes {stable_mosaic.version = 14 : i64} {
  func.func @_tc_mid_body(%arg0: i32, %arg1: memref<2x5120x128xf32, #tpu.memory_space<vmem>>, %arg2: memref<1x5120xf32, #tpu.memory_space<vmem>>, %arg3: memref<1x128xf32, #tpu.memory_space<vmem>>, %arg4: memref<128x128xf32, #tpu.memory_space<vmem>>, %arg5: memref<5120x128xf32, #tpu.memory_space<vmem>>) attributes {dimension_semantics = [#tpu.dimension_semantics<arbitrary>], iteration_bounds = array<i64: 2>, scalar_prefetch = 0 : i64, scratch_operands = 0 : i64, tpu.core_type = #tpu.core_type<tc>, window_params = [{transform_indices = @transform_0, window_bounds = array<i64: 2, 5120, 128>}, {transform_indices = @transform_1, window_bounds = array<i64: 1, 5120>}, {pipeline_mode = #tpu.pipeline_mode<synchronous>, transform_indices = @transform_2, window_bounds = array<i64: 1, 128>}, {pipeline_mode = #tpu.pipeline_mode<synchronous>, transform_indices = @transform_3, window_bounds = array<i64: 128, 128>}, {transform_indices = @transform_4, window_bounds = array<i64: 5120, 128>}]} {
    %get3A = arith.constant 0 : index
    %get3A_0 = arith.constant 0 : index
    %get3A_1 = vector.load %arg2[%get3A, %get3A_0] : memref<1x5120xf32, #tpu.memory_space<vmem>>, vector<1x5120xf32>
    %reshape3A = vector.shape_cast %get3A_1 : vector<1x5120xf32> to vector<5120x1xf32>
    %rsqrt3A = math.rsqrt %reshape3A : vector<5120x1xf32>
    %get3A_2 = arith.constant 0 : index
    %get3A_3 = arith.constant 0 : index
    %get3A_4 = arith.constant 0 : index
    %get3A_5 = vector.load %arg1[%get3A_2, %get3A_3, %get3A_4] : memref<2x5120x128xf32, #tpu.memory_space<vmem>>, vector<1x5120x128xf32>
    %get3A_6 = vector.shape_cast %get3A_5 : vector<1x5120x128xf32> to vector<5120x128xf32>
    %get3A_7 = arith.constant 1 : index
    %get3A_8 = arith.constant 0 : index
    %get3A_9 = arith.constant 0 : index
    %get3A_10 = vector.load %arg1[%get3A_7, %get3A_8, %get3A_9] : memref<2x5120x128xf32, #tpu.memory_space<vmem>>, vector<1x5120x128xf32>
    %get3A_11 = vector.shape_cast %get3A_10 : vector<1x5120x128xf32> to vector<5120x128xf32>
    %add3A = arith.addf %get3A_6, %get3A_11 : vector<5120x128xf32>
    %mul3A = vector.broadcast %rsqrt3A : vector<5120x1xf32> to vector<5120x128xf32>
    %mul3A_12 = arith.mulf %add3A, %mul3A : vector<5120x128xf32>
    %get3A_13 = arith.constant 0 : index
    %get3A_14 = arith.constant 0 : index
    %get3A_15 = vector.load %arg3[%get3A_13, %get3A_14] : memref<1x128xf32, #tpu.memory_space<vmem>>, vector<1x128xf32>
    %add3A_16 = vector.broadcast %get3A_15 : vector<1x128xf32> to vector<5120x128xf32>
    %add3A_17 = arith.addf %mul3A_12, %add3A_16 : vector<5120x128xf32>
    %max3A = arith.constant 0.000000e+00 : f32
    %max3A_18 = vector.broadcast %max3A : f32 to vector<5120x128xf32>
    %max3A_19 = arith.maximumf %add3A_17, %max3A_18 : vector<5120x128xf32>
    %get3A_20 = arith.constant 0 : index
    %get3A_21 = arith.constant 0 : index
    %get3A_22 = vector.load %arg4[%get3A_20, %get3A_21] : memref<128x128xf32, #tpu.memory_space<vmem>>, vector<128x128xf32>
    %dot_general3A = arith.constant dense<0.000000e+00> : vector<5120x128xf32>
    %dot_general3A_23 = tpu.matmul %max3A_19, %get3A_22, %dot_general3A {dimension_numbers = #tpu.dot_dimension_numbers<[1], [0], [0], [1], [0, 0, 1, 1], [], []>, transpose_lhs_hint = false} : vector<5120x128xf32>, vector<128x128xf32>, vector<5120x128xf32> -> vector<5120x128xf32>
    %mul3A_24 = vector.broadcast %rsqrt3A : vector<5120x1xf32> to vector<5120x128xf32>
    %mul3A_25 = arith.mulf %dot_general3A_23, %mul3A_24 : vector<5120x128xf32>
    %swap3A = arith.constant 0 : index
    %swap3A_26 = arith.constant 0 : index
    %swap3A_27 = vector.load %arg5[%swap3A, %swap3A_26] : memref<5120x128xf32, #tpu.memory_space<vmem>>, vector<5120x128xf32>
    tpu.vector_store %arg5[%swap3A, %swap3A_26], %mul3A_25 {strides = array<i32>} : memref<5120x128xf32, #tpu.memory_space<vmem>>, vector<5120x128xf32>,
    return
  }
  func.func @transform_0(%arg0: i32) -> (i32, i32, i32) {
    %c0_i32 = arith.constant 0 : i32
    %c0_i32_0 = arith.constant 0 : i32
    %c0_i32_1 = arith.constant 0 : i32
    return %c0_i32, %arg0, %c0_i32_0 : i32, i32, i32
  }
  func.func @transform_1(%arg0: i32) -> (i32, i32) {
    %c0_i32 = arith.constant 0 : i32
    %c0_i32_0 = arith.constant 0 : i32
    return %c0_i32, %arg0 : i32, i32
  }
  func.func @transform_2(%arg0: i32) -> (i32, i32) {
    %c0_i32 = arith.constant 0 : i32
    %c0_i32_0 = arith.constant 0 : i32
    %c0_i32_1 = arith.constant 0 : i32
    return %c0_i32, %c0_i32_0 : i32, i32
  }
  func.func @transform_3(%arg0: i32) -> (i32, i32) {
    %c0_i32 = arith.constant 0 : i32
    %c0_i32_0 = arith.constant 0 : i32
    %c0_i32_1 = arith.constant 0 : i32
    return %c0_i32, %c0_i32_0 : i32, i32
  }
  func.func @transform_4(%arg0: i32) -> (i32, i32) {
    %c0_i32 = arith.constant 0 : i32
    %c0_i32_0 = arith.constant 0 : i32
    return %arg0, %c0_i32 : i32, i32
  }
}

module attributes {stable_mosaic.version = 14 : i64} {
  func.func @_tc_fin_body(%arg0: i32, %arg1: memref<2x5120x64xf32, #tpu.memory_space<vmem>>, %arg2: memref<1x5120xf32, #tpu.memory_space<vmem>>, %arg3: memref<1x64xf32, #tpu.memory_space<vmem>>, %arg4: memref<5120x64xf32, #tpu.memory_space<vmem>>) attributes {dimension_semantics = [#tpu.dimension_semantics<arbitrary>], iteration_bounds = array<i64: 2>, scalar_prefetch = 0 : i64, scratch_operands = 0 : i64, tpu.core_type = #tpu.core_type<tc>, window_params = [{transform_indices = @transform_0, window_bounds = array<i64: 2, 5120, 64>}, {transform_indices = @transform_1, window_bounds = array<i64: 1, 5120>}, {pipeline_mode = #tpu.pipeline_mode<synchronous>, transform_indices = @transform_2, window_bounds = array<i64: 1, 64>}, {transform_indices = @transform_3, window_bounds = array<i64: 5120, 64>}]} {
    %get3A = arith.constant 0 : index
    %get3A_0 = arith.constant 0 : index
    %get3A_1 = vector.load %arg2[%get3A, %get3A_0] : memref<1x5120xf32, #tpu.memory_space<vmem>>, vector<1x5120xf32>
    %reshape3A = vector.shape_cast %get3A_1 : vector<1x5120xf32> to vector<5120x1xf32>
    %rsqrt3A = math.rsqrt %reshape3A : vector<5120x1xf32>
    %get3A_2 = arith.constant 0 : index
    %get3A_3 = arith.constant 0 : index
    %get3A_4 = arith.constant 0 : index
    %get3A_5 = vector.load %arg1[%get3A_2, %get3A_3, %get3A_4] : memref<2x5120x64xf32, #tpu.memory_space<vmem>>, vector<1x5120x64xf32>
    %get3A_6 = vector.shape_cast %get3A_5 : vector<1x5120x64xf32> to vector<5120x64xf32>
    %get3A_7 = arith.constant 1 : index
    %get3A_8 = arith.constant 0 : index
    %get3A_9 = arith.constant 0 : index
    %get3A_10 = vector.load %arg1[%get3A_7, %get3A_8, %get3A_9] : memref<2x5120x64xf32, #tpu.memory_space<vmem>>, vector<1x5120x64xf32>
    %get3A_11 = vector.shape_cast %get3A_10 : vector<1x5120x64xf32> to vector<5120x64xf32>
    %add3A = arith.addf %get3A_6, %get3A_11 : vector<5120x64xf32>
    %mul3A = vector.broadcast %rsqrt3A : vector<5120x1xf32> to vector<5120x64xf32>
    %mul3A_12 = arith.mulf %add3A, %mul3A : vector<5120x64xf32>
    %get3A_13 = arith.constant 0 : index
    %get3A_14 = arith.constant 0 : index
    %get3A_15 = vector.load %arg3[%get3A_13, %get3A_14] : memref<1x64xf32, #tpu.memory_space<vmem>>, vector<1x64xf32>
    %add3A_16 = vector.broadcast %get3A_15 : vector<1x64xf32> to vector<5120x64xf32>
    %add3A_17 = arith.addf %mul3A_12, %add3A_16 : vector<5120x64xf32>
    %swap3A = arith.constant 0 : index
    %swap3A_18 = arith.constant 0 : index
    %swap3A_19 = vector.load %arg4[%swap3A, %swap3A_18] : memref<5120x64xf32, #tpu.memory_space<vmem>>, vector<5120x64xf32>
    tpu.vector_store %arg4[%swap3A, %swap3A_18], %add3A_17 {strides = array<i32>} : memref<5120x64xf32, #tpu.memory_space<vmem>>, vector<5120x64xf32>,
    return
  }
  func.func @transform_0(%arg0: i32) -> (i32, i32, i32) {
    %c0_i32 = arith.constant 0 : i32
    %c0_i32_0 = arith.constant 0 : i32
    %c0_i32_1 = arith.constant 0 : i32
    return %c0_i32, %arg0, %c0_i32_0 : i32, i32, i32
  }
  func.func @transform_1(%arg0: i32) -> (i32, i32) {
    %c0_i32 = arith.constant 0 : i32
    %c0_i32_0 = arith.constant 0 : i32
    return %c0_i32, %arg0 : i32, i32
  }
  func.func @transform_2(%arg0: i32) -> (i32, i32) {
    %c0_i32 = arith.constant 0 : i32
    %c0_i32_0 = arith.constant 0 : i32
    %c0_i32_1 = arith.constant 0 : i32
    return %c0_i32, %c0_i32_0 : i32, i32
  }
  func.func @transform_3(%arg0: i32) -> (i32, i32) {
    %c0_i32 = arith.constant 0 : i32
    %c0_i32_0 = arith.constant 0 : i32
    return %arg0, %c0_i32 : i32, i32
  }
}

</mosaic_0001>

<sc_bundles>
// kernel: kernel.10.cloned.1.call-start
scs
__scs_entry_jumppad:
0x0: {  	(pc) =	sbr.rel $0x88, $3  }
0x1: {  	(tag) =	ssettag $0x0;
	lr =	simm.s32 $0x1  }
0x2: {  	[smem:$0x3F99] =	sst lr;
	_ =	strace $0xD0000000  }
0x3: {  	_ = 	snop  }
0x4: {  	_ = 	snop  }
0x5: {  	_ = 	snop  }
0x6: {  	_ = 	snop  }
0x7: {  	_ = 	snop  }
__scs_overlays_trampoline_lowered:
0x8: {  	[smem:$0x3FA8] =	sst s0  }
0x9: {  	[smem:$0x3FA9] =	sst s1  }
0xa: {  	[smem:$0x3FAA] =	sst s2  }
0xb: {  	[smem:$0x3FAB] =	sst s3  }
0xc: {  	[smem:$0x3FAC] =	sst s4  }
0xd: {  	[smem:$0x3FAD] =	sst s5  }
0xe: {  	[smem:$0x3FAE] =	sst s6  }
0xf: {  	[smem:$0x3FAF] =	sst s7  }
0x10: {  	[smem:$0x3FB0] =	sst s8  }
0x11: {  	[smem:$0x3FB1] =	sst s9;
	s0 =	simm.s32 @!p0 $0x0  }
0x12: {  	s1 =	sld [smem:$0x3F97];
	s0 =	simm.s32 @p0 $0x1  }
0x13: {  	[smem:$0x3FB2] =	sst s0;
	s0 =	simm.s32 @!p1 $0x0  }
0x14: {  	s2 =	sld [smem:$0x3F96];
	s0 =	simm.s32 @p1 $0x1  }
0x15: {  	[smem:$0x3FB3] =	sst s0;
	s0 =	simm.s32 @!p2 $0x0  }
0x16: {  	s3 =	sld [smem:$0x3FDB];
	s0 =	simm.s32 @p2 $0x1  }
0x17: {  	s4 =	simm.s32 $0x1BF5;
	[smem:$0x3FB5] =	sst s0  }
0x18: {  	s0 =	sld [smem:$0x3F98];
	_ =	swait.ge [sflag:s4], $0x0  }
0x19: {  	s7 =	sld [smem:$0x3F99]  }
0x1a: {  	s8 =	sadd.s32 $0xFFFFE003, lr  }
0x1b: {  	s9 =	sadd.s32 $0xFFFFFEF7, lr;
	s5 =	simm.s32 $0xFFFFFFFF;
	p2 =	slt.u32 s8, $0xFFFFF086  }
0x1c: {  	p1 =	slt.u32 s9, $0xF7A;
	s5 =	simm.s32 @!p2 $0x0  }
0x1d: {  	s5 =	simm.s32 @p1 $0x1;
	p0 =	seq.s32 s7, s2  }
0x1e: {  	s7 =	smul.u32 @!p0 $0xF7A, s2;
	p2 =	seq.s32 @!p0 s5, $0x0  }
0x1f: {  	s9 =	smul.u32 $0xF7A, s1;
	s8 =	simm.s32 @!p0 $0x1BF5;
	p2 =	por !p2, p0  }
0x20: {  	[sflag:s8] =	ssyncset.s32 @!p0 $0xFFFFF086;
	s6 =	sadd.s32 @!p0 s3, s7;
	s7 =	simm.s32 @!p0 $0x108  }
0x21: {  	s3 =	sadd.s32 s3, s9;
	s6 =	sadd.s32 @!p0 $0x88, s6;
	s7 =	simm.s32 @p2 $0x1082  }
0x22: {  	[simem:s7], [sflag:s8] =	dma.local @!p0 [hbm:s6], $0xF7A  }
0x23: {  	s9 =	sor.u32 $0xD0000000, s2;
	s6 =	simm.s32 $0x108;
	_ =	swait.ge @!p0 [sflag:s8], $0x0  }
0x24: {  	s3 =	sadd.s32 $0x88, s3;
	s6 =	simm.s32 @!p1 $0x1082;
	[sflag:s4] =	ssyncset.s32 $0xFFFFF086  }
0x25: {  	[simem:s6], [sflag:s4] =	dma.local [hbm:s3], $0xF7A  }
0x26: {  	[smem:$0x3F99] =	sst s1;
	(tag) =	ssettag s2;
	_ =	strace s9  }
0x27: {  	s1 =	sld [smem:$0x3FA9]  }
0x28: {  	s2 =	sld [smem:$0x3FAA]  }
0x29: {  	s4 =	sld [smem:$0x3FAC]  }
0x2a: {  	p0 =	seq.s32 s5, $0x0;
	s5 =	sld [smem:$0x3FAD]  }
0x2b: {  	s6 =	sld [smem:$0x3FAE]  }
0x2c: {  	s7 =	sld [smem:$0x3FAF]  }
0x2d: {  	s3 =	simm.s32 $0x108;
	s8 =	sld [smem:$0x3FB0]  }
0x2e: {  	s3 =	simm.s32 @!p0 $0x1082;
	s9 =	sld [smem:$0x3FB1]  }
0x2f: {  	lr =	sadd.s32 s0, s3;
	s0 =	sld [smem:$0x3FA8]  }
0x30: {  	s3 =	sld [smem:$0x3FAB]  }
0x31: {  	[smem:$0x3FB4] =	sst s10  }
0x32: {  	s10 =	sld [smem:$0x3FB2];
	_ =	sdelay $0x3  }
0x33: {  	p0 =	seq.s32 s10, $0x1;
	s10 =	sld [smem:$0x3FB4];
	_ =	sdelay $0x3  }
0x34: {  	[smem:$0x3FB4] =	sst s10  }
0x35: {  	s10 =	sld [smem:$0x3FB3];
	_ =	sdelay $0x3  }
0x36: {  	p1 =	seq.s32 s10, $0x1;
	s10 =	sld [smem:$0x3FB4];
	_ =	sdelay $0x3  }
0x37: {  	[smem:$0x3FB4] =	sst s10  }
0x38: {  	s10 =	sld [smem:$0x3FB5]  }
0x39: {  	_ = 	snop;
	(pc) =	sbr.ind lr, $3  }
0x3a: {  	_ = 	snop  }
0x3b: {  	_ = 	snop  }
0x3c: {  	p2 =	seq.s32 s10, $0x1;
	s10 =	sld [smem:$0x3FB4]  }
0x3d: {  	_ =	shalt  }
0x3e: {  	_ =	shalt  }
0x3f: {  	_ =	shalt  }
0x40: {  	_ =	shalt  }
0x41: {  	_ =	shalt  }
0x42: {  	_ =	shalt  }
0x43: {  	_ =	shalt  }
0x44: {  	_ =	shalt  }
0x45: {  	_ =	shalt  }
0x46: {  	_ =	shalt  }
0x47: {  	_ =	shalt  }
0x48: {  	_ =	shalt  }
0x49: {  	_ =	shalt  }
0x4a: {  	_ =	shalt  }
0x4b: {  	_ =	shalt  }
0x4c: {  	_ =	shalt  }
0x4d: {  	_ =	shalt  }
0x4e: {  	_ =	shalt  }
0x4f: {  	_ =	shalt  }
0x50: {  	_ =	shalt  }
0x51: {  	_ =	shalt  }
0x52: {  	_ =	shalt  }
0x53: {  	_ =	shalt  }
0x54: {  	_ =	shalt  }
0x55: {  	_ =	shalt  }
0x56: {  	_ =	shalt  }
0x57: {  	_ =	shalt  }
0x58: {  	_ =	shalt  }
0x59: {  	_ =	shalt  }
0x5a: {  	_ =	shalt  }
0x5b: {  	_ =	shalt  }
0x5c: {  	_ =	shalt  }
0x5d: {  	_ =	shalt  }
0x5e: {  	_ =	shalt  }
0x5f: {  	_ =	shalt  }
0x60: {  	_ =	shalt  }
0x61: {  	_ =	shalt  }
0x62: {  	_ =	shalt  }
0x63: {  	_ =	shalt  }
0x64: {  	_ =	shalt  }
0x65: {  	_ =	shalt  }
0x66: {  	_ =	shalt  }
0x67: {  	_ =	shalt  }
0x68: {  	_ =	shalt  }
0x69: {  	_ =	shalt  }
0x6a: {  	_ =	shalt  }
0x6b: {  	_ =	shalt  }
0x6c: {  	_ =	shalt  }
0x6d: {  	_ =	shalt  }
0x6e: {  	_ =	shalt  }
0x6f: {  	_ =	shalt  }
0x70: {  	_ =	shalt  }
0x71: {  	_ =	shalt  }
0x72: {  	_ =	shalt  }
0x73: {  	_ =	shalt  }
0x74: {  	_ =	shalt  }
0x75: {  	_ =	shalt  }
0x76: {  	_ =	shalt  }
0x77: {  	_ =	shalt  }
0x78: {  	_ =	shalt  }
0x79: {  	_ =	shalt  }
0x7a: {  	_ =	shalt  }
0x7b: {  	_ =	shalt  }
0x7c: {  	_ =	shalt  }
0x7d: {  	_ =	shalt  }
0x7e: {  	_ =	shalt  }
0x7f: {  	_ =	shalt  }
0x80: {  	_ =	shalt  }
0x81: {  	_ =	shalt  }
0x82: {  	_ =	shalt  }
0x83: {  	_ =	shalt  }
0x84: {  	_ =	shalt  }
0x85: {  	_ =	shalt  }
0x86: {  	_ =	shalt  }
0x87: {  	_ =	shalt  }
.Lfunc_end0:
.L_simem_size_0:
called_computation_lowered:
.L_overlay_start_0:
0x88: {  	s2 =	sld [smem:$0x3FD9]  }
0x89: {  	s3 =	sld [smem:$0x3FFE];
	_ =	sdelay $0x1  }
0x8a: {  	s1 =	srdreg.scid  }
0x8b: {  	s0 =	sand.u32 $0x1, s1  }
0x8c: {  	s16 =	sshll.u32 s0, $0xA;
	s2 =	sadd.s32 s3, s2  }
0x8d: {  	s2 =	sadd.s32 s2, s16  }
0x8e: {  	[smem:$0x3FC0] =	sst s2  }
0x8f: {  	_ = 	snop  }
0x90: {  	(tm) =	ssettm $0x1  }
0x91: {  	s17 =	sld [smem:$0x3FFB];
	_ =	sdelay $0x3  }
0x92: {  	_ =	strace s17  }
0x93: {  	s2 =	sld [smem:$0x3FFC];
	_ =	sdelay $0x3  }
0x94: {  	_ =	strace s2  }
0x95: {  	s2 =	sld [smem:$0x3FFD];
	_ =	sdelay $0x3  }
0x96: {  	_ =	strace s2  }
0x97: {  	_ =	strace $0x8FFFFFFF  }
0x98: {  	s18 =	sld [smem:$0x3FDB];
	_ =	sdelay $0x1  }
0x99: {  	s19 =	simm.s32 $_scs_section_size  }
0x9a: {  	s4 =	simm.s32 $_size__tile_overlayer_lowered;
	s5 =	simm.s32 $_tile_overlayer_lowered  }
0x9b: {  	s22 =	simm.s32 $0x1BFF;
	s21 =	sshll.u32 s5, $0x1;
	s2 =	sadd.s32 s19, s18  }
0x9c: {  	s6 =	simm.s32 $0x0;
	s20 =	sshll.u32 s4, $0x1;
	s4 =	sadd.s32 s21, s2  }
0x9d: {  	[timem:s6], [sflag:s22] =	dma.local [hbm:s4], s20  }
0x9e: {  	_ =	swait.ge [sflag:s22], s20  }
0x9f: {  	s3 =	ssub.s32 $0x0, s20;
	[sflag:s22] =	ssyncset.done $0x0  }
0xa0: {  	[sflag:s22] =	ssyncadd.s32 s3;
	_ =	sdelay $0x1  }
0xa1: {  	s23 =	simm.s32 $0x1B8B  }
0xa2: {  	_ =	swait.ge [sflag:s23], $0x1  }
0xa3: {  	[sflag:s23] =	ssyncset.done $0x0  }
0xa4: {  	s25 =	simm.s32 $0x1B8E;
	s24 =	sld [smem:$0x3FFE];
	[sflag:s23] =	ssyncadd.s32 $0xFFFFFFFF  }
0xa5: {  	s26 =	simm.s32 $execute0_lowered;
	[smem:$0x3FD2] =	sst s25  }
0xa6: {  	s4 =	sshll.u32 s26, $0x1;
	_ =	strace $0x80000046;
	[dreg:$0x1] =	wrdreg $0xFFFFFFFF  }
0xa7: {  	s28 =	simm.s32 $_size_execute0_lowered;
	s2 =	sadd.s32 s2, s4;
	[dreg:$0x0] =	wrdreg $0x0  }
0xa8: {  	s4 =	sshll.u32 s28, $0x1;
	[dreg:$0x2] =	wrdreg s2  }
0xa9: {  	[dreg:$0x3] =	wrdreg s4  }
0xaa: {  	[dreg:$0x4] =	wrdreg $0xC0  }
0xab: {  	_ =	task [dreg:s6], $0x5FFFF  }
0xac: {  	[dreg:$0x1] =	wrdreg $0xFFFFFFFF  }
0xad: {  	[dreg:$0x0] =	wrdreg $0x60  }
0xae: {  	[dreg:$0x2] =	wrdreg s24  }
0xaf: {  	[dreg:$0x3] =	wrdreg $0x17000  }
0xb0: {  	[dreg:$0x4] =	wrdreg $0x9  }
0xb1: {  	_ =	task.clear_ibuf [dreg:s6], $0x5FFFF;
	_ =	strace $0x90000046  }
0xb2: {  	s29 =	simm.s32 $0x9;
	_ =	strace $0x80000048  }
0xb3: {  	_ =	swait.ge [sflag:s29], $0x1  }
0xb4: {  	[sflag:s29] =	ssyncadd.s32 $0xFFFFFFFF  }
0xb5: {  	_ =	strace $0x90000048  }
0xb6: {  	_ =	sfence  }
0xb7: {  	s30 =	sld [smem:$0x0];
	_ =	sdelay $0x2  }
0xb8: {  	s31 =	sshll.u32 s1, $0xD;
	s1 =	sshrl.u32 s1, $0x2  }
0xb9: {  	s3 =	sand.u32 $0x4000, s31;
	s1 =	sadd.s32 s1, s30  }
0xba: {  	s0 =	sor.u32 s3, s0;
	s1 =	sshll.u32 s1, $0x11  }
0xbb: {  	s0 =	sor.u32 s1, s0  }
0xbc: {  	s0 =	sadd.s32 $0x8F2B, s0  }
0xbd: {  	[sflag:s0] =	ssyncadd.remote.s32 $0x1  }
0xbe: {  	_ =	sfence.sel $0xFFFF  }
0xbf: {  	[dreg:$0x0] =	wrdreg $0xFFFFFFFF;
	(pc) =	sbr.abs _section_cstart, $3  }
0xc0: {  	[dreg:$0x1] =	wrdreg $0xFFFFFFFF  }
0xc1: {  	_ =	task.clear_ibuf [dreg:s6], $0x2FFFF;
	_ =	strace $0x9FFFFFFF  }
0xc2: {  	(tm) =	ssettm $0x7FFFFFFF  }
0xc3: {  	_ =	shalt  }
tec
execute0_lowered:
.L_overlay_start_1:
0x0: {  	(tag) =	ssettag $0x1  }
0x1: {  	s0 =	rddreg [dreg:$0x0]  }
0x2: {  	s2 =	rddreg [dreg:$0x1]  }
0x3: {  	s1 =	srdreg.scid;
	s7 =	stileid.u32  }
0x4: {  	s3 =	simm.s32 $0x0;
	s10 =	simm.s32 $0x2;
	s11 =	simm.s32 $0x80  }
0x5: {  	s12 =	simm.s32 $0x1400;
	s30 =	simm.s32 $0x100;
	s31 =	simm.s32 $0x180  }
0x6: {  	s9 =	simm.s32 $0xA80;
	s8 =	simm.s32 $0xD00;
	s13 =	simm.s32 $0xD80  }
0x7: {  	s14 =	simm.s32 $0xE00;
	s15 =	simm.s32 $0xE80;
	s16 =	simm.s32 $0xF00  }
0x8: {  	s17 =	simm.s32 $0xF80;
	s18 =	simm.s32 $0x1000;
	s19 =	simm.s32 $0x1080  }
0x9: {  	s28 =	simm.s32 $0x0;
	s1 =	sand.u32 $0x1, s1;
	s5 =	smul.u32 $0x500, s7  }
0xa: {  	s4 =	sshll.u32 s7, $0x1;
	[smem:$0x7FF] =	sst s3;
	s20 =	smul.u32 $0xA00, s7  }
0xb: {  	s7 =	simm.s32 $0xC80;
	s4 =	sor.u32 s1, s4;
	_ =	strace $0x80000047  }
0xc: {  	s6 =	sshll.u32 s1, $0x7;
	s1 =	ssub.s32 $0x2, s1;
	s4 =	smul.u32 $0x280, s4  }
0xd: {  	s5 =	sor.u32 s6, s5;
	s23 =	sshrl.u32 s1, $0x1;
	s24 =	sshrl.u32 s20, $0x2  }
0xe: {  	s6 =	simm.s32 $0xC00;
	s20 =	simm.s32 $0x1100;
	s22 =	sshrl.u32 s5, $0x3  }
0xf: {  	s1 =	ssub.s32 s1, s23;
	s5 =	simm.s32 $0xB80;
	s23 =	simm.s32 $0x1280  }
0x10: {  	s21 =	sadd.s32 s4, s0;
	s0 =	sadd.s32 s22, s0;
	s29 =	smax.u32 s1, $0x1  }
0x11: {  	s4 =	sadd.s32 s24, s2;
	s25 =	sadd.s32 $0x2A00, s21;
	[dreg:$0x6] =	wrdreg s29  }
0x12: {  	s1 =	simm.s32 $0xB00;
	s26 =	sadd.s32 $0x7A00, s21;
	[dreg:$0x3] =	wrdreg s25  }
0x13: {  	s22 =	simm.s32 $0x1200;
	s0 =	sadd.s32 $0x11A00, s0;
	[dreg:$0x4] =	wrdreg s26  }
0x14: {  	s24 =	simm.s32 $0x1300;
	s21 =	simm.s32 $0x1180;
	[dreg:$0x5] =	wrdreg s0  }
0x15: {  	v0 =	vimm.f32 $1.000000000e+00;
	v1 =	vimm.f32 $0.0e+00;
	s0 =	simm.s32 $0xA00;
	s25 =	simm.s32 $0x1380;
	s26 =	simm.s32 $0x1  }
.LBB2_1:
0x16: {  	[tilespmem:$0x1400] =	vst v0  }
0x17: {  	[tilespmem:$0x1410] =	vst v0  }
0x18: {  	[tilespmem:$0x1420] =	vst v0  }
0x19: {  	[tilespmem:$0x1430] =	vst v0  }
0x1a: {  	[tilespmem:$0x1440] =	vst v0  }
0x1b: {  	[tilespmem:$0x1450] =	vst v0  }
0x1c: {  	[tilespmem:$0x1460] =	vst v0  }
0x1d: {  	[tilespmem:$0x1470] =	vst v0  }
0x1e: {  	[tilespmem:$0x1480] =	vst v1  }
0x1f: {  	[tilespmem:$0x1490] =	vst v1  }
0x20: {  	[tilespmem:$0x14A0] =	vst v1  }
0x21: {  	[tilespmem:$0x14B0] =	vst v1  }
0x22: {  	[tilespmem:$0x14C0] =	vst v1  }
0x23: {  	[tilespmem:$0x14D0] =	vst v1  }
0x24: {  	[tilespmem:$0x14E0] =	vst v1  }
0x25: {  	[tilespmem:$0x14F0] =	vst v1  }
0x26: {  	[tilespmem:$0x1500] =	vst v1  }
0x27: {  	[tilespmem:$0x1510] =	vst v1  }
0x28: {  	[tilespmem:$0x1520] =	vst v1  }
0x29: {  	[tilespmem:$0x1530] =	vst v1  }
0x2a: {  	[tilespmem:$0x1540] =	vst v1  }
0x2b: {  	[tilespmem:$0x1550] =	vst v1  }
0x2c: {  	[tilespmem:$0x1560] =	vst v1  }
0x2d: {  	[tilespmem:$0x1570] =	vst v1  }
0x2e: {  	[tilespmem:$0x1580] =	vst v1  }
0x2f: {  	[tilespmem:$0x1590] =	vst v1  }
0x30: {  	[tilespmem:$0x15A0] =	vst v1  }
0x31: {  	[tilespmem:$0x15B0] =	vst v1  }
0x32: {  	[tilespmem:$0x15C0] =	vst v1  }
0x33: {  	[tilespmem:$0x15D0] =	vst v1  }
0x34: {  	[tilespmem:$0x15E0] =	vst v1  }
0x35: {  	[tilespmem:$0x15F0] =	vst v1  }
0x36: {  	[tilespmem:$0x1600] =	vst v1  }
0x37: {  	[tilespmem:$0x1610] =	vst v1  }
0x38: {  	[tilespmem:$0x1620] =	vst v1  }
0x39: {  	[tilespmem:$0x1630] =	vst v1  }
0x3a: {  	[tilespmem:$0x1640] =	vst v1  }
0x3b: {  	[tilespmem:$0x1650] =	vst v1  }
0x3c: {  	[tilespmem:$0x1660] =	vst v1  }
0x3d: {  	[tilespmem:$0x1670] =	vst v1  }
0x3e: {  	[tilespmem:$0x1680] =	vst v1  }
0x3f: {  	[tilespmem:$0x1690] =	vst v1  }
0x40: {  	[tilespmem:$0x16A0] =	vst v1  }
0x41: {  	[tilespmem:$0x16B0] =	vst v1  }
0x42: {  	[tilespmem:$0x16C0] =	vst v1  }
0x43: {  	[tilespmem:$0x16D0] =	vst v1  }
0x44: {  	[tilespmem:$0x16E0] =	vst v1  }
0x45: {  	[tilespmem:$0x16F0] =	vst v1;
	s29 =	simm.s32 $0x1480  }
0x46: {  	[spmem:s4] =	stream.linear.scatter [tilespmem:s29], [sflag:$0x2], $0x280, $0x38;
	[tilespmem:$0x1980] =	vst v63  }
0x47: {  	_ =	swait.ge [sflag:s10], $0x280  }
0x48: {  	[sflag:s10] =	ssyncset.done $0x0  }
0x49: {  	[sflag:s10] =	ssyncadd.s32 $0xFFFFFD80  }
0x4a: {  	[bflag:$0x0] =	sbarrier.arrive $0xFFFF  }
0x4b: {  	s29 =	rddreg [dreg:$0x3]  }
0x4c: {  	[tilespmem:s3], [sflag:$0x2] =	stream.linear.gather [hbm4b:s29+s3], $0x1400, $0x38;
	[tilespmem:$0x1980] =	vst v63  }
0x4d: {  	_ =	swait.ge [sflag:s10], $0x1400  }
0x4e: {  	[sflag:s10] =	ssyncset.done $0x0  }
0x4f: {  	[sflag:s10] =	ssyncadd.s32 $0xFFFFEC00  }
0x50: {  	[spmem:s2] =	stream.indirect.scatter.add.f32 [tilespmem:s12], [sflag:$0x1], $0x1, s3, s11, $0xb8;
	[tilespmem:$0x1980] =	vst v63  }
0x51: {  	_ = 	snop  }
0x52: {  	[spmem:s2] =	stream.indirect.scatter.add.f32 [tilespmem:s12], [sflag:$0x1], $0x1, s11, s11, $0xb8;
	[tilespmem:$0x1980] =	vst v63  }
0x53: {  	_ = 	snop  }
0x54: {  	[spmem:s2] =	stream.indirect.scatter.add.f32 [tilespmem:s12], [sflag:$0x1], $0x1, s30, s11, $0xb8;
	[tilespmem:$0x1980] =	vst v63  }
0x55: {  	_ = 	snop  }
0x56: {  	[spmem:s2] =	stream.indirect.scatter.add.f32 [tilespmem:s12], [sflag:$0x1], $0x1, s31, s11, $0xb8;
	[tilespmem:$0x1980] =	vst v63  }
0x57: {  	s29 =	simm.s32 $0x200  }
0x58: {  	[spmem:s2] =	stream.indirect.scatter.add.f32 [tilespmem:s12], [sflag:$0x1], $0x1, s29, s11, $0xb8;
	[tilespmem:$0x1980] =	vst v63  }
0x59: {  	s29 =	simm.s32 $0x280  }
0x5a: {  	[spmem:s2] =	stream.indirect.scatter.add.f32 [tilespmem:s12], [sflag:$0x1], $0x1, s29, s11, $0xb8;
	[tilespmem:$0x1980] =	vst v63  }
0x5b: {  	s29 =	simm.s32 $0x300  }
0x5c: {  	[spmem:s2] =	stream.indirect.scatter.add.f32 [tilespmem:s12], [sflag:$0x1], $0x1, s29, s11, $0xb8;
	[tilespmem:$0x1980] =	vst v63  }
0x5d: {  	s29 =	simm.s32 $0x380  }
0x5e: {  	[spmem:s2] =	stream.indirect.scatter.add.f32 [tilespmem:s12], [sflag:$0x1], $0x1, s29, s11, $0xb8;
	[tilespmem:$0x1980] =	vst v63  }
0x5f: {  	s29 =	simm.s32 $0x400  }
0x60: {  	[spmem:s2] =	stream.indirect.scatter.add.f32 [tilespmem:s12], [sflag:$0x1], $0x1, s29, s11, $0xb8;
	[tilespmem:$0x1980] =	vst v63  }
0x61: {  	s29 =	simm.s32 $0x480  }
0x62: {  	[spmem:s2] =	stream.indirect.scatter.add.f32 [tilespmem:s12], [sflag:$0x1], $0x1, s29, s11, $0xb8;
	[tilespmem:$0x1980] =	vst v63  }
0x63: {  	s29 =	simm.s32 $0x500  }
0x64: {  	[spmem:s2] =	stream.indirect.scatter.add.f32 [tilespmem:s12], [sflag:$0x1], $0x1, s29, s11, $0xb8;
	[tilespmem:$0x1980] =	vst v63  }
0x65: {  	s29 =	simm.s32 $0x580  }
0x66: {  	[spmem:s2] =	stream.indirect.scatter.add.f32 [tilespmem:s12], [sflag:$0x1], $0x1, s29, s11, $0xb8;
	[tilespmem:$0x1980] =	vst v63  }
0x67: {  	s29 =	simm.s32 $0x600  }
0x68: {  	[spmem:s2] =	stream.indirect.scatter.add.f32 [tilespmem:s12], [sflag:$0x1], $0x1, s29, s11, $0xb8;
	[tilespmem:$0x1980] =	vst v63  }
0x69: {  	s29 =	simm.s32 $0x680  }
0x6a: {  	[spmem:s2] =	stream.indirect.scatter.add.f32 [tilespmem:s12], [sflag:$0x1], $0x1, s29, s11, $0xb8;
	[tilespmem:$0x1980] =	vst v63  }
0x6b: {  	s29 =	simm.s32 $0x700  }
0x6c: {  	[spmem:s2] =	stream.indirect.scatter.add.f32 [tilespmem:s12], [sflag:$0x1], $0x1, s29, s11, $0xb8;
	[tilespmem:$0x1980] =	vst v63  }
0x6d: {  	s29 =	simm.s32 $0x780  }
0x6e: {  	[spmem:s2] =	stream.indirect.scatter.add.f32 [tilespmem:s12], [sflag:$0x1], $0x1, s29, s11, $0xb8;
	[tilespmem:$0x1980] =	vst v63  }
0x6f: {  	s29 =	simm.s32 $0x800  }
0x70: {  	[spmem:s2] =	stream.indirect.scatter.add.f32 [tilespmem:s12], [sflag:$0x1], $0x1, s29, s11, $0xb8;
	[tilespmem:$0x1980] =	vst v63  }
0x71: {  	s29 =	simm.s32 $0x880  }
0x72: {  	[spmem:s2] =	stream.indirect.scatter.add.f32 [tilespmem:s12], [sflag:$0x1], $0x1, s29, s11, $0xb8;
	[tilespmem:$0x1980] =	vst v63  }
0x73: {  	s29 =	simm.s32 $0x900  }
0x74: {  	[spmem:s2] =	stream.indirect.scatter.add.f32 [tilespmem:s12], [sflag:$0x1], $0x1, s29, s11, $0xb8;
	[tilespmem:$0x1980] =	vst v63  }
0x75: {  	s29 =	simm.s32 $0x980  }
0x76: {  	[spmem:s2] =	stream.indirect.scatter.add.f32 [tilespmem:s12], [sflag:$0x1], $0x1, s29, s11, $0xb8;
	[tilespmem:$0x1980] =	vst v63  }
0x77: {  	_ = 	snop  }
0x78: {  	[spmem:s2] =	stream.indirect.scatter.add.f32 [tilespmem:s12], [sflag:$0x1], $0x1, s0, s11, $0xb8;
	[tilespmem:$0x1980] =	vst v63  }
0x79: {  	_ = 	snop  }
0x7a: {  	[spmem:s2] =	stream.indirect.scatter.add.f32 [tilespmem:s12], [sflag:$0x1], $0x1, s9, s11, $0xb8;
	[tilespmem:$0x1980] =	vst v63  }
0x7b: {  	_ = 	snop  }
0x7c: {  	[spmem:s2] =	stream.indirect.scatter.add.f32 [tilespmem:s12], [sflag:$0x1], $0x1, s1, s11, $0xb8;
	[tilespmem:$0x1980] =	vst v63  }
0x7d: {  	_ = 	snop  }
0x7e: {  	[spmem:s2] =	stream.indirect.scatter.add.f32 [tilespmem:s12], [sflag:$0x1], $0x1, s5, s11, $0xb8;
	[tilespmem:$0x1980] =	vst v63  }
0x7f: {  	_ = 	snop  }
0x80: {  	[spmem:s2] =	stream.indirect.scatter.add.f32 [tilespmem:s12], [sflag:$0x1], $0x1, s6, s11, $0xb8;
	[tilespmem:$0x1980] =	vst v63  }
0x81: {  	_ = 	snop  }
0x82: {  	[spmem:s2] =	stream.indirect.scatter.add.f32 [tilespmem:s12], [sflag:$0x1], $0x1, s7, s11, $0xb8;
	[tilespmem:$0x1980] =	vst v63  }
0x83: {  	_ = 	snop  }
0x84: {  	[spmem:s2] =	stream.indirect.scatter.add.f32 [tilespmem:s12], [sflag:$0x1], $0x1, s8, s11, $0xb8;
	[tilespmem:$0x1980] =	vst v63  }
0x85: {  	_ = 	snop  }
0x86: {  	[spmem:s2] =	stream.indirect.scatter.add.f32 [tilespmem:s12], [sflag:$0x1], $0x1, s13, s11, $0xb8;
	[tilespmem:$0x1980] =	vst v63  }
0x87: {  	_ = 	snop  }
0x88: {  	[spmem:s2] =	stream.indirect.scatter.add.f32 [tilespmem:s12], [sflag:$0x1], $0x1, s14, s11, $0xb8;
	[tilespmem:$0x1980] =	vst v63  }
0x89: {  	_ = 	snop  }
0x8a: {  	[spmem:s2] =	stream.indirect.scatter.add.f32 [tilespmem:s12], [sflag:$0x1], $0x1, s15, s11, $0xb8;
	[tilespmem:$0x1980] =	vst v63  }
0x8b: {  	_ = 	snop  }
0x8c: {  	[spmem:s2] =	stream.indirect.scatter.add.f32 [tilespmem:s12], [sflag:$0x1], $0x1, s16, s11, $0xb8;
	[tilespmem:$0x1980] =	vst v63  }
0x8d: {  	_ = 	snop  }
0x8e: {  	[spmem:s2] =	stream.indirect.scatter.add.f32 [tilespmem:s12], [sflag:$0x1], $0x1, s17, s11, $0xb8;
	[tilespmem:$0x1980] =	vst v63  }
0x8f: {  	_ = 	snop  }
0x90: {  	[spmem:s2] =	stream.indirect.scatter.add.f32 [tilespmem:s12], [sflag:$0x1], $0x1, s18, s11, $0xb8;
	[tilespmem:$0x1980] =	vst v63  }
0x91: {  	_ = 	snop  }
0x92: {  	[spmem:s2] =	stream.indirect.scatter.add.f32 [tilespmem:s12], [sflag:$0x1], $0x1, s19, s11, $0xb8;
	[tilespmem:$0x1980] =	vst v63  }
0x93: {  	_ = 	snop  }
0x94: {  	[spmem:s2] =	stream.indirect.scatter.add.f32 [tilespmem:s12], [sflag:$0x1], $0x1, s20, s11, $0xb8;
	[tilespmem:$0x1980] =	vst v63  }
0x95: {  	_ = 	snop  }
0x96: {  	[spmem:s2] =	stream.indirect.scatter.add.f32 [tilespmem:s12], [sflag:$0x1], $0x1, s21, s11, $0xb8;
	[tilespmem:$0x1980] =	vst v63  }
0x97: {  	_ = 	snop  }
0x98: {  	[spmem:s2] =	stream.indirect.scatter.add.f32 [tilespmem:s12], [sflag:$0x1], $0x1, s22, s11, $0xb8;
	[tilespmem:$0x1980] =	vst v63  }
0x99: {  	_ = 	snop  }
0x9a: {  	[spmem:s2] =	stream.indirect.scatter.add.f32 [tilespmem:s12], [sflag:$0x1], $0x1, s23, s11, $0xb8;
	[tilespmem:$0x1980] =	vst v63  }
0x9b: {  	_ = 	snop  }
0x9c: {  	[spmem:s2] =	stream.indirect.scatter.add.f32 [tilespmem:s12], [sflag:$0x1], $0x1, s24, s11, $0xb8;
	[tilespmem:$0x1980] =	vst v63  }
0x9d: {  	_ = 	snop  }
0x9e: {  	[spmem:s2] =	stream.indirect.scatter.add.f32 [tilespmem:s12], [sflag:$0x1], $0x1, s25, s11, $0xb8;
	[tilespmem:$0x1980] =	vst v63  }
0x9f: {  	_ =	swait.ge [sflag:s26], $0x80  }
0xa0: {  	s29 =	simm.s32 $0x27;
	[sflag:s26] =	ssyncset.done $0x0  }
.LBB2_2:
0xa1: {  	p0 =	sne.s32 s29, $0x1;
	s29 =	sadd.s32 $0xFFFFFFFF, s29;
	[sflag:s26] =	ssyncadd.s32 $0xFFFFFF80  }
.Ltmp0:
0xa2: {  	(pc) =	sbr.rel @p0 .LBB2_2-.Ltmp0, $3  }
0xa3: {  	_ =	sdelay $0x1  }
0xa4: {  	_ =	swait.ge [sflag:s26], $0x80  }
0xa5: {  	[sflag:s26] =	ssyncset.done $0x0  }
0xa6: {  	[sflag:s26] =	ssyncadd.s32 $0xFFFFFF80;
	s29 =	rddreg [dreg:$0x4]  }
0xa7: {  	[tilespmem:s3], [sflag:$0x2] =	stream.linear.gather [hbm4b:s29+s3], $0x1400, $0x38;
	[tilespmem:$0x1980] =	vst v63  }
0xa8: {  	_ =	swait.ge [sflag:s10], $0x1400  }
0xa9: {  	[sflag:s10] =	ssyncset.done $0x0  }
0xaa: {  	[sflag:s10] =	ssyncadd.s32 $0xFFFFEC00  }
0xab: {  	[spmem:s2] =	stream.indirect.scatter.add.f32 [tilespmem:s12], [sflag:$0x1], $0x1, s3, s11, $0xb8;
	[tilespmem:$0x1980] =	vst v63  }
0xac: {  	_ = 	snop  }
0xad: {  	[spmem:s2] =	stream.indirect.scatter.add.f32 [tilespmem:s12], [sflag:$0x1], $0x1, s11, s11, $0xb8;
	[tilespmem:$0x1980] =	vst v63  }
0xae: {  	_ = 	snop  }
0xaf: {  	[spmem:s2] =	stream.indirect.scatter.add.f32 [tilespmem:s12], [sflag:$0x1], $0x1, s30, s11, $0xb8;
	[tilespmem:$0x1980] =	vst v63  }
0xb0: {  	_ = 	snop  }
0xb1: {  	[spmem:s2] =	stream.indirect.scatter.add.f32 [tilespmem:s12], [sflag:$0x1], $0x1, s31, s11, $0xb8;
	[tilespmem:$0x1980] =	vst v63  }
0xb2: {  	s29 =	simm.s32 $0x200  }
0xb3: {  	[spmem:s2] =	stream.indirect.scatter.add.f32 [tilespmem:s12], [sflag:$0x1], $0x1, s29, s11, $0xb8;
	[tilespmem:$0x1980] =	vst v63  }
0xb4: {  	s29 =	simm.s32 $0x280  }
0xb5: {  	[spmem:s2] =	stream.indirect.scatter.add.f32 [tilespmem:s12], [sflag:$0x1], $0x1, s29, s11, $0xb8;
	[tilespmem:$0x1980] =	vst v63  }
0xb6: {  	s29 =	simm.s32 $0x300  }
0xb7: {  	[spmem:s2] =	stream.indirect.scatter.add.f32 [tilespmem:s12], [sflag:$0x1], $0x1, s29, s11, $0xb8;
	[tilespmem:$0x1980] =	vst v63  }
0xb8: {  	s29 =	simm.s32 $0x380  }
0xb9: {  	[spmem:s2] =	stream.indirect.scatter.add.f32 [tilespmem:s12], [sflag:$0x1], $0x1, s29, s11, $0xb8;
	[tilespmem:$0x1980] =	vst v63  }
0xba: {  	s29 =	simm.s32 $0x400  }
0xbb: {  	[spmem:s2] =	stream.indirect.scatter.add.f32 [tilespmem:s12], [sflag:$0x1], $0x1, s29, s11, $0xb8;
	[tilespmem:$0x1980] =	vst v63  }
0xbc: {  	s29 =	simm.s32 $0x480  }
0xbd: {  	[spmem:s2] =	stream.indirect.scatter.add.f32 [tilespmem:s12], [sflag:$0x1], $0x1, s29, s11, $0xb8;
	[tilespmem:$0x1980] =	vst v63  }
0xbe: {  	s29 =	simm.s32 $0x500  }
0xbf: {  	[spmem:s2] =	stream.indirect.scatter.add.f32 [tilespmem:s12], [sflag:$0x1], $0x1, s29, s11, $0xb8;
	[tilespmem:$0x1980] =	vst v63  }
0xc0: {  	s29 =	simm.s32 $0x580  }
0xc1: {  	[spmem:s2] =	stream.indirect.scatter.add.f32 [tilespmem:s12], [sflag:$0x1], $0x1, s29, s11, $0xb8;
	[tilespmem:$0x1980] =	vst v63  }
0xc2: {  	s29 =	simm.s32 $0x600  }
0xc3: {  	[spmem:s2] =	stream.indirect.scatter.add.f32 [tilespmem:s12], [sflag:$0x1], $0x1, s29, s11, $0xb8;
	[tilespmem:$0x1980] =	vst v63  }
0xc4: {  	s29 =	simm.s32 $0x680  }
0xc5: {  	[spmem:s2] =	stream.indirect.scatter.add.f32 [tilespmem:s12], [sflag:$0x1], $0x1, s29, s11, $0xb8;
	[tilespmem:$0x1980] =	vst v63  }
0xc6: {  	s29 =	simm.s32 $0x700  }
0xc7: {  	[spmem:s2] =	stream.indirect.scatter.add.f32 [tilespmem:s12], [sflag:$0x1], $0x1, s29, s11, $0xb8;
	[tilespmem:$0x1980] =	vst v63  }
0xc8: {  	s29 =	simm.s32 $0x780  }
0xc9: {  	[spmem:s2] =	stream.indirect.scatter.add.f32 [tilespmem:s12], [sflag:$0x1], $0x1, s29, s11, $0xb8;
	[tilespmem:$0x1980] =	vst v63  }
0xca: {  	s29 =	simm.s32 $0x800  }
0xcb: {  	[spmem:s2] =	stream.indirect.scatter.add.f32 [tilespmem:s12], [sflag:$0x1], $0x1, s29, s11, $0xb8;
	[tilespmem:$0x1980] =	vst v63  }
0xcc: {  	s29 =	simm.s32 $0x880  }
0xcd: {  	[spmem:s2] =	stream.indirect.scatter.add.f32 [tilespmem:s12], [sflag:$0x1], $0x1, s29, s11, $0xb8;
	[tilespmem:$0x1980] =	vst v63  }
0xce: {  	s29 =	simm.s32 $0x900  }
0xcf: {  	[spmem:s2] =	stream.indirect.scatter.add.f32 [tilespmem:s12], [sflag:$0x1], $0x1, s29, s11, $0xb8;
	[tilespmem:$0x1980] =	vst v63  }
0xd0: {  	s29 =	simm.s32 $0x980  }
0xd1: {  	[spmem:s2] =	stream.indirect.scatter.add.f32 [tilespmem:s12], [sflag:$0x1], $0x1, s29, s11, $0xb8;
	[tilespmem:$0x1980] =	vst v63  }
0xd2: {  	_ = 	snop  }
0xd3: {  	[spmem:s2] =	stream.indirect.scatter.add.f32 [tilespmem:s12], [sflag:$0x1], $0x1, s0, s11, $0xb8;
	[tilespmem:$0x1980] =	vst v63  }
0xd4: {  	_ = 	snop  }
0xd5: {  	[spmem:s2] =	stream.indirect.scatter.add.f32 [tilespmem:s12], [sflag:$0x1], $0x1, s9, s11, $0xb8;
	[tilespmem:$0x1980] =	vst v63  }
0xd6: {  	_ = 	snop  }
0xd7: {  	[spmem:s2] =	stream.indirect.scatter.add.f32 [tilespmem:s12], [sflag:$0x1], $0x1, s1, s11, $0xb8;
	[tilespmem:$0x1980] =	vst v63  }
0xd8: {  	_ = 	snop  }
0xd9: {  	[spmem:s2] =	stream.indirect.scatter.add.f32 [tilespmem:s12], [sflag:$0x1], $0x1, s5, s11, $0xb8;
	[tilespmem:$0x1980] =	vst v63  }
0xda: {  	_ = 	snop  }
0xdb: {  	[spmem:s2] =	stream.indirect.scatter.add.f32 [tilespmem:s12], [sflag:$0x1], $0x1, s6, s11, $0xb8;
	[tilespmem:$0x1980] =	vst v63  }
0xdc: {  	_ = 	snop  }
0xdd: {  	[spmem:s2] =	stream.indirect.scatter.add.f32 [tilespmem:s12], [sflag:$0x1], $0x1, s7, s11, $0xb8;
	[tilespmem:$0x1980] =	vst v63  }
0xde: {  	_ = 	snop  }
0xdf: {  	[spmem:s2] =	stream.indirect.scatter.add.f32 [tilespmem:s12], [sflag:$0x1], $0x1, s8, s11, $0xb8;
	[tilespmem:$0x1980] =	vst v63  }
0xe0: {  	_ = 	snop  }
0xe1: {  	[spmem:s2] =	stream.indirect.scatter.add.f32 [tilespmem:s12], [sflag:$0x1], $0x1, s13, s11, $0xb8;
	[tilespmem:$0x1980] =	vst v63  }
0xe2: {  	_ = 	snop  }
0xe3: {  	[spmem:s2] =	stream.indirect.scatter.add.f32 [tilespmem:s12], [sflag:$0x1], $0x1, s14, s11, $0xb8;
	[tilespmem:$0x1980] =	vst v63  }
0xe4: {  	_ = 	snop  }
0xe5: {  	[spmem:s2] =	stream.indirect.scatter.add.f32 [tilespmem:s12], [sflag:$0x1], $0x1, s15, s11, $0xb8;
	[tilespmem:$0x1980] =	vst v63  }
0xe6: {  	_ = 	snop  }
0xe7: {  	[spmem:s2] =	stream.indirect.scatter.add.f32 [tilespmem:s12], [sflag:$0x1], $0x1, s16, s11, $0xb8;
	[tilespmem:$0x1980] =	vst v63  }
0xe8: {  	_ = 	snop  }
0xe9: {  	[spmem:s2] =	stream.indirect.scatter.add.f32 [tilespmem:s12], [sflag:$0x1], $0x1, s17, s11, $0xb8;
	[tilespmem:$0x1980] =	vst v63  }
0xea: {  	_ = 	snop  }
0xeb: {  	[spmem:s2] =	stream.indirect.scatter.add.f32 [tilespmem:s12], [sflag:$0x1], $0x1, s18, s11, $0xb8;
	[tilespmem:$0x1980] =	vst v63  }
0xec: {  	_ = 	snop  }
0xed: {  	[spmem:s2] =	stream.indirect.scatter.add.f32 [tilespmem:s12], [sflag:$0x1], $0x1, s19, s11, $0xb8;
	[tilespmem:$0x1980] =	vst v63  }
0xee: {  	_ = 	snop  }
0xef: {  	[spmem:s2] =	stream.indirect.scatter.add.f32 [tilespmem:s12], [sflag:$0x1], $0x1, s20, s11, $0xb8;
	[tilespmem:$0x1980] =	vst v63  }
0xf0: {  	_ = 	snop  }
0xf1: {  	[spmem:s2] =	stream.indirect.scatter.add.f32 [tilespmem:s12], [sflag:$0x1], $0x1, s21, s11, $0xb8;
	[tilespmem:$0x1980] =	vst v63  }
0xf2: {  	_ = 	snop  }
0xf3: {  	[spmem:s2] =	stream.indirect.scatter.add.f32 [tilespmem:s12], [sflag:$0x1], $0x1, s22, s11, $0xb8;
	[tilespmem:$0x1980] =	vst v63  }
0xf4: {  	_ = 	snop  }
0xf5: {  	[spmem:s2] =	stream.indirect.scatter.add.f32 [tilespmem:s12], [sflag:$0x1], $0x1, s23, s11, $0xb8;
	[tilespmem:$0x1980] =	vst v63  }
0xf6: {  	_ = 	snop  }
0xf7: {  	[spmem:s2] =	stream.indirect.scatter.add.f32 [tilespmem:s12], [sflag:$0x1], $0x1, s24, s11, $0xb8;
	[tilespmem:$0x1980] =	vst v63  }
0xf8: {  	_ = 	snop  }
0xf9: {  	[spmem:s2] =	stream.indirect.scatter.add.f32 [tilespmem:s12], [sflag:$0x1], $0x1, s25, s11, $0xb8;
	[tilespmem:$0x1980] =	vst v63  }
0xfa: {  	_ =	swait.ge [sflag:s26], $0x80  }
0xfb: {  	s29 =	simm.s32 $0x27;
	[sflag:s26] =	ssyncset.done $0x0  }
.LBB2_4:
0xfc: {  	p0 =	sne.s32 s29, $0x1;
	s29 =	sadd.s32 $0xFFFFFFFF, s29;
	[sflag:s26] =	ssyncadd.s32 $0xFFFFFF80  }
.Ltmp1:
0xfd: {  	(pc) =	sbr.rel @p0 .LBB2_4-.Ltmp1, $3  }
0xfe: {  	_ =	sdelay $0x1  }
0xff: {  	_ =	swait.ge [sflag:s26], $0x80  }
0x100: {  	[sflag:s26] =	ssyncset.done $0x0  }
0x101: {  	[sflag:s26] =	ssyncadd.s32 $0xFFFFFF80;
	s29 =	stileid.u32;
	s30 =	sshrl.u32 s4, $0x3  }
0x102: {  	s0 =	simm.s32 $0x20;
	s29 =	sshll.u32 s29, $0x6;
	[bflag:$0x0] =	sbarrier.arrive $0xFFFF  }
0x103: {  	s9 =	simm.s32 $0x10;
	s29 =	sor.u32 $0x1C02, s29;
	s31 =	rddreg [dreg:$0x5]  }
0x104: {  	[hbm:s31@s0], [sflag:s29] =	dma.strided [spmem:s30@s9], $0x50, s26, $0x10   }
0x105: {  	_ =	swait.ge [sflag:s10], $0x50  }
0x106: {  	s28 =	sadd.s32 $0x1, s28;
	s9 =	rddreg [dreg:$0x6]  }
0x107: {  	p0 =	sne.s32 s28, s9  }
.Ltmp2:
0x108: {  	_ = 	snop;
	(pc) =	sbr.rel @p0 .LBB2_1-.Ltmp2, $3  }
0x109: {  	_ =	sdelay $0x1  }
0x10a: {  	s30 =	simm.s32 $0x100;
	s31 =	simm.s32 $0x180;
	[sflag:s10] =	ssyncset.done $0x0  }
0x10b: {  	s0 =	simm.s32 $0xA00;
	[sflag:s10] =	ssyncadd.s32 $0xFFFFFFB0;
	s9 =	simm.s32 $0xA80  }
0x10c: {  	_ =	sfence.sel $0x180000  }
0x10d: {  	[bflag:$0x0] =	sbarrier.arrive $0xFFFF  }
0x10e: {  	_ =	strace $0x90000047  }
0x10f: {  	s0 =	stileid.u32;
	[bflag:$0x2] =	sbarrier.arrive $0xFFFF  }
0x110: {  	p0 =	sne.s32 s0, $0x0;
	s0 =	rddreg [dreg:$0x2]  }
0x111: {  	s0 =	sadd.s32 @!p0 $0x100000, s0  }
0x112: {  	[sflag:s0] =	ssyncadd.tile.s32 @!p0 $0x1;
	_ =	shalt  }
.Lfunc_end2:
_tile_overlayer_lowered:
.L_overlay_start_2:
0x113: {  	(tag) =	ssettag $0x2  }
0x114: {  	s0 =	rddreg [dreg:$0x0];
	s2 =	stileid.u32  }
0x115: {  	s1 =	rddreg [dreg:$0x1];
	p0 =	sne.s32 s2, $0x0  }
0x116: {  	s3 =	rddreg [dreg:$0x2];
	[bflag:$0x3] =	sbarrier.arrive $0xFFFF;
	s2 =	simm.s32 @!p0 $0x1C02  }
0x117: {  	[timem:s3], [sflag:s2] =	dma.local @!p0 [hbm:s0], s1  }
0x118: {  	s0 =	simm.s32 @!p0 $0x2  }
0x119: {  	_ =	swait.ge @!p0 [sflag:s0], s1  }
0x11a: {  	s1 =	ssub.s32 @!p0 $0x0, s1;
	[sflag:s0] =	ssyncset.done @!p0 $0x0  }
0x11b: {  	[sflag:s0] =	ssyncadd.s32 @!p0 s1  }
0x11c: {  	[bflag:$0x3] =	sbarrier.arrive $0xFFFF  }
0x11d: {  	_ =	shalt  }

// kernel: kernel.13.cloned.1.call-start
scs
__scs_entry_jumppad:
0x0: {  	(pc) =	sbr.rel $0x88, $3  }
0x1: {  	(tag) =	ssettag $0x0;
	lr =	simm.s32 $0x1  }
0x2: {  	[smem:$0x3F99] =	sst lr;
	_ =	strace $0xD0000000  }
0x3: {  	_ = 	snop  }
0x4: {  	_ = 	snop  }
0x5: {  	_ = 	snop  }
0x6: {  	_ = 	snop  }
0x7: {  	_ = 	snop  }
__scs_overlays_trampoline_lowered:
0x8: {  	[smem:$0x3FA8] =	sst s0  }
0x9: {  	[smem:$0x3FA9] =	sst s1  }
0xa: {  	[smem:$0x3FAA] =	sst s2  }
0xb: {  	[smem:$0x3FAB] =	sst s3  }
0xc: {  	[smem:$0x3FAC] =	sst s4  }
0xd: {  	[smem:$0x3FAD] =	sst s5  }
0xe: {  	[smem:$0x3FAE] =	sst s6  }
0xf: {  	[smem:$0x3FAF] =	sst s7  }
0x10: {  	[smem:$0x3FB0] =	sst s8  }
0x11: {  	[smem:$0x3FB1] =	sst s9;
	s0 =	simm.s32 @!p0 $0x0  }
0x12: {  	s1 =	sld [smem:$0x3F97];
	s0 =	simm.s32 @p0 $0x1  }
0x13: {  	[smem:$0x3FB2] =	sst s0;
	s0 =	simm.s32 @!p1 $0x0  }
0x14: {  	s2 =	sld [smem:$0x3F96];
	s0 =	simm.s32 @p1 $0x1  }
0x15: {  	[smem:$0x3FB3] =	sst s0;
	s0 =	simm.s32 @!p2 $0x0  }
0x16: {  	s3 =	sld [smem:$0x3FDB];
	s0 =	simm.s32 @p2 $0x1  }
0x17: {  	s4 =	simm.s32 $0x1BF5;
	[smem:$0x3FB5] =	sst s0  }
0x18: {  	s0 =	sld [smem:$0x3F98];
	_ =	swait.ge [sflag:s4], $0x0  }
0x19: {  	s7 =	sld [smem:$0x3F99]  }
0x1a: {  	s8 =	sadd.s32 $0xFFFFE003, lr  }
0x1b: {  	s9 =	sadd.s32 $0xFFFFFEF7, lr;
	s5 =	simm.s32 $0xFFFFFFFF;
	p2 =	slt.u32 s8, $0xFFFFF086  }
0x1c: {  	p1 =	slt.u32 s9, $0xF7A;
	s5 =	simm.s32 @!p2 $0x0  }
0x1d: {  	s5 =	simm.s32 @p1 $0x1;
	p0 =	seq.s32 s7, s2  }
0x1e: {  	s7 =	smul.u32 @!p0 $0xF7A, s2;
	p2 =	seq.s32 @!p0 s5, $0x0  }
0x1f: {  	s9 =	smul.u32 $0xF7A, s1;
	s8 =	simm.s32 @!p0 $0x1BF5;
	p2 =	por !p2, p0  }
0x20: {  	[sflag:s8] =	ssyncset.s32 @!p0 $0xFFFFF086;
	s6 =	sadd.s32 @!p0 s3, s7;
	s7 =	simm.s32 @!p0 $0x108  }
0x21: {  	s3 =	sadd.s32 s3, s9;
	s6 =	sadd.s32 @!p0 $0x88, s6;
	s7 =	simm.s32 @p2 $0x1082  }
0x22: {  	[simem:s7], [sflag:s8] =	dma.local @!p0 [hbm:s6], $0xF7A  }
0x23: {  	s9 =	sor.u32 $0xD0000000, s2;
	s6 =	simm.s32 $0x108;
	_ =	swait.ge @!p0 [sflag:s8], $0x0  }
0x24: {  	s3 =	sadd.s32 $0x88, s3;
	s6 =	simm.s32 @!p1 $0x1082;
	[sflag:s4] =	ssyncset.s32 $0xFFFFF086  }
0x25: {  	[simem:s6], [sflag:s4] =	dma.local [hbm:s3], $0xF7A  }
0x26: {  	[smem:$0x3F99] =	sst s1;
	(tag) =	ssettag s2;
	_ =	strace s9  }
0x27: {  	s1 =	sld [smem:$0x3FA9]  }
0x28: {  	s2 =	sld [smem:$0x3FAA]  }
0x29: {  	s4 =	sld [smem:$0x3FAC]  }
0x2a: {  	p0 =	seq.s32 s5, $0x0;
	s5 =	sld [smem:$0x3FAD]  }
0x2b: {  	s6 =	sld [smem:$0x3FAE]  }
0x2c: {  	s7 =	sld [smem:$0x3FAF]  }
0x2d: {  	s3 =	simm.s32 $0x108;
	s8 =	sld [smem:$0x3FB0]  }
0x2e: {  	s3 =	simm.s32 @!p0 $0x1082;
	s9 =	sld [smem:$0x3FB1]  }
0x2f: {  	lr =	sadd.s32 s0, s3;
	s0 =	sld [smem:$0x3FA8]  }
0x30: {  	s3 =	sld [smem:$0x3FAB]  }
0x31: {  	[smem:$0x3FB4] =	sst s10  }
0x32: {  	s10 =	sld [smem:$0x3FB2];
	_ =	sdelay $0x3  }
0x33: {  	p0 =	seq.s32 s10, $0x1;
	s10 =	sld [smem:$0x3FB4];
	_ =	sdelay $0x3  }
0x34: {  	[smem:$0x3FB4] =	sst s10  }
0x35: {  	s10 =	sld [smem:$0x3FB3];
	_ =	sdelay $0x3  }
0x36: {  	p1 =	seq.s32 s10, $0x1;
	s10 =	sld [smem:$0x3FB4];
	_ =	sdelay $0x3  }
0x37: {  	[smem:$0x3FB4] =	sst s10  }
0x38: {  	s10 =	sld [smem:$0x3FB5]  }
0x39: {  	_ = 	snop;
	(pc) =	sbr.ind lr, $3  }
0x3a: {  	_ = 	snop  }
0x3b: {  	_ = 	snop  }
0x3c: {  	p2 =	seq.s32 s10, $0x1;
	s10 =	sld [smem:$0x3FB4]  }
0x3d: {  	_ =	shalt  }
0x3e: {  	_ =	shalt  }
0x3f: {  	_ =	shalt  }
0x40: {  	_ =	shalt  }
0x41: {  	_ =	shalt  }
0x42: {  	_ =	shalt  }
0x43: {  	_ =	shalt  }
0x44: {  	_ =	shalt  }
0x45: {  	_ =	shalt  }
0x46: {  	_ =	shalt  }
0x47: {  	_ =	shalt  }
0x48: {  	_ =	shalt  }
0x49: {  	_ =	shalt  }
0x4a: {  	_ =	shalt  }
0x4b: {  	_ =	shalt  }
0x4c: {  	_ =	shalt  }
0x4d: {  	_ =	shalt  }
0x4e: {  	_ =	shalt  }
0x4f: {  	_ =	shalt  }
0x50: {  	_ =	shalt  }
0x51: {  	_ =	shalt  }
0x52: {  	_ =	shalt  }
0x53: {  	_ =	shalt  }
0x54: {  	_ =	shalt  }
0x55: {  	_ =	shalt  }
0x56: {  	_ =	shalt  }
0x57: {  	_ =	shalt  }
0x58: {  	_ =	shalt  }
0x59: {  	_ =	shalt  }
0x5a: {  	_ =	shalt  }
0x5b: {  	_ =	shalt  }
0x5c: {  	_ =	shalt  }
0x5d: {  	_ =	shalt  }
0x5e: {  	_ =	shalt  }
0x5f: {  	_ =	shalt  }
0x60: {  	_ =	shalt  }
0x61: {  	_ =	shalt  }
0x62: {  	_ =	shalt  }
0x63: {  	_ =	shalt  }
0x64: {  	_ =	shalt  }
0x65: {  	_ =	shalt  }
0x66: {  	_ =	shalt  }
0x67: {  	_ =	shalt  }
0x68: {  	_ =	shalt  }
0x69: {  	_ =	shalt  }
0x6a: {  	_ =	shalt  }
0x6b: {  	_ =	shalt  }
0x6c: {  	_ =	shalt  }
0x6d: {  	_ =	shalt  }
0x6e: {  	_ =	shalt  }
0x6f: {  	_ =	shalt  }
0x70: {  	_ =	shalt  }
0x71: {  	_ =	shalt  }
0x72: {  	_ =	shalt  }
0x73: {  	_ =	shalt  }
0x74: {  	_ =	shalt  }
0x75: {  	_ =	shalt  }
0x76: {  	_ =	shalt  }
0x77: {  	_ =	shalt  }
0x78: {  	_ =	shalt  }
0x79: {  	_ =	shalt  }
0x7a: {  	_ =	shalt  }
0x7b: {  	_ =	shalt  }
0x7c: {  	_ =	shalt  }
0x7d: {  	_ =	shalt  }
0x7e: {  	_ =	shalt  }
0x7f: {  	_ =	shalt  }
0x80: {  	_ =	shalt  }
0x81: {  	_ =	shalt  }
0x82: {  	_ =	shalt  }
0x83: {  	_ =	shalt  }
0x84: {  	_ =	shalt  }
0x85: {  	_ =	shalt  }
0x86: {  	_ =	shalt  }
0x87: {  	_ =	shalt  }
.Lfunc_end0:
.L_simem_size_0:
called_computation.1_lowered:
.L_overlay_start_0:
0x88: {  	s2 =	sld [smem:$0x3FD9]  }
0x89: {  	s3 =	sld [smem:$0x3FFE];
	_ =	sdelay $0x1  }
0x8a: {  	s1 =	srdreg.scid  }
0x8b: {  	s0 =	sand.u32 $0x1, s1  }
0x8c: {  	s16 =	sshll.u32 s0, $0xA;
	s2 =	sadd.s32 s3, s2  }
0x8d: {  	s2 =	sadd.s32 s2, s16  }
0x8e: {  	[smem:$0x3FC0] =	sst s2  }
0x8f: {  	_ = 	snop  }
0x90: {  	(tm) =	ssettm $0x1  }
0x91: {  	s17 =	sld [smem:$0x3FFB];
	_ =	sdelay $0x3  }
0x92: {  	_ =	strace s17  }
0x93: {  	s2 =	sld [smem:$0x3FFC];
	_ =	sdelay $0x3  }
0x94: {  	_ =	strace s2  }
0x95: {  	s2 =	sld [smem:$0x3FFD];
	_ =	sdelay $0x3  }
0x96: {  	_ =	strace s2  }
0x97: {  	_ =	strace $0x8FFFFFFF  }
0x98: {  	s18 =	sld [smem:$0x3FDB];
	_ =	sdelay $0x1  }
0x99: {  	s19 =	simm.s32 $_scs_section_size  }
0x9a: {  	s4 =	simm.s32 $_size__tile_overlayer_lowered;
	s5 =	simm.s32 $_tile_overlayer_lowered  }
0x9b: {  	s22 =	simm.s32 $0x1BFF;
	s21 =	sshll.u32 s5, $0x1;
	s2 =	sadd.s32 s19, s18  }
0x9c: {  	s6 =	simm.s32 $0x0;
	s20 =	sshll.u32 s4, $0x1;
	s4 =	sadd.s32 s21, s2  }
0x9d: {  	[timem:s6], [sflag:s22] =	dma.local [hbm:s4], s20  }
0x9e: {  	_ =	swait.ge [sflag:s22], s20  }
0x9f: {  	s3 =	ssub.s32 $0x0, s20;
	[sflag:s22] =	ssyncset.done $0x0  }
0xa0: {  	[sflag:s22] =	ssyncadd.s32 s3;
	_ =	sdelay $0x1  }
0xa1: {  	s23 =	simm.s32 $0x1B8B  }
0xa2: {  	_ =	swait.ge [sflag:s23], $0x1  }
0xa3: {  	[sflag:s23] =	ssyncset.done $0x0  }
0xa4: {  	s25 =	simm.s32 $0x1B8E;
	s24 =	sld [smem:$0x3FFE];
	[sflag:s23] =	ssyncadd.s32 $0xFFFFFFFF  }
0xa5: {  	s26 =	simm.s32 $execute0_lowered;
	[smem:$0x3FD2] =	sst s25  }
0xa6: {  	s4 =	sshll.u32 s26, $0x1;
	_ =	strace $0x80000049;
	[dreg:$0x1] =	wrdreg $0xFFFFFFFF  }
0xa7: {  	s28 =	simm.s32 $_size_execute0_lowered;
	s2 =	sadd.s32 s2, s4;
	[dreg:$0x0] =	wrdreg $0x0  }
0xa8: {  	s4 =	sshll.u32 s28, $0x1;
	[dreg:$0x2] =	wrdreg s2  }
0xa9: {  	[dreg:$0x3] =	wrdreg s4  }
0xaa: {  	[dreg:$0x4] =	wrdreg $0xC0  }
0xab: {  	_ =	task [dreg:s6], $0x5FFFF  }
0xac: {  	[dreg:$0x1] =	wrdreg $0xFFFFFFFF  }
0xad: {  	[dreg:$0x0] =	wrdreg $0x60  }
0xae: {  	[dreg:$0x2] =	wrdreg s24  }
0xaf: {  	[dreg:$0x3] =	wrdreg $0xA8000  }
0xb0: {  	[dreg:$0x4] =	wrdreg $0x9  }
0xb1: {  	_ =	task.clear_ibuf [dreg:s6], $0x5FFFF;
	_ =	strace $0x90000049  }
0xb2: {  	s29 =	simm.s32 $0x9;
	_ =	strace $0x8000004B  }
0xb3: {  	_ =	swait.ge [sflag:s29], $0x1  }
0xb4: {  	[sflag:s29] =	ssyncadd.s32 $0xFFFFFFFF  }
0xb5: {  	_ =	strace $0x9000004B  }
0xb6: {  	_ =	sfence  }
0xb7: {  	s30 =	sld [smem:$0x0];
	_ =	sdelay $0x2  }
0xb8: {  	s31 =	sshll.u32 s1, $0xD;
	s1 =	sshrl.u32 s1, $0x2  }
0xb9: {  	s3 =	sand.u32 $0x4000, s31;
	s1 =	sadd.s32 s1, s30  }
0xba: {  	s0 =	sor.u32 s3, s0;
	s1 =	sshll.u32 s1, $0x11  }
0xbb: {  	s0 =	sor.u32 s1, s0  }
0xbc: {  	s0 =	sadd.s32 $0x8F2B, s0  }
0xbd: {  	[sflag:s0] =	ssyncadd.remote.s32 $0x1  }
0xbe: {  	_ =	sfence.sel $0xFFFF  }
0xbf: {  	[dreg:$0x0] =	wrdreg $0xFFFFFFFF;
	(pc) =	sbr.abs _section_cstart, $3  }
0xc0: {  	[dreg:$0x1] =	wrdreg $0xFFFFFFFF  }
0xc1: {  	_ =	task.clear_ibuf [dreg:s6], $0x2FFFF;
	_ =	strace $0x9FFFFFFF  }
0xc2: {  	(tm) =	ssettm $0x7FFFFFFF  }
0xc3: {  	_ =	shalt  }
tec
execute0_lowered:
.L_overlay_start_1:
0x0: {  	(tag) =	ssettag $0x1  }
0x1: {  	s1 =	srdreg.scid  }
0x2: {  	s0 =	stileid.u32;
	s5 =	rddreg [dreg:$0x0]  }
0x3: {  	s2 =	rddreg [dreg:$0x1];
	s3 =	simm.s32 $0x0;
	s18 =	simm.s32 $0x6800  }
0x4: {  	s19 =	simm.s32 $0x1;
	s20 =	simm.s32 $0x2;
	s21 =	simm.s32 $0x1380  }
0x5: {  	s22 =	simm.s32 $0x2700;
	s23 =	simm.s32 $0x2780;
	s24 =	simm.s32 $0x0  }
0x6: {  	s7 =	sand.u32 $0x1, s1;
	s25 =	sshll.u32 s0, $0x1;
	s9 =	smul.u32 $0x14000, s0  }
0x7: {  	[smem:$0x7FF] =	sst s3;
	s4 =	sadd.s32 $0x26400, s5;
	s29 =	smul.u32 $0x50000, s0  }
0x8: {  	s11 =	sadd.s32 $0x4E400, s5;
	s14 =	smul.u32 $0x2800, s0;
	s16 =	sshll.u32 s0, $0x6  }
0x9: {  	s1 =	sor.u32 s7, s25;
	s8 =	smul.u32 $0x140000, s7;
	s28 =	ssub.s32 $0x2, s7  }
0xa: {  	p0 =	seq.s32 s7, $0x1;
	s15 =	smov.u32 s4;
	s16 =	sor.u32 $0x1C03, s16  }
0xb: {  	s6 =	smul.u32 $0x280, s1;
	s1 =	rddreg [dreg:$0x2];
	_ =	strace $0x8000004A  }
0xc: {  	s30 =	sshrl.u32 s28, $0x1;
	s31 =	sshrl.u32 s29, $0x2;
	s15 =	smov.u32 @p0 s11  }
0xd: {  	s26 =	sadd.s32 s9, s8;
	s13 =	ssub.s32 s28, s30;
	s17 =	sadd.s32 s31, s2  }
0xe: {  	s11 =	sadd.s32 s15, s14;
	s14 =	simm.s32 $0x80;
	s15 =	simm.s32 $0x2800  }
0xf: {  	s10 =	sadd.s32 s6, s5;
	s6 =	sshrl.u32 s26, $0x3;
	s17 =	sshrl.u32 s17, $0x3  }
0x10: {  	s12 =	sadd.s32 s6, s5;
	s5 =	sadd.s32 $0x12400, s10;
	s6 =	sadd.s32 $0x2A00, s10  }
0x11: {  	s7 =	sadd.s32 $0x17400, s10;
	s8 =	sadd.s32 $0x7A00, s10;
	s10 =	smax.u32 s13, $0x1  }
0x12: {  	s13 =	simm.s32 $0x1400;
	s9 =	sadd.s32 $0x76400, s12;
	s12 =	simm.s32 $0x3  }
.LBB2_1:
0x13: {  	[tilespmem:s3], [sflag:$0x3] =	stream.linear.gather [hbm4b:s5+s3], $0x1400, $0x38;
	[tilespmem:$0x1E800] =	vst v63  }
0x14: {  	_ =	swait.ge [sflag:s12], $0x1400  }
0x15: {  	[sflag:s12] =	ssyncset.done $0x0  }
0x16: {  	[sflag:s12] =	ssyncadd.s32 $0xFFFFEC00  }
0x17: {  	[tilespmem:s13], [sflag:$0x3] =	stream.linear.gather [hbm4b:s6+s3], $0x1400, $0x38;
	[tilespmem:$0x1E800] =	vst v63  }
0x18: {  	_ =	swait.ge [sflag:s12], $0x1400  }
0x19: {  	[sflag:s12] =	ssyncset.done $0x0  }
0x1a: {  	[sflag:s12] =	ssyncadd.s32 $0xFFFFEC00  }
0x1b: {  	[tilespmem:s15], [sflag:$0x1] =	stream.indirect.gather [hbm4b:s4+s14], $0x80, s3, s14, $0xb8;
	[tilespmem:$0x1E800] =	vst v63  }
0x1c: {  	[spmem:s17], [sflag:s16] =	dma.local [hbm:s11], $0x2800  }
0x1d: {  	_ =	swait.ge [sflag:s12], $0x2800  }
0x1e: {  	[sflag:s12] =	ssyncset.done $0x0  }
0x1f: {  	[sflag:s12] =	ssyncadd.s32 $0xFFFFD800  }
0x20: {  	s25 =	simm.s32 $0x80;
	[bflag:$0x0] =	sbarrier.arrive $0xFFFF  }
0x21: {  	[tilespmem:s18], [sflag:$0x2] =	stream.indirect.gather [hbm4b:s4+s14], $0x80, s25, s14, $0xb8;
	[tilespmem:$0x1E800] =	vst v63  }
0x22: {  	_ =	swait.ge [sflag:s19], $0x4000  }
0x23: {  	[sflag:s19] =	ssyncset.done $0x0  }
0x24: {  	s29 =	simm.s32 $0x1400;
	[sflag:s19] =	ssyncadd.s32 $0xFFFFC000  }
0x25: {  	[spmem:s2] =	stream.indirect.scatter.add.f32 [tilespmem:s15], [sflag:$0x3], $0x80, s29, s14, $0xb8;
	[tilespmem:$0x1E800] =	vst v63  }
0x26: {  	_ =	swait.ge [sflag:s12], $0x4000  }
0x27: {  	[sflag:s12] =	ssyncset.done $0x0  }
0x28: {  	s30 =	simm.s32 $0x100;
	[sflag:s12] =	ssyncadd.s32 $0xFFFFC000  }
0x29: {  	[tilespmem:s15], [sflag:$0x1] =	stream.indirect.gather [hbm4b:s4+s14], $0x80, s30, s14, $0xb8;
	[tilespmem:$0x1E800] =	vst v63  }
0x2a: {  	_ =	swait.ge [sflag:s20], $0x4000  }
0x2b: {  	[sflag:s20] =	ssyncset.done $0x0  }
0x2c: {  	s31 =	simm.s32 $0x1480;
	[sflag:s20] =	ssyncadd.s32 $0xFFFFC000  }
0x2d: {  	[spmem:s2] =	stream.indirect.scatter.add.f32 [tilespmem:s18], [sflag:$0x3], $0x80, s31, s14, $0xb8;
	[tilespmem:$0x1E800] =	vst v63  }
0x2e: {  	_ =	swait.ge [sflag:s12], $0x4000  }
0x2f: {  	s26 =	simm.s32 $0x800;
	s25 =	simm.s32 $0x100;
	[sflag:s12] =	ssyncset.done $0x0  }
.LBB2_2:
0x30: {  	s28 =	sadd.s32 $0x80, s25  }
0x31: {  	[sflag:s12] =	ssyncadd.s32 $0xFFFFC000;
	s29 =	smov.u32 s26;
	s30 =	sadd.s32 $0x400, s26  }
0x32: {  	[tilespmem:s18], [sflag:$0x2] =	stream.indirect.gather [hbm4b:s4+s14], $0x80, s28, s14, $0xb8;
	[tilespmem:$0x1E800] =	vst v63  }
0x33: {  	p0 =	sne.s32 s26, $0x4800;
	_ =	swait.ge [sflag:s19], $0x4000  }
0x34: {  	[sflag:s19] =	ssyncset.done $0x0  }
0x35: {  	s26 =	sadd.s32 $0x1400, s25;
	[sflag:s19] =	ssyncadd.s32 $0xFFFFC000  }
0x36: {  	[spmem:s2] =	stream.indirect.scatter.add.f32 [tilespmem:s15], [sflag:$0x3], $0x80, s26, s14, $0xb8;
	[tilespmem:$0x1E800] =	vst v63  }
0x37: {  	_ =	swait.ge [sflag:s12], $0x4000  }
0x38: {  	[sflag:s12] =	ssyncset.done $0x0  }
0x39: {  	s26 =	sadd.s32 $0x100, s25;
	[sflag:s12] =	ssyncadd.s32 $0xFFFFC000  }
0x3a: {  	[tilespmem:s15], [sflag:$0x1] =	stream.indirect.gather [hbm4b:s4+s14], $0x80, s26, s14, $0xb8;
	[tilespmem:$0x1E800] =	vst v63  }
0x3b: {  	_ =	swait.ge [sflag:s20], $0x4000  }
.Ltmp0:
0x3c: {  	[sflag:s20] =	ssyncset.done $0x0;
	(pc) =	sbr.rel @p0 .LBB2_2-.Ltmp0, $4  }
0x3d: {  	s25 =	sadd.s32 $0x1480, s25;
	[sflag:s20] =	ssyncadd.s32 $0xFFFFC000  }
0x3e: {  	[spmem:s2] =	stream.indirect.scatter.add.f32 [tilespmem:s18], [sflag:$0x3], $0x80, s25, s14, $0xb8;
	[tilespmem:$0x1E800] =	vst v63  }
0x3f: {  	_ =	swait.ge [sflag:s12], $0x4000  }
0x40: {  	s26 =	smov.u32 s30;
	s25 =	sshra.s32 s29, $0x2;
	[sflag:s12] =	ssyncset.done $0x0  }
0x41: {  	s26 =	sadd.s32 $0x80, s25;
	[sflag:s12] =	ssyncadd.s32 $0xFFFFC000  }
0x42: {  	[tilespmem:s18], [sflag:$0x2] =	stream.indirect.gather [hbm4b:s4+s14], $0x80, s26, s14, $0xb8;
	[tilespmem:$0x1E800] =	vst v63  }
0x43: {  	_ =	swait.ge [sflag:s19], $0x4000  }
0x44: {  	[sflag:s19] =	ssyncset.done $0x0  }
0x45: {  	s29 =	sadd.s32 $0x1400, s25;
	[sflag:s19] =	ssyncadd.s32 $0xFFFFC000  }
0x46: {  	[spmem:s2] =	stream.indirect.scatter.add.f32 [tilespmem:s15], [sflag:$0x3], $0x80, s29, s14, $0xb8;
	[tilespmem:$0x1E800] =	vst v63  }
0x47: {  	_ =	swait.ge [sflag:s12], $0x4000  }
0x48: {  	[sflag:s12] =	ssyncset.done $0x0  }
0x49: {  	s30 =	sadd.s32 $0x100, s25;
	[sflag:s12] =	ssyncadd.s32 $0xFFFFC000  }
0x4a: {  	[tilespmem:s15], [sflag:$0x1] =	stream.indirect.gather [hbm4b:s4+s14], $0x80, s30, s14, $0xb8;
	[tilespmem:$0x1E800] =	vst v63  }
0x4b: {  	_ =	swait.ge [sflag:s20], $0x4000  }
0x4c: {  	[sflag:s20] =	ssyncset.done $0x0  }
0x4d: {  	s31 =	sadd.s32 $0x1480, s25;
	[sflag:s20] =	ssyncadd.s32 $0xFFFFC000  }
0x4e: {  	[spmem:s2] =	stream.indirect.scatter.add.f32 [tilespmem:s18], [sflag:$0x3], $0x80, s31, s14, $0xb8;
	[tilespmem:$0x1E800] =	vst v63  }
0x4f: {  	_ =	swait.ge [sflag:s12], $0x4000  }
0x50: {  	[sflag:s12] =	ssyncset.done $0x0  }
0x51: {  	[sflag:s12] =	ssyncadd.s32 $0xFFFFC000  }
0x52: {  	[tilespmem:s18], [sflag:$0x2] =	stream.indirect.gather [hbm4b:s4+s14], $0x80, s21, s14, $0xb8;
	[tilespmem:$0x1E800] =	vst v63  }
0x53: {  	_ =	swait.ge [sflag:s19], $0x4000  }
0x54: {  	[sflag:s19] =	ssyncset.done $0x0  }
0x55: {  	[sflag:s19] =	ssyncadd.s32 $0xFFFFC000  }
0x56: {  	[spmem:s2] =	stream.indirect.scatter.add.f32 [tilespmem:s15], [sflag:$0x3], $0x80, s22, s14, $0xb8;
	[tilespmem:$0x1E800] =	vst v63  }
0x57: {  	_ =	swait.ge [sflag:s12], $0x4000  }
0x58: {  	[sflag:s12] =	ssyncset.done $0x0  }
0x59: {  	[sflag:s12] =	ssyncadd.s32 $0xFFFFC000  }
0x5a: {  	_ =	swait.ge [sflag:s20], $0x4000  }
0x5b: {  	[sflag:s20] =	ssyncset.done $0x0  }
0x5c: {  	[sflag:s20] =	ssyncadd.s32 $0xFFFFC000  }
0x5d: {  	[spmem:s2] =	stream.indirect.scatter.add.f32 [tilespmem:s18], [sflag:$0x3], $0x80, s23, s14, $0xb8;
	[tilespmem:$0x1E800] =	vst v63  }
0x5e: {  	_ =	swait.ge [sflag:s12], $0x4000  }
0x5f: {  	[sflag:s12] =	ssyncset.done $0x0  }
0x60: {  	s26 =	simm.s32 $0x0;
	[sflag:s12] =	ssyncadd.s32 $0xFFFFC000  }
0x61: {  	[tilespmem:s26], [sflag:$0x3] =	stream.linear.gather [hbm4b:s7+s26], $0x1400, $0x38;
	[tilespmem:$0x1E800] =	vst v63  }
0x62: {  	_ =	swait.ge [sflag:s12], $0x1400  }
0x63: {  	[sflag:s12] =	ssyncset.done $0x0  }
0x64: {  	[sflag:s12] =	ssyncadd.s32 $0xFFFFEC00  }
0x65: {  	[tilespmem:s13], [sflag:$0x3] =	stream.linear.gather [hbm4b:s8+s26], $0x1400, $0x38;
	[tilespmem:$0x1E800] =	vst v63  }
0x66: {  	_ =	swait.ge [sflag:s12], $0x1400  }
0x67: {  	[sflag:s12] =	ssyncset.done $0x0  }
0x68: {  	[sflag:s12] =	ssyncadd.s32 $0xFFFFEC00  }
0x69: {  	[tilespmem:s15], [sflag:$0x1] =	stream.indirect.gather [hbm4b:s4+s14], $0x80, s26, s14, $0xb8;
	[tilespmem:$0x1E800] =	vst v63  }
0x6a: {  	s28 =	simm.s32 $0x80  }
0x6b: {  	[tilespmem:s18], [sflag:$0x2] =	stream.indirect.gather [hbm4b:s4+s14], $0x80, s28, s14, $0xb8;
	[tilespmem:$0x1E800] =	vst v63  }
0x6c: {  	_ =	swait.ge [sflag:s19], $0x4000  }
0x6d: {  	[sflag:s19] =	ssyncset.done $0x0  }
0x6e: {  	s29 =	simm.s32 $0x1400;
	[sflag:s19] =	ssyncadd.s32 $0xFFFFC000  }
0x6f: {  	[spmem:s2] =	stream.indirect.scatter.add.f32 [tilespmem:s15], [sflag:$0x3], $0x80, s29, s14, $0xb8;
	[tilespmem:$0x1E800] =	vst v63  }
0x70: {  	_ =	swait.ge [sflag:s12], $0x4000  }
0x71: {  	[sflag:s12] =	ssyncset.done $0x0  }
0x72: {  	s30 =	simm.s32 $0x100;
	[sflag:s12] =	ssyncadd.s32 $0xFFFFC000  }
0x73: {  	[tilespmem:s15], [sflag:$0x1] =	stream.indirect.gather [hbm4b:s4+s14], $0x80, s30, s14, $0xb8;
	[tilespmem:$0x1E800] =	vst v63  }
0x74: {  	_ =	swait.ge [sflag:s20], $0x4000  }
0x75: {  	[sflag:s20] =	ssyncset.done $0x0  }
0x76: {  	s31 =	simm.s32 $0x1480;
	[sflag:s20] =	ssyncadd.s32 $0xFFFFC000  }
0x77: {  	[spmem:s2] =	stream.indirect.scatter.add.f32 [tilespmem:s18], [sflag:$0x3], $0x80, s31, s14, $0xb8;
	[tilespmem:$0x1E800] =	vst v63  }
0x78: {  	_ =	swait.ge [sflag:s12], $0x4000  }
0x79: {  	s25 =	simm.s32 $0x100;
	s26 =	simm.s32 $0x800;
	[sflag:s12] =	ssyncset.done $0x0  }
.LBB2_4:
0x7a: {  	s28 =	sadd.s32 $0x80, s25  }
0x7b: {  	[sflag:s12] =	ssyncadd.s32 $0xFFFFC000;
	s29 =	smov.u32 s26;
	s30 =	sadd.s32 $0x400, s26  }
0x7c: {  	[tilespmem:s18], [sflag:$0x2] =	stream.indirect.gather [hbm4b:s4+s14], $0x80, s28, s14, $0xb8;
	[tilespmem:$0x1E800] =	vst v63  }
0x7d: {  	p0 =	sne.s32 s26, $0x4800;
	_ =	swait.ge [sflag:s19], $0x4000  }
0x7e: {  	[sflag:s19] =	ssyncset.done $0x0  }
0x7f: {  	s26 =	sadd.s32 $0x1400, s25;
	[sflag:s19] =	ssyncadd.s32 $0xFFFFC000  }
0x80: {  	[spmem:s2] =	stream.indirect.scatter.add.f32 [tilespmem:s15], [sflag:$0x3], $0x80, s26, s14, $0xb8;
	[tilespmem:$0x1E800] =	vst v63  }
0x81: {  	_ =	swait.ge [sflag:s12], $0x4000  }
0x82: {  	[sflag:s12] =	ssyncset.done $0x0  }
0x83: {  	s26 =	sadd.s32 $0x100, s25;
	[sflag:s12] =	ssyncadd.s32 $0xFFFFC000  }
0x84: {  	[tilespmem:s15], [sflag:$0x1] =	stream.indirect.gather [hbm4b:s4+s14], $0x80, s26, s14, $0xb8;
	[tilespmem:$0x1E800] =	vst v63  }
0x85: {  	_ =	swait.ge [sflag:s20], $0x4000  }
.Ltmp1:
0x86: {  	[sflag:s20] =	ssyncset.done $0x0;
	(pc) =	sbr.rel @p0 .LBB2_4-.Ltmp1, $4  }
0x87: {  	s25 =	sadd.s32 $0x1480, s25;
	[sflag:s20] =	ssyncadd.s32 $0xFFFFC000  }
0x88: {  	[spmem:s2] =	stream.indirect.scatter.add.f32 [tilespmem:s18], [sflag:$0x3], $0x80, s25, s14, $0xb8;
	[tilespmem:$0x1E800] =	vst v63  }
0x89: {  	_ =	swait.ge [sflag:s12], $0x4000  }
0x8a: {  	s26 =	smov.u32 s30;
	s25 =	sshra.s32 s29, $0x2;
	[sflag:s12] =	ssyncset.done $0x0  }
0x8b: {  	s26 =	sadd.s32 $0x80, s25;
	[sflag:s12] =	ssyncadd.s32 $0xFFFFC000  }
0x8c: {  	[tilespmem:s18], [sflag:$0x2] =	stream.indirect.gather [hbm4b:s4+s14], $0x80, s26, s14, $0xb8;
	[tilespmem:$0x1E800] =	vst v63  }
0x8d: {  	_ =	swait.ge [sflag:s19], $0x4000  }
0x8e: {  	[sflag:s19] =	ssyncset.done $0x0  }
0x8f: {  	s29 =	sadd.s32 $0x1400, s25;
	[sflag:s19] =	ssyncadd.s32 $0xFFFFC000  }
0x90: {  	[spmem:s2] =	stream.indirect.scatter.add.f32 [tilespmem:s15], [sflag:$0x3], $0x80, s29, s14, $0xb8;
	[tilespmem:$0x1E800] =	vst v63  }
0x91: {  	_ =	swait.ge [sflag:s12], $0x4000  }
0x92: {  	[sflag:s12] =	ssyncset.done $0x0  }
0x93: {  	s30 =	sadd.s32 $0x100, s25;
	[sflag:s12] =	ssyncadd.s32 $0xFFFFC000  }
0x94: {  	[tilespmem:s15], [sflag:$0x1] =	stream.indirect.gather [hbm4b:s4+s14], $0x80, s30, s14, $0xb8;
	[tilespmem:$0x1E800] =	vst v63  }
0x95: {  	_ =	swait.ge [sflag:s20], $0x4000  }
0x96: {  	[sflag:s20] =	ssyncset.done $0x0  }
0x97: {  	s31 =	sadd.s32 $0x1480, s25;
	[sflag:s20] =	ssyncadd.s32 $0xFFFFC000  }
0x98: {  	[spmem:s2] =	stream.indirect.scatter.add.f32 [tilespmem:s18], [sflag:$0x3], $0x80, s31, s14, $0xb8;
	[tilespmem:$0x1E800] =	vst v63  }
0x99: {  	_ =	swait.ge [sflag:s12], $0x4000  }
0x9a: {  	[sflag:s12] =	ssyncset.done $0x0  }
0x9b: {  	[sflag:s12] =	ssyncadd.s32 $0xFFFFC000  }
0x9c: {  	[tilespmem:s18], [sflag:$0x2] =	stream.indirect.gather [hbm4b:s4+s14], $0x80, s21, s14, $0xb8;
	[tilespmem:$0x1E800] =	vst v63  }
0x9d: {  	_ =	swait.ge [sflag:s19], $0x4000  }
0x9e: {  	[sflag:s19] =	ssyncset.done $0x0  }
0x9f: {  	[sflag:s19] =	ssyncadd.s32 $0xFFFFC000  }
0xa0: {  	[spmem:s2] =	stream.indirect.scatter.add.f32 [tilespmem:s15], [sflag:$0x3], $0x80, s22, s14, $0xb8;
	[tilespmem:$0x1E800] =	vst v63  }
0xa1: {  	_ =	swait.ge [sflag:s12], $0x4000  }
0xa2: {  	[sflag:s12] =	ssyncset.done $0x0  }
0xa3: {  	[sflag:s12] =	ssyncadd.s32 $0xFFFFC000  }
0xa4: {  	_ =	swait.ge [sflag:s20], $0x4000  }
0xa5: {  	[sflag:s20] =	ssyncset.done $0x0  }
0xa6: {  	[sflag:s20] =	ssyncadd.s32 $0xFFFFC000  }
0xa7: {  	[spmem:s2] =	stream.indirect.scatter.add.f32 [tilespmem:s18], [sflag:$0x3], $0x80, s23, s14, $0xb8;
	[tilespmem:$0x1E800] =	vst v63  }
0xa8: {  	_ =	swait.ge [sflag:s12], $0x4000  }
0xa9: {  	s24 =	sadd.s32 $0x1, s24;
	[sflag:s12] =	ssyncset.done $0x0  }
0xaa: {  	p0 =	sne.s32 s24, s10;
	[sflag:s12] =	ssyncadd.s32 $0xFFFFC000  }
.Ltmp2:
0xab: {  	[bflag:$0x0] =	sbarrier.arrive $0xFFFF;
	(pc) =	sbr.rel @p0 .LBB2_1-.Ltmp2, $4  }
0xac: {  	[hbm:s9], [sflag:s16] =	dma.local [spmem:s17], $0x2800  }
0xad: {  	_ =	swait.ge [sflag:s12], $0x2800  }
0xae: {  	[sflag:s12] =	ssyncset.done $0x0  }
0xaf: {  	[sflag:s12] =	ssyncadd.s32 $0xFFFFD800  }
0xb0: {  	_ =	sfence.sel $0x180000  }
0xb1: {  	[bflag:$0x0] =	sbarrier.arrive $0xFFFF  }
0xb2: {  	p0 =	sne.s32 s0, $0x0;
	_ =	strace $0x9000004A  }
0xb3: {  	s0 =	sadd.s32 @!p0 $0x100000, s1;
	[bflag:$0x2] =	sbarrier.arrive $0xFFFF  }
0xb4: {  	[sflag:s0] =	ssyncadd.tile.s32 @!p0 $0x1;
	_ =	shalt  }
.Lfunc_end2:
_tile_overlayer_lowered:
.L_overlay_start_2:
0xb5: {  	(tag) =	ssettag $0x2  }
0xb6: {  	s0 =	rddreg [dreg:$0x0];
	s2 =	stileid.u32  }
0xb7: {  	s1 =	rddreg [dreg:$0x1];
	p0 =	sne.s32 s2, $0x0  }
0xb8: {  	s3 =	rddreg [dreg:$0x2];
	[bflag:$0x3] =	sbarrier.arrive $0xFFFF;
	s2 =	simm.s32 @!p0 $0x1C03  }
0xb9: {  	[timem:s3], [sflag:s2] =	dma.local @!p0 [hbm:s0], s1  }
0xba: {  	s0 =	simm.s32 @!p0 $0x3  }
0xbb: {  	_ =	swait.ge @!p0 [sflag:s0], s1  }
0xbc: {  	s1 =	ssub.s32 @!p0 $0x0, s1;
	[sflag:s0] =	ssyncset.done @!p0 $0x0  }
0xbd: {  	[sflag:s0] =	ssyncadd.s32 @!p0 s1  }
0xbe: {  	[bflag:$0x3] =	sbarrier.arrive $0xFFFF  }
0xbf: {  	_ =	shalt  }

// kernel: kernel.16.cloned.1.call-start
scs
__scs_entry_jumppad:
0x0: {  	(pc) =	sbr.rel $0x88, $3  }
0x1: {  	(tag) =	ssettag $0x0;
	lr =	simm.s32 $0x1  }
0x2: {  	[smem:$0x3F99] =	sst lr;
	_ =	strace $0xD0000000  }
0x3: {  	_ = 	snop  }
0x4: {  	_ = 	snop  }
0x5: {  	_ = 	snop  }
0x6: {  	_ = 	snop  }
0x7: {  	_ = 	snop  }
__scs_overlays_trampoline_lowered:
0x8: {  	[smem:$0x3FA8] =	sst s0  }
0x9: {  	[smem:$0x3FA9] =	sst s1  }
0xa: {  	[smem:$0x3FAA] =	sst s2  }
0xb: {  	[smem:$0x3FAB] =	sst s3  }
0xc: {  	[smem:$0x3FAC] =	sst s4  }
0xd: {  	[smem:$0x3FAD] =	sst s5  }
0xe: {  	[smem:$0x3FAE] =	sst s6  }
0xf: {  	[smem:$0x3FAF] =	sst s7  }
0x10: {  	[smem:$0x3FB0] =	sst s8  }
0x11: {  	[smem:$0x3FB1] =	sst s9;
	s0 =	simm.s32 @!p0 $0x0  }
0x12: {  	s1 =	sld [smem:$0x3F97];
	s0 =	simm.s32 @p0 $0x1  }
0x13: {  	[smem:$0x3FB2] =	sst s0;
	s0 =	simm.s32 @!p1 $0x0  }
0x14: {  	s2 =	sld [smem:$0x3F96];
	s0 =	simm.s32 @p1 $0x1  }
0x15: {  	[smem:$0x3FB3] =	sst s0;
	s0 =	simm.s32 @!p2 $0x0  }
0x16: {  	s3 =	sld [smem:$0x3FDB];
	s0 =	simm.s32 @p2 $0x1  }
0x17: {  	s4 =	simm.s32 $0x1BF5;
	[smem:$0x3FB5] =	sst s0  }
0x18: {  	s0 =	sld [smem:$0x3F98];
	_ =	swait.ge [sflag:s4], $0x0  }
0x19: {  	s7 =	sld [smem:$0x3F99]  }
0x1a: {  	s8 =	sadd.s32 $0xFFFFE003, lr  }
0x1b: {  	s9 =	sadd.s32 $0xFFFFFEF7, lr;
	s5 =	simm.s32 $0xFFFFFFFF;
	p2 =	slt.u32 s8, $0xFFFFF086  }
0x1c: {  	p1 =	slt.u32 s9, $0xF7A;
	s5 =	simm.s32 @!p2 $0x0  }
0x1d: {  	s5 =	simm.s32 @p1 $0x1;
	p0 =	seq.s32 s7, s2  }
0x1e: {  	s7 =	smul.u32 @!p0 $0xF7A, s2;
	p2 =	seq.s32 @!p0 s5, $0x0  }
0x1f: {  	s9 =	smul.u32 $0xF7A, s1;
	s8 =	simm.s32 @!p0 $0x1BF5;
	p2 =	por !p2, p0  }
0x20: {  	[sflag:s8] =	ssyncset.s32 @!p0 $0xFFFFF086;
	s6 =	sadd.s32 @!p0 s3, s7;
	s7 =	simm.s32 @!p0 $0x108  }
0x21: {  	s3 =	sadd.s32 s3, s9;
	s6 =	sadd.s32 @!p0 $0x88, s6;
	s7 =	simm.s32 @p2 $0x1082  }
0x22: {  	[simem:s7], [sflag:s8] =	dma.local @!p0 [hbm:s6], $0xF7A  }
0x23: {  	s9 =	sor.u32 $0xD0000000, s2;
	s6 =	simm.s32 $0x108;
	_ =	swait.ge @!p0 [sflag:s8], $0x0  }
0x24: {  	s3 =	sadd.s32 $0x88, s3;
	s6 =	simm.s32 @!p1 $0x1082;
	[sflag:s4] =	ssyncset.s32 $0xFFFFF086  }
0x25: {  	[simem:s6], [sflag:s4] =	dma.local [hbm:s3], $0xF7A  }
0x26: {  	[smem:$0x3F99] =	sst s1;
	(tag) =	ssettag s2;
	_ =	strace s9  }
0x27: {  	s1 =	sld [smem:$0x3FA9]  }
0x28: {  	s2 =	sld [smem:$0x3FAA]  }
0x29: {  	s4 =	sld [smem:$0x3FAC]  }
0x2a: {  	p0 =	seq.s32 s5, $0x0;
	s5 =	sld [smem:$0x3FAD]  }
0x2b: {  	s6 =	sld [smem:$0x3FAE]  }
0x2c: {  	s7 =	sld [smem:$0x3FAF]  }
0x2d: {  	s3 =	simm.s32 $0x108;
	s8 =	sld [smem:$0x3FB0]  }
0x2e: {  	s3 =	simm.s32 @!p0 $0x1082;
	s9 =	sld [smem:$0x3FB1]  }
0x2f: {  	lr =	sadd.s32 s0, s3;
	s0 =	sld [smem:$0x3FA8]  }
0x30: {  	s3 =	sld [smem:$0x3FAB]  }
0x31: {  	[smem:$0x3FB4] =	sst s10  }
0x32: {  	s10 =	sld [smem:$0x3FB2];
	_ =	sdelay $0x3  }
0x33: {  	p0 =	seq.s32 s10, $0x1;
	s10 =	sld [smem:$0x3FB4];
	_ =	sdelay $0x3  }
0x34: {  	[smem:$0x3FB4] =	sst s10  }
0x35: {  	s10 =	sld [smem:$0x3FB3];
	_ =	sdelay $0x3  }
0x36: {  	p1 =	seq.s32 s10, $0x1;
	s10 =	sld [smem:$0x3FB4];
	_ =	sdelay $0x3  }
0x37: {  	[smem:$0x3FB4] =	sst s10  }
0x38: {  	s10 =	sld [smem:$0x3FB5]  }
0x39: {  	_ = 	snop;
	(pc) =	sbr.ind lr, $3  }
0x3a: {  	_ = 	snop  }
0x3b: {  	_ = 	snop  }
0x3c: {  	p2 =	seq.s32 s10, $0x1;
	s10 =	sld [smem:$0x3FB4]  }
0x3d: {  	_ =	shalt  }
0x3e: {  	_ =	shalt  }
0x3f: {  	_ =	shalt  }
0x40: {  	_ =	shalt  }
0x41: {  	_ =	shalt  }
0x42: {  	_ =	shalt  }
0x43: {  	_ =	shalt  }
0x44: {  	_ =	shalt  }
0x45: {  	_ =	shalt  }
0x46: {  	_ =	shalt  }
0x47: {  	_ =	shalt  }
0x48: {  	_ =	shalt  }
0x49: {  	_ =	shalt  }
0x4a: {  	_ =	shalt  }
0x4b: {  	_ =	shalt  }
0x4c: {  	_ =	shalt  }
0x4d: {  	_ =	shalt  }
0x4e: {  	_ =	shalt  }
0x4f: {  	_ =	shalt  }
0x50: {  	_ =	shalt  }
0x51: {  	_ =	shalt  }
0x52: {  	_ =	shalt  }
0x53: {  	_ =	shalt  }
0x54: {  	_ =	shalt  }
0x55: {  	_ =	shalt  }
0x56: {  	_ =	shalt  }
0x57: {  	_ =	shalt  }
0x58: {  	_ =	shalt  }
0x59: {  	_ =	shalt  }
0x5a: {  	_ =	shalt  }
0x5b: {  	_ =	shalt  }
0x5c: {  	_ =	shalt  }
0x5d: {  	_ =	shalt  }
0x5e: {  	_ =	shalt  }
0x5f: {  	_ =	shalt  }
0x60: {  	_ =	shalt  }
0x61: {  	_ =	shalt  }
0x62: {  	_ =	shalt  }
0x63: {  	_ =	shalt  }
0x64: {  	_ =	shalt  }
0x65: {  	_ =	shalt  }
0x66: {  	_ =	shalt  }
0x67: {  	_ =	shalt  }
0x68: {  	_ =	shalt  }
0x69: {  	_ =	shalt  }
0x6a: {  	_ =	shalt  }
0x6b: {  	_ =	shalt  }
0x6c: {  	_ =	shalt  }
0x6d: {  	_ =	shalt  }
0x6e: {  	_ =	shalt  }
0x6f: {  	_ =	shalt  }
0x70: {  	_ =	shalt  }
0x71: {  	_ =	shalt  }
0x72: {  	_ =	shalt  }
0x73: {  	_ =	shalt  }
0x74: {  	_ =	shalt  }
0x75: {  	_ =	shalt  }
0x76: {  	_ =	shalt  }
0x77: {  	_ =	shalt  }
0x78: {  	_ =	shalt  }
0x79: {  	_ =	shalt  }
0x7a: {  	_ =	shalt  }
0x7b: {  	_ =	shalt  }
0x7c: {  	_ =	shalt  }
0x7d: {  	_ =	shalt  }
0x7e: {  	_ =	shalt  }
0x7f: {  	_ =	shalt  }
0x80: {  	_ =	shalt  }
0x81: {  	_ =	shalt  }
0x82: {  	_ =	shalt  }
0x83: {  	_ =	shalt  }
0x84: {  	_ =	shalt  }
0x85: {  	_ =	shalt  }
0x86: {  	_ =	shalt  }
0x87: {  	_ =	shalt  }
.Lfunc_end0:
.L_simem_size_0:
called_computation.2_lowered:
.L_overlay_start_0:
0x88: {  	s2 =	sld [smem:$0x3FD9]  }
0x89: {  	s3 =	sld [smem:$0x3FFE];
	_ =	sdelay $0x1  }
0x8a: {  	s1 =	srdreg.scid  }
0x8b: {  	s0 =	sand.u32 $0x1, s1  }
0x8c: {  	s16 =	sshll.u32 s0, $0xA;
	s2 =	sadd.s32 s3, s2  }
0x8d: {  	s2 =	sadd.s32 s2, s16  }
0x8e: {  	[smem:$0x3FC0] =	sst s2  }
0x8f: {  	_ = 	snop  }
0x90: {  	(tm) =	ssettm $0x1  }
0x91: {  	s17 =	sld [smem:$0x3FFB];
	_ =	sdelay $0x3  }
0x92: {  	_ =	strace s17  }
0x93: {  	s2 =	sld [smem:$0x3FFC];
	_ =	sdelay $0x3  }
0x94: {  	_ =	strace s2  }
0x95: {  	s2 =	sld [smem:$0x3FFD];
	_ =	sdelay $0x3  }
0x96: {  	_ =	strace s2  }
0x97: {  	_ =	strace $0x8FFFFFFF  }
0x98: {  	s18 =	sld [smem:$0x3FDB];
	_ =	sdelay $0x1  }
0x99: {  	s19 =	simm.s32 $_scs_section_size  }
0x9a: {  	s4 =	simm.s32 $_size__tile_overlayer_lowered;
	s5 =	simm.s32 $_tile_overlayer_lowered  }
0x9b: {  	s22 =	simm.s32 $0x1BFF;
	s21 =	sshll.u32 s5, $0x1;
	s2 =	sadd.s32 s19, s18  }
0x9c: {  	s6 =	simm.s32 $0x0;
	s20 =	sshll.u32 s4, $0x1;
	s4 =	sadd.s32 s21, s2  }
0x9d: {  	[timem:s6], [sflag:s22] =	dma.local [hbm:s4], s20  }
0x9e: {  	_ =	swait.ge [sflag:s22], s20  }
0x9f: {  	s3 =	ssub.s32 $0x0, s20;
	[sflag:s22] =	ssyncset.done $0x0  }
0xa0: {  	[sflag:s22] =	ssyncadd.s32 s3;
	_ =	sdelay $0x1  }
0xa1: {  	s23 =	simm.s32 $0x1B8B  }
0xa2: {  	_ =	swait.ge [sflag:s23], $0x1  }
0xa3: {  	[sflag:s23] =	ssyncset.done $0x0  }
0xa4: {  	s25 =	simm.s32 $0x1B8E;
	s24 =	sld [smem:$0x3FFE];
	[sflag:s23] =	ssyncadd.s32 $0xFFFFFFFF  }
0xa5: {  	s26 =	simm.s32 $execute0_lowered;
	[smem:$0x3FD2] =	sst s25  }
0xa6: {  	s4 =	sshll.u32 s26, $0x1;
	_ =	strace $0x8000004C;
	[dreg:$0x1] =	wrdreg $0xFFFFFFFF  }
0xa7: {  	s28 =	simm.s32 $_size_execute0_lowered;
	s2 =	sadd.s32 s2, s4;
	[dreg:$0x0] =	wrdreg $0x0  }
0xa8: {  	s4 =	sshll.u32 s28, $0x1;
	[dreg:$0x2] =	wrdreg s2  }
0xa9: {  	[dreg:$0x3] =	wrdreg s4  }
0xaa: {  	[dreg:$0x4] =	wrdreg $0xC0  }
0xab: {  	_ =	task [dreg:s6], $0x5FFFF  }
0xac: {  	[dreg:$0x1] =	wrdreg $0xFFFFFFFF  }
0xad: {  	[dreg:$0x0] =	wrdreg $0x60  }
0xae: {  	[dreg:$0x2] =	wrdreg s24  }
0xaf: {  	[dreg:$0x3] =	wrdreg $0xA8000  }
0xb0: {  	[dreg:$0x4] =	wrdreg $0x9  }
0xb1: {  	_ =	task.clear_ibuf [dreg:s6], $0x5FFFF;
	_ =	strace $0x9000004C  }
0xb2: {  	s29 =	simm.s32 $0x9;
	_ =	strace $0x8000004E  }
0xb3: {  	_ =	swait.ge [sflag:s29], $0x1  }
0xb4: {  	[sflag:s29] =	ssyncadd.s32 $0xFFFFFFFF  }
0xb5: {  	_ =	strace $0x9000004E  }
0xb6: {  	_ =	sfence  }
0xb7: {  	s30 =	sld [smem:$0x0];
	_ =	sdelay $0x2  }
0xb8: {  	s31 =	sshll.u32 s1, $0xD;
	s1 =	sshrl.u32 s1, $0x2  }
0xb9: {  	s3 =	sand.u32 $0x4000, s31;
	s1 =	sadd.s32 s1, s30  }
0xba: {  	s0 =	sor.u32 s3, s0;
	s1 =	sshll.u32 s1, $0x11  }
0xbb: {  	s0 =	sor.u32 s1, s0  }
0xbc: {  	s0 =	sadd.s32 $0x8F2B, s0  }
0xbd: {  	[sflag:s0] =	ssyncadd.remote.s32 $0x1  }
0xbe: {  	_ =	sfence.sel $0xFFFF  }
0xbf: {  	[dreg:$0x0] =	wrdreg $0xFFFFFFFF;
	(pc) =	sbr.abs _section_cstart, $3  }
0xc0: {  	[dreg:$0x1] =	wrdreg $0xFFFFFFFF  }
0xc1: {  	_ =	task.clear_ibuf [dreg:s6], $0x2FFFF;
	_ =	strace $0x9FFFFFFF  }
0xc2: {  	(tm) =	ssettm $0x7FFFFFFF  }
0xc3: {  	_ =	shalt  }
tec
execute0_lowered:
.L_overlay_start_1:
0x0: {  	(tag) =	ssettag $0x1  }
0x1: {  	s1 =	srdreg.scid  }
0x2: {  	s0 =	stileid.u32;
	s5 =	rddreg [dreg:$0x0]  }
0x3: {  	s2 =	rddreg [dreg:$0x1];
	s3 =	simm.s32 $0x0;
	s18 =	simm.s32 $0x6800  }
0x4: {  	s19 =	simm.s32 $0x1;
	s20 =	simm.s32 $0x2;
	s21 =	simm.s32 $0x1380  }
0x5: {  	s22 =	simm.s32 $0x2700;
	s23 =	simm.s32 $0x2780;
	s24 =	simm.s32 $0x0  }
0x6: {  	s7 =	sand.u32 $0x1, s1;
	s25 =	sshll.u32 s0, $0x1;
	s9 =	smul.u32 $0x14000, s0  }
0x7: {  	[smem:$0x7FF] =	sst s3;
	s4 =	sadd.s32 $0x26400, s5;
	s29 =	smul.u32 $0x50000, s0  }
0x8: {  	s11 =	sadd.s32 $0x4E400, s5;
	s14 =	smul.u32 $0x2800, s0;
	s16 =	sshll.u32 s0, $0x6  }
0x9: {  	s1 =	sor.u32 s7, s25;
	s8 =	smul.u32 $0x140000, s7;
	s28 =	ssub.s32 $0x2, s7  }
0xa: {  	p0 =	seq.s32 s7, $0x1;
	s15 =	smov.u32 s4;
	s16 =	sor.u32 $0x1C03, s16  }
0xb: {  	s6 =	smul.u32 $0x280, s1;
	s1 =	rddreg [dreg:$0x2];
	_ =	strace $0x8000004D  }
0xc: {  	s30 =	sshrl.u32 s28, $0x1;
	s31 =	sshrl.u32 s29, $0x2;
	s15 =	smov.u32 @p0 s11  }
0xd: {  	s26 =	sadd.s32 s9, s8;
	s13 =	ssub.s32 s28, s30;
	s17 =	sadd.s32 s31, s2  }
0xe: {  	s11 =	sadd.s32 s15, s14;
	s14 =	simm.s32 $0x80;
	s15 =	simm.s32 $0x2800  }
0xf: {  	s10 =	sadd.s32 s6, s5;
	s6 =	sshrl.u32 s26, $0x3;
	s17 =	sshrl.u32 s17, $0x3  }
0x10: {  	s12 =	sadd.s32 s6, s5;
	s5 =	sadd.s32 $0x12400, s10;
	s6 =	sadd.s32 $0x2A00, s10  }
0x11: {  	s7 =	sadd.s32 $0x17400, s10;
	s8 =	sadd.s32 $0x7A00, s10;
	s10 =	smax.u32 s13, $0x1  }
0x12: {  	s13 =	simm.s32 $0x1400;
	s9 =	sadd.s32 $0x76400, s12;
	s12 =	simm.s32 $0x3  }
.LBB2_1:
0x13: {  	[tilespmem:s3], [sflag:$0x3] =	stream.linear.gather [hbm4b:s5+s3], $0x1400, $0x38;
	[tilespmem:$0x1E800] =	vst v63  }
0x14: {  	_ =	swait.ge [sflag:s12], $0x1400  }
0x15: {  	[sflag:s12] =	ssyncset.done $0x0  }
0x16: {  	[sflag:s12] =	ssyncadd.s32 $0xFFFFEC00  }
0x17: {  	[tilespmem:s13], [sflag:$0x3] =	stream.linear.gather [hbm4b:s6+s3], $0x1400, $0x38;
	[tilespmem:$0x1E800] =	vst v63  }
0x18: {  	_ =	swait.ge [sflag:s12], $0x1400  }
0x19: {  	[sflag:s12] =	ssyncset.done $0x0  }
0x1a: {  	[sflag:s12] =	ssyncadd.s32 $0xFFFFEC00  }
0x1b: {  	[tilespmem:s15], [sflag:$0x1] =	stream.indirect.gather [hbm4b:s4+s14], $0x80, s3, s14, $0xb8;
	[tilespmem:$0x1E800] =	vst v63  }
0x1c: {  	[spmem:s17], [sflag:s16] =	dma.local [hbm:s11], $0x2800  }
0x1d: {  	_ =	swait.ge [sflag:s12], $0x2800  }
0x1e: {  	[sflag:s12] =	ssyncset.done $0x0  }
0x1f: {  	[sflag:s12] =	ssyncadd.s32 $0xFFFFD800  }
0x20: {  	s25 =	simm.s32 $0x80;
	[bflag:$0x0] =	sbarrier.arrive $0xFFFF  }
0x21: {  	[tilespmem:s18], [sflag:$0x2] =	stream.indirect.gather [hbm4b:s4+s14], $0x80, s25, s14, $0xb8;
	[tilespmem:$0x1E800] =	vst v63  }
0x22: {  	_ =	swait.ge [sflag:s19], $0x4000  }
0x23: {  	[sflag:s19] =	ssyncset.done $0x0  }
0x24: {  	s29 =	simm.s32 $0x1400;
	[sflag:s19] =	ssyncadd.s32 $0xFFFFC000  }
0x25: {  	[spmem:s2] =	stream.indirect.scatter.add.f32 [tilespmem:s15], [sflag:$0x3], $0x80, s29, s14, $0xb8;
	[tilespmem:$0x1E800] =	vst v63  }
0x26: {  	_ =	swait.ge [sflag:s12], $0x4000  }
0x27: {  	[sflag:s12] =	ssyncset.done $0x0  }
0x28: {  	s30 =	simm.s32 $0x100;
	[sflag:s12] =	ssyncadd.s32 $0xFFFFC000  }
0x29: {  	[tilespmem:s15], [sflag:$0x1] =	stream.indirect.gather [hbm4b:s4+s14], $0x80, s30, s14, $0xb8;
	[tilespmem:$0x1E800] =	vst v63  }
0x2a: {  	_ =	swait.ge [sflag:s20], $0x4000  }
0x2b: {  	[sflag:s20] =	ssyncset.done $0x0  }
0x2c: {  	s31 =	simm.s32 $0x1480;
	[sflag:s20] =	ssyncadd.s32 $0xFFFFC000  }
0x2d: {  	[spmem:s2] =	stream.indirect.scatter.add.f32 [tilespmem:s18], [sflag:$0x3], $0x80, s31, s14, $0xb8;
	[tilespmem:$0x1E800] =	vst v63  }
0x2e: {  	_ =	swait.ge [sflag:s12], $0x4000  }
0x2f: {  	s26 =	simm.s32 $0x800;
	s25 =	simm.s32 $0x100;
	[sflag:s12] =	ssyncset.done $0x0  }
.LBB2_2:
0x30: {  	s28 =	sadd.s32 $0x80, s25  }
0x31: {  	[sflag:s12] =	ssyncadd.s32 $0xFFFFC000;
	s29 =	smov.u32 s26;
	s30 =	sadd.s32 $0x400, s26  }
0x32: {  	[tilespmem:s18], [sflag:$0x2] =	stream.indirect.gather [hbm4b:s4+s14], $0x80, s28, s14, $0xb8;
	[tilespmem:$0x1E800] =	vst v63  }
0x33: {  	p0 =	sne.s32 s26, $0x4800;
	_ =	swait.ge [sflag:s19], $0x4000  }
0x34: {  	[sflag:s19] =	ssyncset.done $0x0  }
0x35: {  	s26 =	sadd.s32 $0x1400, s25;
	[sflag:s19] =	ssyncadd.s32 $0xFFFFC000  }
0x36: {  	[spmem:s2] =	stream.indirect.scatter.add.f32 [tilespmem:s15], [sflag:$0x3], $0x80, s26, s14, $0xb8;
	[tilespmem:$0x1E800] =	vst v63  }
0x37: {  	_ =	swait.ge [sflag:s12], $0x4000  }
0x38: {  	[sflag:s12] =	ssyncset.done $0x0  }
0x39: {  	s26 =	sadd.s32 $0x100, s25;
	[sflag:s12] =	ssyncadd.s32 $0xFFFFC000  }
0x3a: {  	[tilespmem:s15], [sflag:$0x1] =	stream.indirect.gather [hbm4b:s4+s14], $0x80, s26, s14, $0xb8;
	[tilespmem:$0x1E800] =	vst v63  }
0x3b: {  	_ =	swait.ge [sflag:s20], $0x4000  }
.Ltmp0:
0x3c: {  	[sflag:s20] =	ssyncset.done $0x0;
	(pc) =	sbr.rel @p0 .LBB2_2-.Ltmp0, $4  }
0x3d: {  	s25 =	sadd.s32 $0x1480, s25;
	[sflag:s20] =	ssyncadd.s32 $0xFFFFC000  }
0x3e: {  	[spmem:s2] =	stream.indirect.scatter.add.f32 [tilespmem:s18], [sflag:$0x3], $0x80, s25, s14, $0xb8;
	[tilespmem:$0x1E800] =	vst v63  }
0x3f: {  	_ =	swait.ge [sflag:s12], $0x4000  }
0x40: {  	s26 =	smov.u32 s30;
	s25 =	sshra.s32 s29, $0x2;
	[sflag:s12] =	ssyncset.done $0x0  }
0x41: {  	s26 =	sadd.s32 $0x80, s25;
	[sflag:s12] =	ssyncadd.s32 $0xFFFFC000  }
0x42: {  	[tilespmem:s18], [sflag:$0x2] =	stream.indirect.gather [hbm4b:s4+s14], $0x80, s26, s14, $0xb8;
	[tilespmem:$0x1E800] =	vst v63  }
0x43: {  	_ =	swait.ge [sflag:s19], $0x4000  }
0x44: {  	[sflag:s19] =	ssyncset.done $0x0  }
0x45: {  	s29 =	sadd.s32 $0x1400, s25;
	[sflag:s19] =	ssyncadd.s32 $0xFFFFC000  }
0x46: {  	[spmem:s2] =	stream.indirect.scatter.add.f32 [tilespmem:s15], [sflag:$0x3], $0x80, s29, s14, $0xb8;
	[tilespmem:$0x1E800] =	vst v63  }
0x47: {  	_ =	swait.ge [sflag:s12], $0x4000  }
0x48: {  	[sflag:s12] =	ssyncset.done $0x0  }
0x49: {  	s30 =	sadd.s32 $0x100, s25;
	[sflag:s12] =	ssyncadd.s32 $0xFFFFC000  }
0x4a: {  	[tilespmem:s15], [sflag:$0x1] =	stream.indirect.gather [hbm4b:s4+s14], $0x80, s30, s14, $0xb8;
	[tilespmem:$0x1E800] =	vst v63  }
0x4b: {  	_ =	swait.ge [sflag:s20], $0x4000  }
0x4c: {  	[sflag:s20] =	ssyncset.done $0x0  }
0x4d: {  	s31 =	sadd.s32 $0x1480, s25;
	[sflag:s20] =	ssyncadd.s32 $0xFFFFC000  }
0x4e: {  	[spmem:s2] =	stream.indirect.scatter.add.f32 [tilespmem:s18], [sflag:$0x3], $0x80, s31, s14, $0xb8;
	[tilespmem:$0x1E800] =	vst v63  }
0x4f: {  	_ =	swait.ge [sflag:s12], $0x4000  }
0x50: {  	[sflag:s12] =	ssyncset.done $0x0  }
0x51: {  	[sflag:s12] =	ssyncadd.s32 $0xFFFFC000  }
0x52: {  	[tilespmem:s18], [sflag:$0x2] =	stream.indirect.gather [hbm4b:s4+s14], $0x80, s21, s14, $0xb8;
	[tilespmem:$0x1E800] =	vst v63  }
0x53: {  	_ =	swait.ge [sflag:s19], $0x4000  }
0x54: {  	[sflag:s19] =	ssyncset.done $0x0  }
0x55: {  	[sflag:s19] =	ssyncadd.s32 $0xFFFFC000  }
0x56: {  	[spmem:s2] =	stream.indirect.scatter.add.f32 [tilespmem:s15], [sflag:$0x3], $0x80, s22, s14, $0xb8;
	[tilespmem:$0x1E800] =	vst v63  }
0x57: {  	_ =	swait.ge [sflag:s12], $0x4000  }
0x58: {  	[sflag:s12] =	ssyncset.done $0x0  }
0x59: {  	[sflag:s12] =	ssyncadd.s32 $0xFFFFC000  }
0x5a: {  	_ =	swait.ge [sflag:s20], $0x4000  }
0x5b: {  	[sflag:s20] =	ssyncset.done $0x0  }
0x5c: {  	[sflag:s20] =	ssyncadd.s32 $0xFFFFC000  }
0x5d: {  	[spmem:s2] =	stream.indirect.scatter.add.f32 [tilespmem:s18], [sflag:$0x3], $0x80, s23, s14, $0xb8;
	[tilespmem:$0x1E800] =	vst v63  }
0x5e: {  	_ =	swait.ge [sflag:s12], $0x4000  }
0x5f: {  	[sflag:s12] =	ssyncset.done $0x0  }
0x60: {  	s26 =	simm.s32 $0x0;
	[sflag:s12] =	ssyncadd.s32 $0xFFFFC000  }
0x61: {  	[tilespmem:s26], [sflag:$0x3] =	stream.linear.gather [hbm4b:s7+s26], $0x1400, $0x38;
	[tilespmem:$0x1E800] =	vst v63  }
0x62: {  	_ =	swait.ge [sflag:s12], $0x1400  }
0x63: {  	[sflag:s12] =	ssyncset.done $0x0  }
0x64: {  	[sflag:s12] =	ssyncadd.s32 $0xFFFFEC00  }
0x65: {  	[tilespmem:s13], [sflag:$0x3] =	stream.linear.gather [hbm4b:s8+s26], $0x1400, $0x38;
	[tilespmem:$0x1E800] =	vst v63  }
0x66: {  	_ =	swait.ge [sflag:s12], $0x1400  }
0x67: {  	[sflag:s12] =	ssyncset.done $0x0  }
0x68: {  	[sflag:s12] =	ssyncadd.s32 $0xFFFFEC00  }
0x69: {  	[tilespmem:s15], [sflag:$0x1] =	stream.indirect.gather [hbm4b:s4+s14], $0x80, s26, s14, $0xb8;
	[tilespmem:$0x1E800] =	vst v63  }
0x6a: {  	s28 =	simm.s32 $0x80  }
0x6b: {  	[tilespmem:s18], [sflag:$0x2] =	stream.indirect.gather [hbm4b:s4+s14], $0x80, s28, s14, $0xb8;
	[tilespmem:$0x1E800] =	vst v63  }
0x6c: {  	_ =	swait.ge [sflag:s19], $0x4000  }
0x6d: {  	[sflag:s19] =	ssyncset.done $0x0  }
0x6e: {  	s29 =	simm.s32 $0x1400;
	[sflag:s19] =	ssyncadd.s32 $0xFFFFC000  }
0x6f: {  	[spmem:s2] =	stream.indirect.scatter.add.f32 [tilespmem:s15], [sflag:$0x3], $0x80, s29, s14, $0xb8;
	[tilespmem:$0x1E800] =	vst v63  }
0x70: {  	_ =	swait.ge [sflag:s12], $0x4000  }
0x71: {  	[sflag:s12] =	ssyncset.done $0x0  }
0x72: {  	s30 =	simm.s32 $0x100;
	[sflag:s12] =	ssyncadd.s32 $0xFFFFC000  }
0x73: {  	[tilespmem:s15], [sflag:$0x1] =	stream.indirect.gather [hbm4b:s4+s14], $0x80, s30, s14, $0xb8;
	[tilespmem:$0x1E800] =	vst v63  }
0x74: {  	_ =	swait.ge [sflag:s20], $0x4000  }
0x75: {  	[sflag:s20] =	ssyncset.done $0x0  }
0x76: {  	s31 =	simm.s32 $0x1480;
	[sflag:s20] =	ssyncadd.s32 $0xFFFFC000  }
0x77: {  	[spmem:s2] =	stream.indirect.scatter.add.f32 [tilespmem:s18], [sflag:$0x3], $0x80, s31, s14, $0xb8;
	[tilespmem:$0x1E800] =	vst v63  }
0x78: {  	_ =	swait.ge [sflag:s12], $0x4000  }
0x79: {  	s25 =	simm.s32 $0x100;
	s26 =	simm.s32 $0x800;
	[sflag:s12] =	ssyncset.done $0x0  }
.LBB2_4:
0x7a: {  	s28 =	sadd.s32 $0x80, s25  }
0x7b: {  	[sflag:s12] =	ssyncadd.s32 $0xFFFFC000;
	s29 =	smov.u32 s26;
	s30 =	sadd.s32 $0x400, s26  }
0x7c: {  	[tilespmem:s18], [sflag:$0x2] =	stream.indirect.gather [hbm4b:s4+s14], $0x80, s28, s14, $0xb8;
	[tilespmem:$0x1E800] =	vst v63  }
0x7d: {  	p0 =	sne.s32 s26, $0x4800;
	_ =	swait.ge [sflag:s19], $0x4000  }
0x7e: {  	[sflag:s19] =	ssyncset.done $0x0  }
0x7f: {  	s26 =	sadd.s32 $0x1400, s25;
	[sflag:s19] =	ssyncadd.s32 $0xFFFFC000  }
0x80: {  	[spmem:s2] =	stream.indirect.scatter.add.f32 [tilespmem:s15], [sflag:$0x3], $0x80, s26, s14, $0xb8;
	[tilespmem:$0x1E800] =	vst v63  }
0x81: {  	_ =	swait.ge [sflag:s12], $0x4000  }
0x82: {  	[sflag:s12] =	ssyncset.done $0x0  }
0x83: {  	s26 =	sadd.s32 $0x100, s25;
	[sflag:s12] =	ssyncadd.s32 $0xFFFFC000  }
0x84: {  	[tilespmem:s15], [sflag:$0x1] =	stream.indirect.gather [hbm4b:s4+s14], $0x80, s26, s14, $0xb8;
	[tilespmem:$0x1E800] =	vst v63  }
0x85: {  	_ =	swait.ge [sflag:s20], $0x4000  }
.Ltmp1:
0x86: {  	[sflag:s20] =	ssyncset.done $0x0;
	(pc) =	sbr.rel @p0 .LBB2_4-.Ltmp1, $4  }
0x87: {  	s25 =	sadd.s32 $0x1480, s25;
	[sflag:s20] =	ssyncadd.s32 $0xFFFFC000  }
0x88: {  	[spmem:s2] =	stream.indirect.scatter.add.f32 [tilespmem:s18], [sflag:$0x3], $0x80, s25, s14, $0xb8;
	[tilespmem:$0x1E800] =	vst v63  }
0x89: {  	_ =	swait.ge [sflag:s12], $0x4000  }
0x8a: {  	s26 =	smov.u32 s30;
	s25 =	sshra.s32 s29, $0x2;
	[sflag:s12] =	ssyncset.done $0x0  }
0x8b: {  	s26 =	sadd.s32 $0x80, s25;
	[sflag:s12] =	ssyncadd.s32 $0xFFFFC000  }
0x8c: {  	[tilespmem:s18], [sflag:$0x2] =	stream.indirect.gather [hbm4b:s4+s14], $0x80, s26, s14, $0xb8;
	[tilespmem:$0x1E800] =	vst v63  }
0x8d: {  	_ =	swait.ge [sflag:s19], $0x4000  }
0x8e: {  	[sflag:s19] =	ssyncset.done $0x0  }
0x8f: {  	s29 =	sadd.s32 $0x1400, s25;
	[sflag:s19] =	ssyncadd.s32 $0xFFFFC000  }
0x90: {  	[spmem:s2] =	stream.indirect.scatter.add.f32 [tilespmem:s15], [sflag:$0x3], $0x80, s29, s14, $0xb8;
	[tilespmem:$0x1E800] =	vst v63  }
0x91: {  	_ =	swait.ge [sflag:s12], $0x4000  }
0x92: {  	[sflag:s12] =	ssyncset.done $0x0  }
0x93: {  	s30 =	sadd.s32 $0x100, s25;
	[sflag:s12] =	ssyncadd.s32 $0xFFFFC000  }
0x94: {  	[tilespmem:s15], [sflag:$0x1] =	stream.indirect.gather [hbm4b:s4+s14], $0x80, s30, s14, $0xb8;
	[tilespmem:$0x1E800] =	vst v63  }
0x95: {  	_ =	swait.ge [sflag:s20], $0x4000  }
0x96: {  	[sflag:s20] =	ssyncset.done $0x0  }
0x97: {  	s31 =	sadd.s32 $0x1480, s25;
	[sflag:s20] =	ssyncadd.s32 $0xFFFFC000  }
0x98: {  	[spmem:s2] =	stream.indirect.scatter.add.f32 [tilespmem:s18], [sflag:$0x3], $0x80, s31, s14, $0xb8;
	[tilespmem:$0x1E800] =	vst v63  }
0x99: {  	_ =	swait.ge [sflag:s12], $0x4000  }
0x9a: {  	[sflag:s12] =	ssyncset.done $0x0  }
0x9b: {  	[sflag:s12] =	ssyncadd.s32 $0xFFFFC000  }
0x9c: {  	[tilespmem:s18], [sflag:$0x2] =	stream.indirect.gather [hbm4b:s4+s14], $0x80, s21, s14, $0xb8;
	[tilespmem:$0x1E800] =	vst v63  }
0x9d: {  	_ =	swait.ge [sflag:s19], $0x4000  }
0x9e: {  	[sflag:s19] =	ssyncset.done $0x0  }
0x9f: {  	[sflag:s19] =	ssyncadd.s32 $0xFFFFC000  }
0xa0: {  	[spmem:s2] =	stream.indirect.scatter.add.f32 [tilespmem:s15], [sflag:$0x3], $0x80, s22, s14, $0xb8;
	[tilespmem:$0x1E800] =	vst v63  }
0xa1: {  	_ =	swait.ge [sflag:s12], $0x4000  }
0xa2: {  	[sflag:s12] =	ssyncset.done $0x0  }
0xa3: {  	[sflag:s12] =	ssyncadd.s32 $0xFFFFC000  }
0xa4: {  	_ =	swait.ge [sflag:s20], $0x4000  }
0xa5: {  	[sflag:s20] =	ssyncset.done $0x0  }
0xa6: {  	[sflag:s20] =	ssyncadd.s32 $0xFFFFC000  }
0xa7: {  	[spmem:s2] =	stream.indirect.scatter.add.f32 [tilespmem:s18], [sflag:$0x3], $0x80, s23, s14, $0xb8;
	[tilespmem:$0x1E800] =	vst v63  }
0xa8: {  	_ =	swait.ge [sflag:s12], $0x4000  }
0xa9: {  	s24 =	sadd.s32 $0x1, s24;
	[sflag:s12] =	ssyncset.done $0x0  }
0xaa: {  	p0 =	sne.s32 s24, s10;
	[sflag:s12] =	ssyncadd.s32 $0xFFFFC000  }
.Ltmp2:
0xab: {  	[bflag:$0x0] =	sbarrier.arrive $0xFFFF;
	(pc) =	sbr.rel @p0 .LBB2_1-.Ltmp2, $4  }
0xac: {  	[hbm:s9], [sflag:s16] =	dma.local [spmem:s17], $0x2800  }
0xad: {  	_ =	swait.ge [sflag:s12], $0x2800  }
0xae: {  	[sflag:s12] =	ssyncset.done $0x0  }
0xaf: {  	[sflag:s12] =	ssyncadd.s32 $0xFFFFD800  }
0xb0: {  	_ =	sfence.sel $0x180000  }
0xb1: {  	[bflag:$0x0] =	sbarrier.arrive $0xFFFF  }
0xb2: {  	p0 =	sne.s32 s0, $0x0;
	_ =	strace $0x9000004D  }
0xb3: {  	s0 =	sadd.s32 @!p0 $0x100000, s1;
	[bflag:$0x2] =	sbarrier.arrive $0xFFFF  }
0xb4: {  	[sflag:s0] =	ssyncadd.tile.s32 @!p0 $0x1;
	_ =	shalt  }
.Lfunc_end2:
_tile_overlayer_lowered:
.L_overlay_start_2:
0xb5: {  	(tag) =	ssettag $0x2  }
0xb6: {  	s0 =	rddreg [dreg:$0x0];
	s2 =	stileid.u32  }
0xb7: {  	s1 =	rddreg [dreg:$0x1];
	p0 =	sne.s32 s2, $0x0  }
0xb8: {  	s3 =	rddreg [dreg:$0x2];
	[bflag:$0x3] =	sbarrier.arrive $0xFFFF;
	s2 =	simm.s32 @!p0 $0x1C03  }
0xb9: {  	[timem:s3], [sflag:s2] =	dma.local @!p0 [hbm:s0], s1  }
0xba: {  	s0 =	simm.s32 @!p0 $0x3  }
0xbb: {  	_ =	swait.ge @!p0 [sflag:s0], s1  }
0xbc: {  	s1 =	ssub.s32 @!p0 $0x0, s1;
	[sflag:s0] =	ssyncset.done @!p0 $0x0  }
0xbd: {  	[sflag:s0] =	ssyncadd.s32 @!p0 s1  }
0xbe: {  	[bflag:$0x3] =	sbarrier.arrive $0xFFFF  }
0xbf: {  	_ =	shalt  }

// kernel: kernel.19.cloned.1.call-start
scs
__scs_entry_jumppad:
0x0: {  	(pc) =	sbr.rel $0x88, $3  }
0x1: {  	(tag) =	ssettag $0x0;
	lr =	simm.s32 $0x1  }
0x2: {  	[smem:$0x3F99] =	sst lr;
	_ =	strace $0xD0000000  }
0x3: {  	_ = 	snop  }
0x4: {  	_ = 	snop  }
0x5: {  	_ = 	snop  }
0x6: {  	_ = 	snop  }
0x7: {  	_ = 	snop  }
__scs_overlays_trampoline_lowered:
0x8: {  	[smem:$0x3FA8] =	sst s0  }
0x9: {  	[smem:$0x3FA9] =	sst s1  }
0xa: {  	[smem:$0x3FAA] =	sst s2  }
0xb: {  	[smem:$0x3FAB] =	sst s3  }
0xc: {  	[smem:$0x3FAC] =	sst s4  }
0xd: {  	[smem:$0x3FAD] =	sst s5  }
0xe: {  	[smem:$0x3FAE] =	sst s6  }
0xf: {  	[smem:$0x3FAF] =	sst s7  }
0x10: {  	[smem:$0x3FB0] =	sst s8  }
0x11: {  	[smem:$0x3FB1] =	sst s9;
	s0 =	simm.s32 @!p0 $0x0  }
0x12: {  	s1 =	sld [smem:$0x3F97];
	s0 =	simm.s32 @p0 $0x1  }
0x13: {  	[smem:$0x3FB2] =	sst s0;
	s0 =	simm.s32 @!p1 $0x0  }
0x14: {  	s2 =	sld [smem:$0x3F96];
	s0 =	simm.s32 @p1 $0x1  }
0x15: {  	[smem:$0x3FB3] =	sst s0;
	s0 =	simm.s32 @!p2 $0x0  }
0x16: {  	s3 =	sld [smem:$0x3FDB];
	s0 =	simm.s32 @p2 $0x1  }
0x17: {  	s4 =	simm.s32 $0x1BF5;
	[smem:$0x3FB5] =	sst s0  }
0x18: {  	s0 =	sld [smem:$0x3F98];
	_ =	swait.ge [sflag:s4], $0x0  }
0x19: {  	s7 =	sld [smem:$0x3F99]  }
0x1a: {  	s8 =	sadd.s32 $0xFFFFE003, lr  }
0x1b: {  	s9 =	sadd.s32 $0xFFFFFEF7, lr;
	s5 =	simm.s32 $0xFFFFFFFF;
	p2 =	slt.u32 s8, $0xFFFFF086  }
0x1c: {  	p1 =	slt.u32 s9, $0xF7A;
	s5 =	simm.s32 @!p2 $0x0  }
0x1d: {  	s5 =	simm.s32 @p1 $0x1;
	p0 =	seq.s32 s7, s2  }
0x1e: {  	s7 =	smul.u32 @!p0 $0xF7A, s2;
	p2 =	seq.s32 @!p0 s5, $0x0  }
0x1f: {  	s9 =	smul.u32 $0xF7A, s1;
	s8 =	simm.s32 @!p0 $0x1BF5;
	p2 =	por !p2, p0  }
0x20: {  	[sflag:s8] =	ssyncset.s32 @!p0 $0xFFFFF086;
	s6 =	sadd.s32 @!p0 s3, s7;
	s7 =	simm.s32 @!p0 $0x108  }
0x21: {  	s3 =	sadd.s32 s3, s9;
	s6 =	sadd.s32 @!p0 $0x88, s6;
	s7 =	simm.s32 @p2 $0x1082  }
0x22: {  	[simem:s7], [sflag:s8] =	dma.local @!p0 [hbm:s6], $0xF7A  }
0x23: {  	s9 =	sor.u32 $0xD0000000, s2;
	s6 =	simm.s32 $0x108;
	_ =	swait.ge @!p0 [sflag:s8], $0x0  }
0x24: {  	s3 =	sadd.s32 $0x88, s3;
	s6 =	simm.s32 @!p1 $0x1082;
	[sflag:s4] =	ssyncset.s32 $0xFFFFF086  }
0x25: {  	[simem:s6], [sflag:s4] =	dma.local [hbm:s3], $0xF7A  }
0x26: {  	[smem:$0x3F99] =	sst s1;
	(tag) =	ssettag s2;
	_ =	strace s9  }
0x27: {  	s1 =	sld [smem:$0x3FA9]  }
0x28: {  	s2 =	sld [smem:$0x3FAA]  }
0x29: {  	s4 =	sld [smem:$0x3FAC]  }
0x2a: {  	p0 =	seq.s32 s5, $0x0;
	s5 =	sld [smem:$0x3FAD]  }
0x2b: {  	s6 =	sld [smem:$0x3FAE]  }
0x2c: {  	s7 =	sld [smem:$0x3FAF]  }
0x2d: {  	s3 =	simm.s32 $0x108;
	s8 =	sld [smem:$0x3FB0]  }
0x2e: {  	s3 =	simm.s32 @!p0 $0x1082;
	s9 =	sld [smem:$0x3FB1]  }
0x2f: {  	lr =	sadd.s32 s0, s3;
	s0 =	sld [smem:$0x3FA8]  }
0x30: {  	s3 =	sld [smem:$0x3FAB]  }
0x31: {  	[smem:$0x3FB4] =	sst s10  }
0x32: {  	s10 =	sld [smem:$0x3FB2];
	_ =	sdelay $0x3  }
0x33: {  	p0 =	seq.s32 s10, $0x1;
	s10 =	sld [smem:$0x3FB4];
	_ =	sdelay $0x3  }
0x34: {  	[smem:$0x3FB4] =	sst s10  }
0x35: {  	s10 =	sld [smem:$0x3FB3];
	_ =	sdelay $0x3  }
0x36: {  	p1 =	seq.s32 s10, $0x1;
	s10 =	sld [smem:$0x3FB4];
	_ =	sdelay $0x3  }
0x37: {  	[smem:$0x3FB4] =	sst s10  }
0x38: {  	s10 =	sld [smem:$0x3FB5]  }
0x39: {  	_ = 	snop;
	(pc) =	sbr.ind lr, $3  }
0x3a: {  	_ = 	snop  }
0x3b: {  	_ = 	snop  }
0x3c: {  	p2 =	seq.s32 s10, $0x1;
	s10 =	sld [smem:$0x3FB4]  }
0x3d: {  	_ =	shalt  }
0x3e: {  	_ =	shalt  }
0x3f: {  	_ =	shalt  }
0x40: {  	_ =	shalt  }
0x41: {  	_ =	shalt  }
0x42: {  	_ =	shalt  }
0x43: {  	_ =	shalt  }
0x44: {  	_ =	shalt  }
0x45: {  	_ =	shalt  }
0x46: {  	_ =	shalt  }
0x47: {  	_ =	shalt  }
0x48: {  	_ =	shalt  }
0x49: {  	_ =	shalt  }
0x4a: {  	_ =	shalt  }
0x4b: {  	_ =	shalt  }
0x4c: {  	_ =	shalt  }
0x4d: {  	_ =	shalt  }
0x4e: {  	_ =	shalt  }
0x4f: {  	_ =	shalt  }
0x50: {  	_ =	shalt  }
0x51: {  	_ =	shalt  }
0x52: {  	_ =	shalt  }
0x53: {  	_ =	shalt  }
0x54: {  	_ =	shalt  }
0x55: {  	_ =	shalt  }
0x56: {  	_ =	shalt  }
0x57: {  	_ =	shalt  }
0x58: {  	_ =	shalt  }
0x59: {  	_ =	shalt  }
0x5a: {  	_ =	shalt  }
0x5b: {  	_ =	shalt  }
0x5c: {  	_ =	shalt  }
0x5d: {  	_ =	shalt  }
0x5e: {  	_ =	shalt  }
0x5f: {  	_ =	shalt  }
0x60: {  	_ =	shalt  }
0x61: {  	_ =	shalt  }
0x62: {  	_ =	shalt  }
0x63: {  	_ =	shalt  }
0x64: {  	_ =	shalt  }
0x65: {  	_ =	shalt  }
0x66: {  	_ =	shalt  }
0x67: {  	_ =	shalt  }
0x68: {  	_ =	shalt  }
0x69: {  	_ =	shalt  }
0x6a: {  	_ =	shalt  }
0x6b: {  	_ =	shalt  }
0x6c: {  	_ =	shalt  }
0x6d: {  	_ =	shalt  }
0x6e: {  	_ =	shalt  }
0x6f: {  	_ =	shalt  }
0x70: {  	_ =	shalt  }
0x71: {  	_ =	shalt  }
0x72: {  	_ =	shalt  }
0x73: {  	_ =	shalt  }
0x74: {  	_ =	shalt  }
0x75: {  	_ =	shalt  }
0x76: {  	_ =	shalt  }
0x77: {  	_ =	shalt  }
0x78: {  	_ =	shalt  }
0x79: {  	_ =	shalt  }
0x7a: {  	_ =	shalt  }
0x7b: {  	_ =	shalt  }
0x7c: {  	_ =	shalt  }
0x7d: {  	_ =	shalt  }
0x7e: {  	_ =	shalt  }
0x7f: {  	_ =	shalt  }
0x80: {  	_ =	shalt  }
0x81: {  	_ =	shalt  }
0x82: {  	_ =	shalt  }
0x83: {  	_ =	shalt  }
0x84: {  	_ =	shalt  }
0x85: {  	_ =	shalt  }
0x86: {  	_ =	shalt  }
0x87: {  	_ =	shalt  }
.Lfunc_end0:
.L_simem_size_0:
called_computation.3_lowered:
.L_overlay_start_0:
0x88: {  	s2 =	sld [smem:$0x3FD9]  }
0x89: {  	s3 =	sld [smem:$0x3FFE];
	_ =	sdelay $0x1  }
0x8a: {  	s1 =	srdreg.scid  }
0x8b: {  	s0 =	sand.u32 $0x1, s1  }
0x8c: {  	s17 =	sshll.u32 s0, $0xA;
	s2 =	sadd.s32 s3, s2  }
0x8d: {  	s2 =	sadd.s32 s2, s17  }
0x8e: {  	[smem:$0x3FC0] =	sst s2  }
0x8f: {  	_ = 	snop  }
0x90: {  	s2 =	sld [smem:$0x3FD0];
	(tm) =	ssettm $0x1  }
0x91: {  	s18 =	sld [smem:$0x3FFB];
	_ =	sdelay $0x3  }
0x92: {  	_ =	strace s18  }
0x93: {  	s3 =	sld [smem:$0x3FFC];
	_ =	sdelay $0x3  }
0x94: {  	_ =	strace s3  }
0x95: {  	s3 =	sld [smem:$0x3FFD];
	_ =	sdelay $0x3  }
0x96: {  	_ =	strace s3  }
0x97: {  	_ =	strace $0x8FFFFFFF  }
0x98: {  	s19 =	sld [smem:$0x3FDB];
	_ =	sdelay $0x1  }
0x99: {  	s4 =	simm.s32 $_scs_section_size  }
0x9a: {  	s5 =	simm.s32 $_size__tile_overlayer_lowered;
	s6 =	simm.s32 $_tile_overlayer_lowered  }
0x9b: {  	s22 =	simm.s32 $0x1BFF;
	s21 =	sshll.u32 s6, $0x1;
	s3 =	sadd.s32 s4, s19  }
0x9c: {  	s7 =	simm.s32 $0x0;
	s20 =	sshll.u32 s5, $0x1;
	s5 =	sadd.s32 s21, s3  }
0x9d: {  	[timem:s7], [sflag:s22] =	dma.local [hbm:s5], s20  }
0x9e: {  	_ =	swait.ge [sflag:s22], s20  }
0x9f: {  	s4 =	ssub.s32 $0x0, s20;
	[sflag:s22] =	ssyncset.done $0x0  }
0xa0: {  	[sflag:s22] =	ssyncadd.s32 s4;
	_ =	sdelay $0x1  }
0xa1: {  	s23 =	simm.s32 $0x1B8B  }
0xa2: {  	_ =	swait.ge [sflag:s23], $0x1  }
0xa3: {  	[sflag:s23] =	ssyncset.done $0x0  }
0xa4: {  	s25 =	simm.s32 $0x1B8E;
	s24 =	sld [smem:$0x3FFE];
	[sflag:s23] =	ssyncadd.s32 $0xFFFFFFFF  }
0xa5: {  	s26 =	simm.s32 $execute0_lowered;
	[smem:$0x3FD2] =	sst s25  }
0xa6: {  	s5 =	sshll.u32 s26, $0x1;
	_ =	strace $0x8000004F;
	[dreg:$0x1] =	wrdreg $0xFFFFFFFF  }
0xa7: {  	s28 =	simm.s32 $_size_execute0_lowered;
	s3 =	sadd.s32 s3, s5;
	[dreg:$0x0] =	wrdreg $0x0  }
0xa8: {  	s5 =	sshll.u32 s28, $0x1;
	[dreg:$0x2] =	wrdreg s3  }
0xa9: {  	[dreg:$0x3] =	wrdreg s5  }
0xaa: {  	[dreg:$0x4] =	wrdreg $0xC0  }
0xab: {  	_ =	task [dreg:s7], $0x5FFFF  }
0xac: {  	[dreg:$0x1] =	wrdreg $0xFFFFFFFF  }
0xad: {  	[dreg:$0x0] =	wrdreg $0x60  }
0xae: {  	[dreg:$0x2] =	wrdreg s24  }
0xaf: {  	[dreg:$0x3] =	wrdreg s2  }
0xb0: {  	[dreg:$0x4] =	wrdreg $0x68000  }
0xb1: {  	[dreg:$0x5] =	wrdreg $0x9  }
0xb2: {  	_ =	task.clear_ibuf [dreg:s7], $0x6FFFF;
	_ =	strace $0x9000004F  }
0xb3: {  	s29 =	simm.s32 $0x9;
	_ =	strace $0x80000051  }
0xb4: {  	_ =	swait.ge [sflag:s29], $0x1  }
0xb5: {  	[sflag:s29] =	ssyncadd.s32 $0xFFFFFFFF  }
0xb6: {  	_ =	strace $0x90000051  }
0xb7: {  	_ =	sfence  }
0xb8: {  	s30 =	sld [smem:$0x0];
	_ =	sdelay $0x2  }
0xb9: {  	s31 =	sshll.u32 s1, $0xD;
	s1 =	sshrl.u32 s1, $0x2  }
0xba: {  	s3 =	sand.u32 $0x4000, s31;
	s1 =	sadd.s32 s1, s30  }
0xbb: {  	s0 =	sor.u32 s3, s0;
	s1 =	sshll.u32 s1, $0x11  }
0xbc: {  	s0 =	sor.u32 s1, s0  }
0xbd: {  	s0 =	sadd.s32 $0x8F2B, s0  }
0xbe: {  	[sflag:s0] =	ssyncadd.remote.s32 $0x1  }
0xbf: {  	_ =	sfence.sel $0xFFFF  }
0xc0: {  	[dreg:$0x0] =	wrdreg $0xFFFFFFFF;
	(pc) =	sbr.abs _section_cstart, $3  }
0xc1: {  	[dreg:$0x1] =	wrdreg $0xFFFFFFFF  }
0xc2: {  	_ =	task.clear_ibuf [dreg:s7], $0x2FFFF;
	_ =	strace $0x9FFFFFFF  }
0xc3: {  	(tm) =	ssettm $0x7FFFFFFF  }
tec
execute0_lowered:
.L_overlay_start_1:
0x0: {  	(tag) =	ssettag $0x1  }
0x1: {  	s5 =	rddreg [dreg:$0x0]  }
0x2: {  	s1 =	srdreg.scid;
	s8 =	rddreg [dreg:$0x1]  }
0x3: {  	s0 =	stileid.u32;
	s2 =	rddreg [dreg:$0x2]  }
0x4: {  	s3 =	simm.s32 $0x0;
	s18 =	simm.s32 $0x4800;
	s19 =	simm.s32 $0x1  }
0x5: {  	s20 =	simm.s32 $0x2;
	s21 =	simm.s32 $0x1380;
	s22 =	simm.s32 $0x2700  }
0x6: {  	s23 =	simm.s32 $0x2780;
	s24 =	simm.s32 $0x0;
	s7 =	sand.u32 $0x1, s1  }
0x7: {  	s30 =	sshll.u32 s0, $0x1;
	s10 =	smul.u32 $0xA000, s0;
	[smem:$0x7FF] =	sst s3  }
0x8: {  	s4 =	sadd.s32 $0x26400, s5;
	s13 =	sadd.s32 $0x3A400, s5;
	s16 =	sshll.u32 s0, $0x6  }
0x9: {  	s1 =	sor.u32 s7, s30;
	s6 =	smul.u32 $0xA0000, s7;
	s12 =	ssub.s32 $0x2, s7  }
0xa: {  	p0 =	seq.s32 s7, $0x1;
	s16 =	sor.u32 $0x1C03, s16;
	s9 =	smul.u32 $0x280, s1  }
0xb: {  	s1 =	rddreg [dreg:$0x3];
	_ =	strace $0x80000050;
	s14 =	sshrl.u32 s12, $0x1  }
0xc: {  	s17 =	sadd.s32 s10, s2;
	s31 =	sshrl.u32 s10, $0x3;
	s6 =	sadd.s32 s10, s6  }
0xd: {  	s12 =	ssub.s32 s12, s14;
	s14 =	simm.s32 $0x80;
	s17 =	sshrl.u32 s17, $0x3  }
0xe: {  	s11 =	sadd.s32 s9, s5;
	s6 =	sshrl.u32 s6, $0x3;
	s8 =	sadd.s32 s8, s9  }
0xf: {  	s10 =	smax.u32 s12, $0x1;
	s15 =	sadd.s32 s6, s5;
	s5 =	sadd.s32 $0x21400, s11  }
0x10: {  	s6 =	sadd.s32 $0xCA00, s11;
	s7 =	sadd.s32 $0x1C400, s11;
	s11 =	smov.u32 s4  }
0x11: {  	s12 =	simm.s32 $0x3;
	s9 =	sadd.s32 $0x4E400, s15;
	s11 =	smov.u32 @p0 s13  }
0x12: {  	s13 =	simm.s32 $0x1400;
	s15 =	simm.s32 $0x2800;
	s11 =	sadd.s32 s11, s31  }
.LBB2_1:
0x13: {  	[tilespmem:s3], [sflag:$0x3] =	stream.linear.gather [hbm4b:s5+s3], $0x1400, $0x38;
	[tilespmem:$0x10800] =	vst v63  }
0x14: {  	_ =	swait.ge [sflag:s12], $0x1400  }
0x15: {  	[sflag:s12] =	ssyncset.done $0x0  }
0x16: {  	[sflag:s12] =	ssyncadd.s32 $0xFFFFEC00  }
0x17: {  	[tilespmem:s13], [sflag:$0x3] =	stream.linear.gather [hbm4b:s6+s3], $0x1400, $0x38;
	[tilespmem:$0x10800] =	vst v63  }
0x18: {  	_ =	swait.ge [sflag:s12], $0x1400  }
0x19: {  	[sflag:s12] =	ssyncset.done $0x0  }
0x1a: {  	[sflag:s12] =	ssyncadd.s32 $0xFFFFEC00  }
0x1b: {  	[tilespmem:s15], [sflag:$0x1] =	stream.indirect.gather [hbm4b:s4+s14], $0x40, s3, s14, $0xb8;
	[tilespmem:$0x10800] =	vst v63  }
0x1c: {  	[spmem:s17], [sflag:s16] =	dma.local [hbm:s11], $0x1400  }
0x1d: {  	_ =	swait.ge [sflag:s12], $0x1400  }
0x1e: {  	[sflag:s12] =	ssyncset.done $0x0  }
0x1f: {  	[sflag:s12] =	ssyncadd.s32 $0xFFFFEC00  }
0x20: {  	s25 =	simm.s32 $0x80;
	[bflag:$0x0] =	sbarrier.arrive $0xFFFF  }
0x21: {  	[tilespmem:s18], [sflag:$0x2] =	stream.indirect.gather [hbm4b:s4+s14], $0x40, s25, s14, $0xb8;
	[tilespmem:$0x10800] =	vst v63  }
0x22: {  	_ =	swait.ge [sflag:s19], $0x2000  }
0x23: {  	[sflag:s19] =	ssyncset.done $0x0  }
0x24: {  	s29 =	simm.s32 $0x1400;
	[sflag:s19] =	ssyncadd.s32 $0xFFFFE000  }
0x25: {  	[spmem:s2] =	stream.indirect.scatter.add.f32 [tilespmem:s15], [sflag:$0x3], $0x40, s29, s14, $0xb8;
	[tilespmem:$0x10800] =	vst v63  }
0x26: {  	_ =	swait.ge [sflag:s12], $0x2000  }
0x27: {  	[sflag:s12] =	ssyncset.done $0x0  }
0x28: {  	s30 =	simm.s32 $0x100;
	[sflag:s12] =	ssyncadd.s32 $0xFFFFE000  }
0x29: {  	[tilespmem:s15], [sflag:$0x1] =	stream.indirect.gather [hbm4b:s4+s14], $0x40, s30, s14, $0xb8;
	[tilespmem:$0x10800] =	vst v63  }
0x2a: {  	_ =	swait.ge [sflag:s20], $0x2000  }
0x2b: {  	[sflag:s20] =	ssyncset.done $0x0  }
0x2c: {  	s31 =	simm.s32 $0x1480;
	[sflag:s20] =	ssyncadd.s32 $0xFFFFE000  }
0x2d: {  	[spmem:s2] =	stream.indirect.scatter.add.f32 [tilespmem:s18], [sflag:$0x3], $0x40, s31, s14, $0xb8;
	[tilespmem:$0x10800] =	vst v63  }
0x2e: {  	_ =	swait.ge [sflag:s12], $0x2000  }
0x2f: {  	s26 =	simm.s32 $0x800;
	s25 =	simm.s32 $0x100;
	[sflag:s12] =	ssyncset.done $0x0  }
.LBB2_2:
0x30: {  	s28 =	sadd.s32 $0x80, s25  }
0x31: {  	[sflag:s12] =	ssyncadd.s32 $0xFFFFE000;
	s29 =	smov.u32 s26;
	s30 =	sadd.s32 $0x400, s26  }
0x32: {  	[tilespmem:s18], [sflag:$0x2] =	stream.indirect.gather [hbm4b:s4+s14], $0x40, s28, s14, $0xb8;
	[tilespmem:$0x10800] =	vst v63  }
0x33: {  	p0 =	sne.s32 s26, $0x4800;
	_ =	swait.ge [sflag:s19], $0x2000  }
0x34: {  	[sflag:s19] =	ssyncset.done $0x0  }
0x35: {  	s26 =	sadd.s32 $0x1400, s25;
	[sflag:s19] =	ssyncadd.s32 $0xFFFFE000  }
0x36: {  	[spmem:s2] =	stream.indirect.scatter.add.f32 [tilespmem:s15], [sflag:$0x3], $0x40, s26, s14, $0xb8;
	[tilespmem:$0x10800] =	vst v63  }
0x37: {  	_ =	swait.ge [sflag:s12], $0x2000  }
0x38: {  	[sflag:s12] =	ssyncset.done $0x0  }
0x39: {  	s26 =	sadd.s32 $0x100, s25;
	[sflag:s12] =	ssyncadd.s32 $0xFFFFE000  }
0x3a: {  	[tilespmem:s15], [sflag:$0x1] =	stream.indirect.gather [hbm4b:s4+s14], $0x40, s26, s14, $0xb8;
	[tilespmem:$0x10800] =	vst v63  }
0x3b: {  	_ =	swait.ge [sflag:s20], $0x2000  }
.Ltmp0:
0x3c: {  	[sflag:s20] =	ssyncset.done $0x0;
	(pc) =	sbr.rel @p0 .LBB2_2-.Ltmp0, $4  }
0x3d: {  	s25 =	sadd.s32 $0x1480, s25;
	[sflag:s20] =	ssyncadd.s32 $0xFFFFE000  }
0x3e: {  	[spmem:s2] =	stream.indirect.scatter.add.f32 [tilespmem:s18], [sflag:$0x3], $0x40, s25, s14, $0xb8;
	[tilespmem:$0x10800] =	vst v63  }
0x3f: {  	_ =	swait.ge [sflag:s12], $0x2000  }
0x40: {  	s26 =	smov.u32 s30;
	s25 =	sshra.s32 s29, $0x2;
	[sflag:s12] =	ssyncset.done $0x0  }
0x41: {  	s26 =	sadd.s32 $0x80, s25;
	[sflag:s12] =	ssyncadd.s32 $0xFFFFE000  }
0x42: {  	[tilespmem:s18], [sflag:$0x2] =	stream.indirect.gather [hbm4b:s4+s14], $0x40, s26, s14, $0xb8;
	[tilespmem:$0x10800] =	vst v63  }
0x43: {  	_ =	swait.ge [sflag:s19], $0x2000  }
0x44: {  	[sflag:s19] =	ssyncset.done $0x0  }
0x45: {  	s29 =	sadd.s32 $0x1400, s25;
	[sflag:s19] =	ssyncadd.s32 $0xFFFFE000  }
0x46: {  	[spmem:s2] =	stream.indirect.scatter.add.f32 [tilespmem:s15], [sflag:$0x3], $0x40, s29, s14, $0xb8;
	[tilespmem:$0x10800] =	vst v63  }
0x47: {  	_ =	swait.ge [sflag:s12], $0x2000  }
0x48: {  	[sflag:s12] =	ssyncset.done $0x0  }
0x49: {  	s30 =	sadd.s32 $0x100, s25;
	[sflag:s12] =	ssyncadd.s32 $0xFFFFE000  }
0x4a: {  	[tilespmem:s15], [sflag:$0x1] =	stream.indirect.gather [hbm4b:s4+s14], $0x40, s30, s14, $0xb8;
	[tilespmem:$0x10800] =	vst v63  }
0x4b: {  	_ =	swait.ge [sflag:s20], $0x2000  }
0x4c: {  	[sflag:s20] =	ssyncset.done $0x0  }
0x4d: {  	s31 =	sadd.s32 $0x1480, s25;
	[sflag:s20] =	ssyncadd.s32 $0xFFFFE000  }
0x4e: {  	[spmem:s2] =	stream.indirect.scatter.add.f32 [tilespmem:s18], [sflag:$0x3], $0x40, s31, s14, $0xb8;
	[tilespmem:$0x10800] =	vst v63  }
0x4f: {  	_ =	swait.ge [sflag:s12], $0x2000  }
0x50: {  	[sflag:s12] =	ssyncset.done $0x0  }
0x51: {  	[sflag:s12] =	ssyncadd.s32 $0xFFFFE000  }
0x52: {  	[tilespmem:s18], [sflag:$0x2] =	stream.indirect.gather [hbm4b:s4+s14], $0x40, s21, s14, $0xb8;
	[tilespmem:$0x10800] =	vst v63  }
0x53: {  	_ =	swait.ge [sflag:s19], $0x2000  }
0x54: {  	[sflag:s19] =	ssyncset.done $0x0  }
0x55: {  	[sflag:s19] =	ssyncadd.s32 $0xFFFFE000  }
0x56: {  	[spmem:s2] =	stream.indirect.scatter.add.f32 [tilespmem:s15], [sflag:$0x3], $0x40, s22, s14, $0xb8;
	[tilespmem:$0x10800] =	vst v63  }
0x57: {  	_ =	swait.ge [sflag:s12], $0x2000  }
0x58: {  	[sflag:s12] =	ssyncset.done $0x0  }
0x59: {  	[sflag:s12] =	ssyncadd.s32 $0xFFFFE000  }
0x5a: {  	_ =	swait.ge [sflag:s20], $0x2000  }
0x5b: {  	[sflag:s20] =	ssyncset.done $0x0  }
0x5c: {  	[sflag:s20] =	ssyncadd.s32 $0xFFFFE000  }
0x5d: {  	[spmem:s2] =	stream.indirect.scatter.add.f32 [tilespmem:s18], [sflag:$0x3], $0x40, s23, s14, $0xb8;
	[tilespmem:$0x10800] =	vst v63  }
0x5e: {  	_ =	swait.ge [sflag:s12], $0x2000  }
0x5f: {  	[sflag:s12] =	ssyncset.done $0x0  }
0x60: {  	s26 =	simm.s32 $0x0;
	[sflag:s12] =	ssyncadd.s32 $0xFFFFE000  }
0x61: {  	[tilespmem:s26], [sflag:$0x3] =	stream.linear.gather [hbm4b:s7+s26], $0x1400, $0x38;
	[tilespmem:$0x10800] =	vst v63  }
0x62: {  	_ =	swait.ge [sflag:s12], $0x1400  }
0x63: {  	[sflag:s12] =	ssyncset.done $0x0  }
0x64: {  	[sflag:s12] =	ssyncadd.s32 $0xFFFFEC00  }
0x65: {  	[tilespmem:s13], [sflag:$0x3] =	stream.linear.gather [hbm4b:s8+s26], $0x1400, $0x38;
	[tilespmem:$0x10800] =	vst v63  }
0x66: {  	_ =	swait.ge [sflag:s12], $0x1400  }
0x67: {  	[sflag:s12] =	ssyncset.done $0x0  }
0x68: {  	[sflag:s12] =	ssyncadd.s32 $0xFFFFEC00  }
0x69: {  	[tilespmem:s15], [sflag:$0x1] =	stream.indirect.gather [hbm4b:s4+s14], $0x40, s26, s14, $0xb8;
	[tilespmem:$0x10800] =	vst v63  }
0x6a: {  	s28 =	simm.s32 $0x80  }
0x6b: {  	[tilespmem:s18], [sflag:$0x2] =	stream.indirect.gather [hbm4b:s4+s14], $0x40, s28, s14, $0xb8;
	[tilespmem:$0x10800] =	vst v63  }
0x6c: {  	_ =	swait.ge [sflag:s19], $0x2000  }
0x6d: {  	[sflag:s19] =	ssyncset.done $0x0  }
0x6e: {  	s29 =	simm.s32 $0x1400;
	[sflag:s19] =	ssyncadd.s32 $0xFFFFE000  }
0x6f: {  	[spmem:s2] =	stream.indirect.scatter.add.f32 [tilespmem:s15], [sflag:$0x3], $0x40, s29, s14, $0xb8;
	[tilespmem:$0x10800] =	vst v63  }
0x70: {  	_ =	swait.ge [sflag:s12], $0x2000  }
0x71: {  	[sflag:s12] =	ssyncset.done $0x0  }
0x72: {  	s30 =	simm.s32 $0x100;
	[sflag:s12] =	ssyncadd.s32 $0xFFFFE000  }
0x73: {  	[tilespmem:s15], [sflag:$0x1] =	stream.indirect.gather [hbm4b:s4+s14], $0x40, s30, s14, $0xb8;
	[tilespmem:$0x10800] =	vst v63  }
0x74: {  	_ =	swait.ge [sflag:s20], $0x2000  }
0x75: {  	[sflag:s20] =	ssyncset.done $0x0  }
0x76: {  	s31 =	simm.s32 $0x1480;
	[sflag:s20] =	ssyncadd.s32 $0xFFFFE000  }
0x77: {  	[spmem:s2] =	stream.indirect.scatter.add.f32 [tilespmem:s18], [sflag:$0x3], $0x40, s31, s14, $0xb8;
	[tilespmem:$0x10800] =	vst v63  }
0x78: {  	_ =	swait.ge [sflag:s12], $0x2000  }
0x79: {  	s25 =	simm.s32 $0x100;
	s26 =	simm.s32 $0x800;
	[sflag:s12] =	ssyncset.done $0x0  }
.LBB2_4:
0x7a: {  	s28 =	sadd.s32 $0x80, s25  }
0x7b: {  	[sflag:s12] =	ssyncadd.s32 $0xFFFFE000;
	s29 =	smov.u32 s26;
	s30 =	sadd.s32 $0x400, s26  }
0x7c: {  	[tilespmem:s18], [sflag:$0x2] =	stream.indirect.gather [hbm4b:s4+s14], $0x40, s28, s14, $0xb8;
	[tilespmem:$0x10800] =	vst v63  }
0x7d: {  	p0 =	sne.s32 s26, $0x4800;
	_ =	swait.ge [sflag:s19], $0x2000  }
0x7e: {  	[sflag:s19] =	ssyncset.done $0x0  }
0x7f: {  	s26 =	sadd.s32 $0x1400, s25;
	[sflag:s19] =	ssyncadd.s32 $0xFFFFE000  }
0x80: {  	[spmem:s2] =	stream.indirect.scatter.add.f32 [tilespmem:s15], [sflag:$0x3], $0x40, s26, s14, $0xb8;
	[tilespmem:$0x10800] =	vst v63  }
0x81: {  	_ =	swait.ge [sflag:s12], $0x2000  }
0x82: {  	[sflag:s12] =	ssyncset.done $0x0  }
0x83: {  	s26 =	sadd.s32 $0x100, s25;
	[sflag:s12] =	ssyncadd.s32 $0xFFFFE000  }
0x84: {  	[tilespmem:s15], [sflag:$0x1] =	stream.indirect.gather [hbm4b:s4+s14], $0x40, s26, s14, $0xb8;
	[tilespmem:$0x10800] =	vst v63  }
0x85: {  	_ =	swait.ge [sflag:s20], $0x2000  }
.Ltmp1:
0x86: {  	[sflag:s20] =	ssyncset.done $0x0;
	(pc) =	sbr.rel @p0 .LBB2_4-.Ltmp1, $4  }
0x87: {  	s25 =	sadd.s32 $0x1480, s25;
	[sflag:s20] =	ssyncadd.s32 $0xFFFFE000  }
0x88: {  	[spmem:s2] =	stream.indirect.scatter.add.f32 [tilespmem:s18], [sflag:$0x3], $0x40, s25, s14, $0xb8;
	[tilespmem:$0x10800] =	vst v63  }
0x89: {  	_ =	swait.ge [sflag:s12], $0x2000  }
0x8a: {  	s26 =	smov.u32 s30;
	s25 =	sshra.s32 s29, $0x2;
	[sflag:s12] =	ssyncset.done $0x0  }
0x8b: {  	s26 =	sadd.s32 $0x80, s25;
	[sflag:s12] =	ssyncadd.s32 $0xFFFFE000  }
0x8c: {  	[tilespmem:s18], [sflag:$0x2] =	stream.indirect.gather [hbm4b:s4+s14], $0x40, s26, s14, $0xb8;
	[tilespmem:$0x10800] =	vst v63  }
0x8d: {  	_ =	swait.ge [sflag:s19], $0x2000  }
0x8e: {  	[sflag:s19] =	ssyncset.done $0x0  }
0x8f: {  	s29 =	sadd.s32 $0x1400, s25;
	[sflag:s19] =	ssyncadd.s32 $0xFFFFE000  }
0x90: {  	[spmem:s2] =	stream.indirect.scatter.add.f32 [tilespmem:s15], [sflag:$0x3], $0x40, s29, s14, $0xb8;
	[tilespmem:$0x10800] =	vst v63  }
0x91: {  	_ =	swait.ge [sflag:s12], $0x2000  }
0x92: {  	[sflag:s12] =	ssyncset.done $0x0  }
0x93: {  	s30 =	sadd.s32 $0x100, s25;
	[sflag:s12] =	ssyncadd.s32 $0xFFFFE000  }
0x94: {  	[tilespmem:s15], [sflag:$0x1] =	stream.indirect.gather [hbm4b:s4+s14], $0x40, s30, s14, $0xb8;
	[tilespmem:$0x10800] =	vst v63  }
0x95: {  	_ =	swait.ge [sflag:s20], $0x2000  }
0x96: {  	[sflag:s20] =	ssyncset.done $0x0  }
0x97: {  	s31 =	sadd.s32 $0x1480, s25;
	[sflag:s20] =	ssyncadd.s32 $0xFFFFE000  }
0x98: {  	[spmem:s2] =	stream.indirect.scatter.add.f32 [tilespmem:s18], [sflag:$0x3], $0x40, s31, s14, $0xb8;
	[tilespmem:$0x10800] =	vst v63  }
0x99: {  	_ =	swait.ge [sflag:s12], $0x2000  }
0x9a: {  	[sflag:s12] =	ssyncset.done $0x0  }
0x9b: {  	[sflag:s12] =	ssyncadd.s32 $0xFFFFE000  }
0x9c: {  	[tilespmem:s18], [sflag:$0x2] =	stream.indirect.gather [hbm4b:s4+s14], $0x40, s21, s14, $0xb8;
	[tilespmem:$0x10800] =	vst v63  }
0x9d: {  	_ =	swait.ge [sflag:s19], $0x2000  }
0x9e: {  	[sflag:s19] =	ssyncset.done $0x0  }
0x9f: {  	[sflag:s19] =	ssyncadd.s32 $0xFFFFE000  }
0xa0: {  	[spmem:s2] =	stream.indirect.scatter.add.f32 [tilespmem:s15], [sflag:$0x3], $0x40, s22, s14, $0xb8;
	[tilespmem:$0x10800] =	vst v63  }
0xa1: {  	_ =	swait.ge [sflag:s12], $0x2000  }
0xa2: {  	[sflag:s12] =	ssyncset.done $0x0  }
0xa3: {  	[sflag:s12] =	ssyncadd.s32 $0xFFFFE000  }
0xa4: {  	_ =	swait.ge [sflag:s20], $0x2000  }
0xa5: {  	[sflag:s20] =	ssyncset.done $0x0  }
0xa6: {  	[sflag:s20] =	ssyncadd.s32 $0xFFFFE000  }
0xa7: {  	[spmem:s2] =	stream.indirect.scatter.add.f32 [tilespmem:s18], [sflag:$0x3], $0x40, s23, s14, $0xb8;
	[tilespmem:$0x10800] =	vst v63  }
0xa8: {  	_ =	swait.ge [sflag:s12], $0x2000  }
0xa9: {  	s24 =	sadd.s32 $0x1, s24;
	[sflag:s12] =	ssyncset.done $0x0  }
0xaa: {  	p0 =	sne.s32 s24, s10;
	[sflag:s12] =	ssyncadd.s32 $0xFFFFE000  }
.Ltmp2:
0xab: {  	[bflag:$0x0] =	sbarrier.arrive $0xFFFF;
	(pc) =	sbr.rel @p0 .LBB2_1-.Ltmp2, $4  }
0xac: {  	[hbm:s9], [sflag:s16] =	dma.local [spmem:s17], $0x1400  }
0xad: {  	_ =	swait.ge [sflag:s12], $0x1400  }
0xae: {  	[sflag:s12] =	ssyncset.done $0x0  }
0xaf: {  	[sflag:s12] =	ssyncadd.s32 $0xFFFFEC00  }
0xb0: {  	_ =	sfence.sel $0x180000  }
0xb1: {  	[bflag:$0x0] =	sbarrier.arrive $0xFFFF  }
0xb2: {  	p0 =	sne.s32 s0, $0x0;
	_ =	strace $0x90000050  }
0xb3: {  	s0 =	sadd.s32 @!p0 $0x100000, s1;
	[bflag:$0x2] =	sbarrier.arrive $0xFFFF  }
0xb4: {  	[sflag:s0] =	ssyncadd.tile.s32 @!p0 $0x1;
	_ =	shalt  }
.Lfunc_end2:
_tile_overlayer_lowered:
.L_overlay_start_2:
0xb5: {  	(tag) =	ssettag $0x2  }
0xb6: {  	s0 =	rddreg [dreg:$0x0];
	s2 =	stileid.u32  }
0xb7: {  	s1 =	rddreg [dreg:$0x1];
	p0 =	sne.s32 s2, $0x0  }
0xb8: {  	s3 =	rddreg [dreg:$0x2];
	[bflag:$0x3] =	sbarrier.arrive $0xFFFF;
	s2 =	simm.s32 @!p0 $0x1C03  }
0xb9: {  	[timem:s3], [sflag:s2] =	dma.local @!p0 [hbm:s0], s1  }
0xba: {  	s0 =	simm.s32 @!p0 $0x3  }
0xbb: {  	_ =	swait.ge @!p0 [sflag:s0], s1  }
0xbc: {  	s1 =	ssub.s32 @!p0 $0x0, s1;
	[sflag:s0] =	ssyncset.done @!p0 $0x0  }
0xbd: {  	[sflag:s0] =	ssyncadd.s32 @!p0 s1  }
0xbe: {  	[bflag:$0x3] =	sbarrier.arrive $0xFFFF  }
0xbf: {  	_ =	shalt  }

</sc_bundles>
